<compile_context>
chip_gen: v7x
topology: tpu7x:2x2x1
jax: 0.10.2.dev20260603
libtpu: 0.0.44.dev20260713+nightly
codegen_flags: <defaults>
</compile_context>

<pallas_src>
import functools

import jax
import jax.numpy as jnp
from jax.experimental import pallas as pl
from jax.experimental.pallas import tpu as pltpu

_R_MAX = 5.0
_P_CUT = 5.0
_AVG_NEIGH = 32.0
_NUM_BESSEL = 8
_NUM_SH = 16
_F = 32
_KF = _NUM_SH * _F

_CE = 1280
_BN = 200


def _bessel_j(r):
    n = jnp.arange(1, _NUM_BESSEL + 1, dtype=jnp.float32)
    rr = jnp.clip(r, 1e-6, None)[:, None]
    return jnp.sqrt(2.0 / _R_MAX) * jnp.sin(n * jnp.pi * rr / _R_MAX) / rr


def _cutoff_f(r):
    u = r / _R_MAX
    p = _P_CUT
    f = (1.0 - (p + 1.0) * (p + 2.0) / 2.0 * u ** p
         + p * (p + 2.0) * u ** (p + 1.0)
         - p * (p + 1.0) / 2.0 * u ** (p + 2.0))
    return jnp.where(u < 1.0, f, 0.0)


def _sph_f(vec):
    r = jnp.sqrt(jnp.sum(vec * vec, axis=-1, keepdims=True) + 1e-9)
    u = vec / r
    x, y, z = u[:, 0], u[:, 1], u[:, 2]
    s3, s5, s15 = jnp.sqrt(3.0), jnp.sqrt(5.0), jnp.sqrt(15.0)
    sh = [jnp.ones_like(x),
          s3 * x, s3 * y, s3 * z,
          s15 * x * y, s15 * y * z,
          s5 / 2.0 * (3.0 * z ** 2 - 1.0),
          s15 * x * z, s15 / 2.0 * (x ** 2 - y ** 2),
          jnp.sqrt(35.0 / 8.0) * (3.0 * x ** 2 - y ** 2) * y,
          jnp.sqrt(105.0) * x * y * z,
          jnp.sqrt(21.0 / 8.0) * y * (5.0 * z ** 2 - 1.0),
          jnp.sqrt(7.0) / 2.0 * z * (5.0 * z ** 2 - 3.0),
          jnp.sqrt(21.0 / 8.0) * x * (5.0 * z ** 2 - 1.0),
          jnp.sqrt(105.0) / 2.0 * (x ** 2 - y ** 2) * z,
          jnp.sqrt(35.0 / 8.0) * (x ** 2 - 3.0 * y ** 2) * x]
    return jnp.stack(sh, axis=-1)


def _build_worklist(row_ptr, n_windows, n_blocks, ce, bn):
    w = jnp.arange(n_windows, dtype=jnp.int32)
    s_w = row_ptr[w * bn]
    e_w = row_ptr[(w + 1) * bn]
    b_start = s_w // ce
    b_end = (e_w + ce - 1) // ce
    nb = jnp.maximum(b_end - b_start, 1).astype(jnp.int32)
    off = jnp.concatenate([jnp.zeros((1,), jnp.int32),
                           jnp.cumsum(nb).astype(jnp.int32)])
    total = off[-1]
    l_max = n_blocks + n_windows
    t = jnp.arange(l_max, dtype=jnp.int32)
    wt = jnp.clip(jnp.searchsorted(off, t, side="right").astype(jnp.int32) - 1,
                  0, n_windows - 1)
    eb = jnp.clip(b_start[wt] + (t - off[wt]), 0, n_blocks - 1)
    ow = wt
    s_t = jnp.maximum(s_w[wt], eb * ce)
    e_t = jnp.minimum(e_w[wt], (eb + 1) * ce)
    valid = t < total
    s_t = jnp.where(valid, s_t, 0)
    e_t = jnp.where(valid, e_t, 0)
    ones = jnp.ones((1,), jnp.bool_)
    init_f = jnp.concatenate([ones, ow[1:] != ow[:-1]]).astype(jnp.int32)
    init_b = jnp.concatenate([ones, eb[1:] != eb[:-1]]).astype(jnp.int32)
    return eb, ow, s_t, e_t, init_f, init_b


def _dsilu(z):
    s = jax.nn.sigmoid(z)
    return s * (1.0 + z * (1.0 - s))


def _onehot(eb, ow, s, e, recv_r, bn, ce):
    recv = recv_r[0]
    base = eb * ce
    ids = base + jax.lax.broadcasted_iota(jnp.int32, (1, ce), 1)
    mask = (ids >= s) & (ids < e)
    local = recv - ow * bn
    rows = jax.lax.broadcasted_iota(jnp.int32, (bn, ce), 0)
    return ((rows == local) & mask).astype(jnp.float32)


_BF = jnp.bfloat16


def _mlp_fwd(ef, w1, b1, w2, b2, w3, b3, w4):
    z1 = jnp.dot(ef.astype(_BF), w1, preferred_element_type=jnp.float32) + b1[0:1, :]
    h1 = z1 * jax.nn.sigmoid(z1)
    z2 = jnp.dot(h1.astype(_BF), w2, preferred_element_type=jnp.float32) + b2[0:1, :]
    h2 = z2 * jax.nn.sigmoid(z2)
    z3 = jnp.dot(h2.astype(_BF), w3, preferred_element_type=jnp.float32) + b3[0:1, :]
    h3 = z3 * jax.nn.sigmoid(z3)
    w = jnp.dot(h3.astype(_BF), w4, preferred_element_type=jnp.float32)
    return z1, h1, z2, h2, z3, h3, w


def _fwd_body(eb_r, ow_r, s_r, e_r, initf_r, initb_r,
              ef_r, sh_r, upg_r, recv_r,
              w1_r, b1_r, w2_r, b2_r, w3_r, b3_r, w4_r, rm_r, tm_r,
              out_r):
    t = pl.program_id(0)
    eb = eb_r[t]
    ow = ow_r[t]
    s = s_r[t]
    e = e_r[t]
    init = initf_r[t]
    _, _, _, _, _, _, w = _mlp_fwd(ef_r[...], w1_r[...], b1_r[...], w2_r[...],
                                   b2_r[...], w3_r[...], b3_r[...], w4_r[...])
    sh_e = jnp.dot(sh_r[...].astype(_BF), rm_r[...],
                   preferred_element_type=jnp.float32)
    up_t = jnp.dot(upg_r[...].astype(_BF), tm_r[...],
                   preferred_element_type=jnp.float32)
    msg = (w * sh_e * up_t).astype(_BF)
    oh = _onehot(eb, ow, s, e, recv_r, _BN, _CE).astype(_BF)
    contrib = jnp.dot(oh, msg, preferred_element_type=jnp.float32)

    @pl.when(init == 1)
    def _():
        out_r[...] = contrib

    @pl.when(init == 0)
    def _():
        out_r[...] += contrib


def _bwd_body(eb_r, ow_r, s_r, e_r, initf_r, initb_r,
              ef_r, sh_r, upg_r, recv_r, gagg_r,
              w1_r, b1_r, w2_r, b2_r, w3_r, b3_r, w4_r, rm_r, tm_r,
              gef_r, gsh_r, gupg_r):
    t = pl.program_id(0)
    eb = eb_r[t]
    ow = ow_r[t]
    s = s_r[t]
    e = e_r[t]
    init = initb_r[t]
    z1, h1, z2, h2, z3, h3, w = _mlp_fwd(
        ef_r[...], w1_r[...], b1_r[...], w2_r[...], b2_r[...], w3_r[...],
        b3_r[...], w4_r[...])
    rm = rm_r[...]
    tm = tm_r[...]
    sh_e = jnp.dot(sh_r[...].astype(_BF), rm,
                   preferred_element_type=jnp.float32)
    up_t = jnp.dot(upg_r[...].astype(_BF), tm,
                   preferred_element_type=jnp.float32)
    oh = _onehot(eb, ow, s, e, recv_r, _BN, _CE).astype(_BF)
    dn_c0 = (((0,), (0,)), ((), ()))
    dn_c1 = (((1,), (1,)), ((), ()))
    g_msg = jax.lax.dot_general(oh, gagg_r[...].astype(_BF), dn_c0,
                                preferred_element_type=jnp.float32)
    g_w = (g_msg * sh_e * up_t).astype(_BF)
    g_sh = jax.lax.dot_general((g_msg * w * up_t).astype(_BF), rm, dn_c1,
                               preferred_element_type=jnp.float32)
    g_upg = jax.lax.dot_general((g_msg * w * sh_e).astype(_BF), tm, dn_c1,
                                preferred_element_type=jnp.float32)
    g_h3 = jax.lax.dot_general(g_w, w4_r[...], dn_c1,
                               preferred_element_type=jnp.float32)
    g_z3 = g_h3 * _dsilu(z3)
    g_h2 = jax.lax.dot_general(g_z3.astype(_BF), w3_r[...], dn_c1,
                               preferred_element_type=jnp.float32)
    g_z2 = g_h2 * _dsilu(z2)
    g_h1 = jax.lax.dot_general(g_z2.astype(_BF), w2_r[...], dn_c1,
                               preferred_element_type=jnp.float32)
    g_z1 = g_h1 * _dsilu(z1)
    g_ef = jax.lax.dot_general(g_z1.astype(_BF), w1_r[...], dn_c1,
                               preferred_element_type=jnp.float32)

    @pl.when(init == 1)
    def _():
        gef_r[...] = g_ef
        gsh_r[...] = g_sh
        gupg_r[...] = g_upg

    @pl.when(init == 0)
    def _():
        gef_r[...] += g_ef
        gsh_r[...] += g_sh
        gupg_r[...] += g_upg


def _segsum_body(eb_r, ow_r, s_r, e_r, initf_r, initb_r,
                 vals_r, idx_r, out_r):
    t = pl.program_id(0)
    oh = _onehot(eb_r[t], ow_r[t], s_r[t], e_r[t], idx_r, _BN, _CE)
    contrib = jnp.dot(oh, vals_r[...], preferred_element_type=jnp.float32)

    @pl.when(initf_r[t] == 1)
    def _():
        out_r[...] = contrib

    @pl.when(initf_r[t] == 0)
    def _():
        out_r[...] += contrib


def _segsum2_body(eb_r, ow_r, s_r, e_r, initf_r, initb_r,
                  eb2_r, ow2_r, s2_r, e2_r, initf2_r, initb2_r,
                  va_r, ia_r, vb_r, ib_r, outa_r, outb_r):
    t = pl.program_id(0)
    oha = _onehot(eb_r[t], ow_r[t], s_r[t], e_r[t], ia_r, _BN, _CE)
    ca = jnp.dot(oha, va_r[...], preferred_element_type=jnp.float32)
    ohb = _onehot(eb2_r[t], ow2_r[t], s2_r[t], e2_r[t], ib_r, _BN, _CE)
    cb = jnp.dot(ohb, vb_r[...], preferred_element_type=jnp.float32)

    @pl.when(initf_r[t] == 1)
    def _():
        outa_r[...] = ca

    @pl.when(initf_r[t] == 0)
    def _():
        outa_r[...] += ca

    @pl.when(initf2_r[t] == 1)
    def _():
        outb_r[...] = cb

    @pl.when(initf2_r[t] == 0)
    def _():
        outb_r[...] += cb


def _seg_sum2(vals_a, idx3_a, vals_b, idx3_b, wl, wl2, n_nodes, l_max):
    c = vals_a.shape[1]
    p12 = 12 * (None,)

    def _es(j):
        return pl.BlockSpec((_CE, c), lambda t, *pf, _j=j: (pf[_j][t], 0))

    def _is(j):
        return pl.BlockSpec((1, 1, _CE), lambda t, *pf, _j=j: (pf[_j][t], 0, 0))

    def _os(j):
        return pl.BlockSpec((_BN, c), lambda t, *pf, _j=j: (pf[_j][t], 0))

    grid_spec = pltpu.PrefetchScalarGridSpec(
        num_scalar_prefetch=12,
        grid=(l_max,),
        in_specs=[_es(0), _is(0), _es(6), _is(6)],
        out_specs=(_os(1), _os(7)),
    )
    return pl.pallas_call(
        _segsum2_body, grid_spec=grid_spec,
        out_shape=(jax.ShapeDtypeStruct((n_nodes, c), jnp.float32),
                   jax.ShapeDtypeStruct((n_nodes, c), jnp.float32)),
    )(*wl, *wl2, vals_a, idx3_a, vals_b, idx3_b)


def _edge_spec(c):
    return pl.BlockSpec((_CE, c), lambda t, eb, ow, s, e, i_f, i_b: (eb[t], 0))


def _idx_spec():
    return pl.BlockSpec((1, 1, _CE),
                        lambda t, eb, ow, s, e, i_f, i_b: (eb[t], 0, 0))


def _win_spec():
    return pl.BlockSpec((_BN, _KF), lambda t, eb, ow, s, e, i_f, i_b: (ow[t], 0))


def _full_spec(shape):
    nd = len(shape)
    return pl.BlockSpec(shape, lambda t, eb, ow, s, e, i_f, i_b: (0,) * nd)


def _layer_weights(p, i):
    w1 = p[f"Wr1_{i}"].astype(_BF)
    w2 = p[f"Wr2_{i}"].astype(_BF)
    w3 = p[f"Wr3_{i}"].astype(_BF)
    w4 = p[f"Wr4_{i}"].astype(_BF)
    b1 = jnp.tile(p[f"br1_{i}"].reshape(1, -1), (8, 1))
    b2 = jnp.tile(p[f"br2_{i}"].reshape(1, -1), (8, 1))
    b3 = jnp.tile(p[f"br3_{i}"].reshape(1, -1), (8, 1))
    k = jnp.arange(_KF, dtype=jnp.int32)
    rm = (jnp.arange(_NUM_SH, dtype=jnp.int32)[:, None] == (k // _F)[None, :]
          ).astype(_BF)
    tm = (jnp.arange(_F, dtype=jnp.int32)[:, None] == (k % _F)[None, :]
          ).astype(_BF)
    return w1, b1, w2, b2, w3, b3, w4, rm, tm


def _fused_fwd(ef, sh, upg, recv3, wl, wts, n_nodes, l_max):
    w1, b1, w2, b2, w3, b3, w4, rm, tm = wts
    grid_spec = pltpu.PrefetchScalarGridSpec(
        num_scalar_prefetch=6,
        grid=(l_max,),
        in_specs=[
            _edge_spec(_NUM_BESSEL), _edge_spec(_NUM_SH), _edge_spec(_F),
            _idx_spec(),
            _full_spec(w1.shape), _full_spec(b1.shape),
            _full_spec(w2.shape), _full_spec(b2.shape),
            _full_spec(w3.shape), _full_spec(b3.shape),
            _full_spec(w4.shape), _full_spec(rm.shape), _full_spec(tm.shape),
        ],
        out_specs=_win_spec(),
    )
    return pl.pallas_call(
        _fwd_body, grid_spec=grid_spec,
        out_shape=jax.ShapeDtypeStruct((n_nodes, _KF), jnp.float32),
    )(*wl, ef, sh, upg, recv3, w1, b1, w2, b2, w3, b3, w4, rm, tm)


def _fused_bwd(gagg, ef, sh, upg, recv3, wl, wts, n_edges, l_max):
    w1, b1, w2, b2, w3, b3, w4, rm, tm = wts
    grid_spec = pltpu.PrefetchScalarGridSpec(
        num_scalar_prefetch=6,
        grid=(l_max,),
        in_specs=[
            _edge_spec(_NUM_BESSEL), _edge_spec(_NUM_SH), _edge_spec(_F),
            _idx_spec(), _win_spec(),
            _full_spec(w1.shape), _full_spec(b1.shape),
            _full_spec(w2.shape), _full_spec(b2.shape),
            _full_spec(w3.shape), _full_spec(b3.shape),
            _full_spec(w4.shape), _full_spec(rm.shape), _full_spec(tm.shape),
        ],
        out_specs=(_edge_spec(_NUM_BESSEL), _edge_spec(_NUM_SH),
                   _edge_spec(_F)),
    )
    return pl.pallas_call(
        _bwd_body, grid_spec=grid_spec,
        out_shape=(
            jax.ShapeDtypeStruct((n_edges, _NUM_BESSEL), jnp.float32),
            jax.ShapeDtypeStruct((n_edges, _NUM_SH), jnp.float32),
            jax.ShapeDtypeStruct((n_edges, _F), jnp.float32),
        ),
    )(*wl, ef, sh, upg, recv3, gagg, w1, b1, w2, b2, w3, b3, w4, rm, tm)


def _seg_sum(vals, idx3, wl, n_nodes, l_max):
    c = vals.shape[1]
    grid_spec = pltpu.PrefetchScalarGridSpec(
        num_scalar_prefetch=6,
        grid=(l_max,),
        in_specs=[_edge_spec(c), _idx_spec()],
        out_specs=pl.BlockSpec((_BN, c),
                               lambda t, eb, ow, s, e, i_f, i_b: (ow[t], 0)),
    )
    return pl.pallas_call(
        _segsum_body, grid_spec=grid_spec,
        out_shape=jax.ShapeDtypeStruct((n_nodes, c), jnp.float32),
    )(*wl, vals, idx3)


def kernel(node_attrs, positions, edge_index, shifts, unit_shifts, cell,
           batch, ptr, params):
    p = params
    n = positions.shape[0]
    n_edges = edge_index.shape[1]
    ngraph = cell.shape[0]
    per = n // ngraph
    nb = n_edges // _CE
    nw = n // _BN
    l_max = nb + nw

    src = edge_index[0]
    dst = edge_index[1]
    ar_e = jnp.arange(n_edges, dtype=jnp.int32)
    _, perm = jax.lax.sort_key_val(dst, ar_e)
    snd_s = src[perm]
    recv_s = dst[perm]
    shifts_s = shifts[perm]
    node_ids = jnp.arange(n + 1, dtype=jnp.int32)
    row_ptr = jnp.searchsorted(recv_s, node_ids, side="left").astype(jnp.int32)
    wl = _build_worklist(row_ptr, nw, nb, _CE, _BN)
    _, perm2 = jax.lax.sort_key_val(snd_s, ar_e)
    snd_ss = snd_s[perm2]
    row_ptr2 = jnp.searchsorted(snd_ss, node_ids, side="left").astype(jnp.int32)
    wl2 = _build_worklist(row_ptr2, nw, nb, _CE, _BN)
    recv3 = recv_s.reshape(nb, 1, _CE)
    snd3 = snd_ss.reshape(nb, 1, _CE)

    vec_s = positions[recv_s] - positions[snd_s] + shifts_s

    def edge_feats(v):
        rr = jnp.sqrt(jnp.sum(v * v, axis=-1) + 1e-9)
        return _bessel_j(rr) * _cutoff_f(rr)[:, None], _sph_f(v)

    (ef_s, sh_s), geo_vjp = jax.vjp(edge_feats, vec_s)

    feats0 = node_attrs @ p["W_embed"]
    node_e0 = node_attrs @ p["atomic_energies"]
    e0 = node_e0.reshape(ngraph, per).sum(1)

    wts0 = _layer_weights(p, 0)
    wts1 = _layer_weights(p, 1)

    up0 = feats0 @ p["Wup_0"]
    upg0 = up0[snd_s]
    agg0_raw = _fused_fwd(ef_s, sh_s, upg0, recv3, wl, wts0, n, l_max)

    w2n0 = node_attrs @ p["W2_0"]
    w3n0 = node_attrs @ p["W3_0"]
    sc0 = jnp.einsum("ne,nf,efg->ng", node_attrs, feats0, p["Wsc_0"])

    def node0(agg_raw):
        agg = agg_raw.reshape(n, _NUM_SH, _F) / _AVG_NEIGH
        aggm = jnp.einsum("nkf,fg->nkg", agg, p["Wmix_0"])
        scal = (aggm[:, 0, :] + w2n0 * jnp.sum(aggm * aggm, axis=1)
                + w3n0 * jnp.sum(aggm ** 3, axis=1))
        return scal @ p["Wprod_0"] + sc0

    feats1, pb0 = jax.vjp(node0, agg0_raw)

    up1 = feats1 @ p["Wup_1"]
    upg1 = up1[snd_s]
    agg1_raw = _fused_fwd(ef_s, sh_s, upg1, recv3, wl, wts1, n, l_max)

    w2n1 = node_attrs @ p["W2_1"]
    w3n1 = node_attrs @ p["W3_1"]

    def node1(agg_raw, f1):
        agg = agg_raw.reshape(n, _NUM_SH, _F) / _AVG_NEIGH
        aggm = jnp.einsum("nkf,fg->nkg", agg, p["Wmix_1"])
        scal = (aggm[:, 0, :] + w2n1 * jnp.sum(aggm * aggm, axis=1)
                + w3n1 * jnp.sum(aggm ** 3, axis=1))
        sc1 = jnp.einsum("ne,nf,efg->ng", node_attrs, f1, p["Wsc_1"])
        f2 = scal @ p["Wprod_1"] + sc1
        ne2v = jax.nn.silu(f2 @ p["Wm1"] + p["bm1"]) @ p["Wm2"]
        return jnp.sum(ne2v), (f2, ne2v)

    _s2, pb1, (feats2, ne2) = jax.vjp(node1, agg1_raw, feats1, has_aux=True)

    ne1 = feats1 @ p["w_ro0"]
    e1 = ne1.reshape(ngraph, per).sum(1)
    e2 = ne2.reshape(ngraph, per).sum(1)
    contributions = jnp.stack([e0, e1, e2], axis=-1)
    total = jnp.sum(contributions, axis=-1)
    node_energy = node_e0 + ne1 + ne2
    node_feats_out = jnp.concatenate([feats1, feats2], axis=-1)

    g_agg1_raw, g_feats1_a = pb1(jnp.float32(1.0))
    g_ef1, g_sh1, g_upg1 = _fused_bwd(g_agg1_raw, ef_s, sh_s, upg1, recv3, wl,
                                      wts1, n_edges, l_max)
    g_up1 = _seg_sum(g_upg1[perm2], snd3, wl2, n, l_max)
    g_feats1 = g_feats1_a + p["w_ro0"][None, :] + g_up1 @ p["Wup_1"].T
    g_agg0_raw, = pb0(g_feats1)
    g_ef0, g_sh0, _ = _fused_bwd(g_agg0_raw, ef_s, sh_s, upg0, recv3, wl,
                                 wts0, n_edges, l_max)
    g_vec, = geo_vjp((g_ef0 + g_ef1, g_sh0 + g_sh1))
    gp_recv, gp_snd = _seg_sum2(g_vec, recv3, g_vec[perm2], snd3,
                                wl, wl2, n, l_max)
    g_pos = gp_recv - gp_snd
    forces = -g_pos
    return total, node_energy, contributions, forces, node_feats_out

# --- scband reference (transcript-rebuilt; emitter-appended) ---
"""Pipeline reference for scband-mace-60559038874213 (READ-ONLY COPY).

The authoritative reference and input builder live on the scoring server;
editing this copy changes nothing except your own understanding.
"""

import jax, jax.numpy as jnp
import numpy as np

N = 10000
E = 320000
NUM_ELEM = 10
F = 32
NUM_SH = 16
NUM_BESSEL = 8
R_MAX = 5.0
P_CUT = 5.0
AVG_NEIGH = 32.0
NGRAPH = 16
NUM_INTER = 2


def _bessel(r):
    n = jnp.arange(1, NUM_BESSEL + 1, dtype=jnp.float32)
    rr = jnp.clip(r, 1e-6, None)[:, None]
    return jnp.sqrt(2.0 / R_MAX) * jnp.sin(n * jnp.pi * rr / R_MAX) / rr


def _cutoff(r):
    u = r / R_MAX
    p = P_CUT
    f = (1.0 - (p + 1.0) * (p + 2.0) / 2.0 * u ** p
         + p * (p + 2.0) * u ** (p + 1.0)
         - p * (p + 1.0) / 2.0 * u ** (p + 2.0))
    return jnp.where(u < 1.0, f, 0.0)


def _sph(vec):
    r = jnp.sqrt(jnp.sum(vec * vec, axis=-1, keepdims=True) + 1e-9)
    u = vec / r
    x, y, z = u[:, 0], u[:, 1], u[:, 2]
    s3, s5, s15 = jnp.sqrt(3.0), jnp.sqrt(5.0), jnp.sqrt(15.0)
    sh = [jnp.ones_like(x),
          s3 * x, s3 * y, s3 * z,
          s15 * x * y, s15 * y * z,
          s5 / 2.0 * (3.0 * z ** 2 - 1.0),
          s15 * x * z, s15 / 2.0 * (x ** 2 - y ** 2),
          jnp.sqrt(35.0 / 8.0) * (3.0 * x ** 2 - y ** 2) * y,
          jnp.sqrt(105.0) * x * y * z,
          jnp.sqrt(21.0 / 8.0) * y * (5.0 * z ** 2 - 1.0),
          jnp.sqrt(7.0) / 2.0 * z * (5.0 * z ** 2 - 3.0),
          jnp.sqrt(21.0 / 8.0) * x * (5.0 * z ** 2 - 1.0),
          jnp.sqrt(105.0) / 2.0 * (x ** 2 - y ** 2) * z,
          jnp.sqrt(35.0 / 8.0) * (x ** 2 - 3.0 * y ** 2) * x]
    return jnp.stack(sh, axis=-1)


def _radial_mlp(ef, p, i):
    h = jax.nn.silu(ef @ p[f"Wr1_{i}"] + p[f"br1_{i}"])
    h = jax.nn.silu(h @ p[f"Wr2_{i}"] + p[f"br2_{i}"])
    h = jax.nn.silu(h @ p[f"Wr3_{i}"] + p[f"br3_{i}"])
    return h @ p[f"Wr4_{i}"]


def setup_inputs(seed: int = 0):
    key = jax.random.key(seed)
    ks = jax.random.split(key, 40)
    positions = jax.random.uniform(ks[0], (N, 3), dtype=jnp.float32) * 30.0
    species = jax.random.randint(ks[1], (N,), 0, NUM_ELEM)
    node_attrs = jax.nn.one_hot(species, NUM_ELEM, dtype=jnp.float32)
    src = jax.random.randint(ks[2], (E,), 0, N)
    off = jax.random.randint(ks[3], (E,), 1, N)
    dst = (src + off) % N
    edge_index = jnp.stack([src, dst], axis=0).astype(jnp.int32)
    shifts = jnp.zeros((E, 3), jnp.float32)
    unit_shifts = jnp.zeros((E, 3), jnp.float32)
    cell = jnp.tile(jnp.eye(3, dtype=jnp.float32)[None] * 30.0, (NGRAPH, 1, 1))
    per = N // NGRAPH
    batch = jnp.repeat(jnp.arange(NGRAPH, dtype=jnp.int32), per)
    ptr = jnp.arange(0, N + per, per, dtype=jnp.int32)
    def nrm(shape, k):
        return jax.random.normal(k, shape, dtype=jnp.float32) * 0.1
    p = {}
    p["W_embed"] = nrm((NUM_ELEM, F), ks[4])
    p["atomic_energies"] = nrm((NUM_ELEM,), ks[5])
    idx = 6
    for i in range(NUM_INTER):
        p[f"Wup_{i}"] = nrm((F, F), ks[idx]); idx += 1
        p[f"Wr1_{i}"] = nrm((NUM_BESSEL, 64), ks[idx]); idx += 1
        p[f"br1_{i}"] = jnp.zeros((64,), jnp.float32)
        p[f"Wr2_{i}"] = nrm((64, 64), ks[idx]); idx += 1
        p[f"br2_{i}"] = jnp.zeros((64,), jnp.float32)
        p[f"Wr3_{i}"] = nrm((64, 64), ks[idx]); idx += 1
        p[f"br3_{i}"] = jnp.zeros((64,), jnp.float32)
        p[f"Wr4_{i}"] = nrm((64, NUM_SH * F), ks[idx]); idx += 1
        p[f"Wmix_{i}"] = nrm((F, F), ks[idx]); idx += 1
        p[f"Wsc_{i}"] = nrm((NUM_ELEM, F, F), ks[idx]); idx += 1
        p[f"W2_{i}"] = nrm((NUM_ELEM, F), ks[idx]); idx += 1
        p[f"W3_{i}"] = nrm((NUM_ELEM, F), ks[idx]); idx += 1
        p[f"Wprod_{i}"] = nrm((F, F), ks[idx]); idx += 1
    p["w_ro0"] = nrm((F,), ks[idx]); idx += 1
    p["Wm1"] = nrm((F, 16), ks[idx]); idx += 1
    p["bm1"] = jnp.zeros((16,), jnp.float32)
    p["Wm2"] = nrm((16,), ks[idx]); idx += 1
    return {"node_attrs": node_attrs, "positions": positions, "edge_index": edge_index,
            "shifts": shifts, "unit_shifts": unit_shifts, "cell": cell,
            "batch": batch, "ptr": ptr, "params": p}


def _energy(node_attrs, positions, shifts, params, edge_index, batch):
    sender = edge_index[0]
    receiver = edge_index[1]
    node_e0 = node_attrs @ params["atomic_energies"]
    e0 = jax.ops.segment_sum(node_e0, batch, num_segments=NGRAPH)
    feats = node_attrs @ params["W_embed"]
    vec = positions[receiver] - positions[sender] + shifts
    r = jnp.sqrt(jnp.sum(vec * vec, axis=-1) + 1e-9)
    sh = _sph(vec)
    ef = _bessel(r) * _cutoff(r)[:, None]
    energies = [e0]
    node_energies = [node_e0]
    feats_list = []
    for i in range(NUM_INTER):
        up = feats @ params[f"Wup_{i}"]
        w = _radial_mlp(ef, params, i).reshape(-1, NUM_SH, F)
        msg = w * sh[:, :, None] * up[sender][:, None, :]
        agg = jax.ops.segment_sum(msg, receiver, num_segments=N) / AVG_NEIGH
        agg = jnp.einsum("nkf,fg->nkg", agg, params[f"Wmix_{i}"])
        sc = jnp.einsum("ne,nf,efg->ng", node_attrs, feats, params[f"Wsc_{i}"])
        w2 = node_attrs @ params[f"W2_{i}"]
        w3 = node_attrs @ params[f"W3_{i}"]
        scal = agg[:, 0, :] + w2 * jnp.sum(agg * agg, axis=1) + w3 * jnp.sum(agg ** 3, axis=1)
        feats = scal @ params[f"Wprod_{i}"] + sc
        feats_list.append(feats)
        if i < NUM_INTER - 1:
            ne = feats @ params["w_ro0"]
        else:
            ne = jax.nn.silu(feats @ params["Wm1"] + params["bm1"]) @ params["Wm2"]
        node_energies.append(ne)
        energies.append(jax.ops.segment_sum(ne, batch, num_segments=NGRAPH))
    contributions = jnp.stack(energies, axis=-1)
    total = jnp.sum(contributions, axis=-1)
    node_energy = jnp.sum(jnp.stack(node_energies, axis=-1), axis=-1)
    node_feats_out = jnp.concatenate(feats_list, axis=-1)
    return total, (node_energy, contributions, node_feats_out)


def reference(node_attrs, positions, edge_index, shifts, unit_shifts, cell, batch, ptr, params):
    total, aux = _energy(node_attrs, positions, shifts, params, edge_index, batch)
    def e_fn(pos):
        return jnp.sum(_energy(node_attrs, pos, shifts, params, edge_index, batch)[0])
    forces = -jax.grad(e_fn)(positions)
    node_energy, contributions, node_feats_out = aux
    return total, node_energy, contributions, forces, node_feats_out

if __name__ == "__main__":
    import jax
    _d = setup_inputs()
    print(jax.jit(kernel)(*tuple(_d.values())))

</pallas_src>

<mosaic_0001>
module attributes {stable_mosaic.version = 14 : i64} {
  func.func @_fwd_body(%arg0: i32, %arg1: memref<300xi32, #tpu.memory_space<smem>>, %arg2: memref<300xi32, #tpu.memory_space<smem>>, %arg3: memref<300xi32, #tpu.memory_space<smem>>, %arg4: memref<300xi32, #tpu.memory_space<smem>>, %arg5: memref<300xi32, #tpu.memory_space<smem>>, %arg6: memref<300xi32, #tpu.memory_space<smem>>, %arg7: memref<1280x8xf32, #tpu.memory_space<vmem>>, %arg8: memref<1280x16xf32, #tpu.memory_space<vmem>>, %arg9: memref<1280x32xf32, #tpu.memory_space<vmem>>, %arg10: memref<1x1x1280xi32, #tpu.memory_space<vmem>>, %arg11: memref<8x64xbf16, #tpu.memory_space<vmem>>, %arg12: memref<8x64xf32, #tpu.memory_space<vmem>>, %arg13: memref<64x64xbf16, #tpu.memory_space<vmem>>, %arg14: memref<8x64xf32, #tpu.memory_space<vmem>>, %arg15: memref<64x64xbf16, #tpu.memory_space<vmem>>, %arg16: memref<8x64xf32, #tpu.memory_space<vmem>>, %arg17: memref<64x512xbf16, #tpu.memory_space<vmem>>, %arg18: memref<16x512xbf16, #tpu.memory_space<vmem>>, %arg19: memref<32x512xbf16, #tpu.memory_space<vmem>>, %arg20: memref<200x512xf32, #tpu.memory_space<vmem>>) attributes {dimension_semantics = [#tpu.dimension_semantics<arbitrary>], iteration_bounds = array<i64: 300>, scalar_prefetch = 6 : i64, scratch_operands = 0 : i64, tpu.core_type = #tpu.core_type<tc>, window_params = [{transform_indices = @transform_0, window_bounds = array<i64: 1280, 8>}, {transform_indices = @transform_1, window_bounds = array<i64: 1280, 16>}, {transform_indices = @transform_2, window_bounds = array<i64: 1280, 32>}, {transform_indices = @transform_3, window_bounds = array<i64: 1, 1, 1280>}, {pipeline_mode = #tpu.pipeline_mode<synchronous>, transform_indices = @transform_4, window_bounds = array<i64: 8, 64>}, {pipeline_mode = #tpu.pipeline_mode<synchronous>, transform_indices = @transform_5, window_bounds = array<i64: 8, 64>}, {pipeline_mode = #tpu.pipeline_mode<synchronous>, transform_indices = @transform_6, window_bounds = array<i64: 64, 64>}, {pipeline_mode = #tpu.pipeline_mode<synchronous>, transform_indices = @transform_7, window_bounds = array<i64: 8, 64>}, {pipeline_mode = #tpu.pipeline_mode<synchronous>, transform_indices = @transform_8, window_bounds = array<i64: 64, 64>}, {pipeline_mode = #tpu.pipeline_mode<synchronous>, transform_indices = @transform_9, window_bounds = array<i64: 8, 64>}, {pipeline_mode = #tpu.pipeline_mode<synchronous>, transform_indices = @transform_10, window_bounds = array<i64: 64, 512>}, {pipeline_mode = #tpu.pipeline_mode<synchronous>, transform_indices = @transform_11, window_bounds = array<i64: 16, 512>}, {pipeline_mode = #tpu.pipeline_mode<synchronous>, transform_indices = @transform_12, window_bounds = array<i64: 32, 512>}, {transform_indices = @transform_13, window_bounds = array<i64: 200, 512>}]} {
    %get3A = arith.index_cast %arg0 : i32 to index
    %get3A_0 = memref.load %arg1[%get3A] : memref<300xi32, #tpu.memory_space<smem>>
    %get3A_1 = arith.index_cast %arg0 : i32 to index
    %get3A_2 = memref.load %arg2[%get3A_1] : memref<300xi32, #tpu.memory_space<smem>>
    %get3A_3 = arith.index_cast %arg0 : i32 to index
    %get3A_4 = memref.load %arg3[%get3A_3] : memref<300xi32, #tpu.memory_space<smem>>
    %get3A_5 = arith.index_cast %arg0 : i32 to index
    %get3A_6 = memref.load %arg4[%get3A_5] : memref<300xi32, #tpu.memory_space<smem>>
    %get3A_7 = arith.index_cast %arg0 : i32 to index
    %get3A_8 = memref.load %arg5[%get3A_7] : memref<300xi32, #tpu.memory_space<smem>>
    %get3A_9 = arith.constant 0 : index
    %get3A_10 = arith.constant 0 : index
    %get3A_11 = vector.load %arg7[%get3A_9, %get3A_10] : memref<1280x8xf32, #tpu.memory_space<vmem>>, vector<1280x8xf32>
    %get3A_12 = arith.constant 0 : index
    %get3A_13 = arith.constant 0 : index
    %get3A_14 = vector.load %arg11[%get3A_12, %get3A_13] : memref<8x64xbf16, #tpu.memory_space<vmem>>, vector<8x64xbf16>
    %get3A_15 = arith.constant 0 : index
    %get3A_16 = arith.constant 0 : index
    %get3A_17 = vector.load %arg12[%get3A_15, %get3A_16] : memref<8x64xf32, #tpu.memory_space<vmem>>, vector<8x64xf32>
    %get3A_18 = arith.constant 0 : index
    %get3A_19 = arith.constant 0 : index
    %get3A_20 = vector.load %arg13[%get3A_18, %get3A_19] : memref<64x64xbf16, #tpu.memory_space<vmem>>, vector<64x64xbf16>
    %get3A_21 = arith.constant 0 : index
    %get3A_22 = arith.constant 0 : index
    %get3A_23 = vector.load %arg14[%get3A_21, %get3A_22] : memref<8x64xf32, #tpu.memory_space<vmem>>, vector<8x64xf32>
    %get3A_24 = arith.constant 0 : index
    %get3A_25 = arith.constant 0 : index
    %get3A_26 = vector.load %arg15[%get3A_24, %get3A_25] : memref<64x64xbf16, #tpu.memory_space<vmem>>, vector<64x64xbf16>
    %get3A_27 = arith.constant 0 : index
    %get3A_28 = arith.constant 0 : index
    %get3A_29 = vector.load %arg16[%get3A_27, %get3A_28] : memref<8x64xf32, #tpu.memory_space<vmem>>, vector<8x64xf32>
    %get3A_30 = arith.constant 0 : index
    %get3A_31 = arith.constant 0 : index
    %get3A_32 = vector.load %arg17[%get3A_30, %get3A_31] : memref<64x512xbf16, #tpu.memory_space<vmem>>, vector<64x512xbf16>
    %convert_element_type3A = arith.truncf %get3A_11 : vector<1280x8xf32> to vector<1280x8xbf16>
    %dot_general3A = arith.constant dense<0.000000e+00> : vector<1280x64xf32>
    %dot_general3A_33 = tpu.matmul %convert_element_type3A, %get3A_14, %dot_general3A {dimension_numbers = #tpu.dot_dimension_numbers<[1], [0], [0], [1], [0, 0, 1, 1], [], []>, transpose_lhs_hint = false} : vector<1280x8xbf16>, vector<8x64xbf16>, vector<1280x64xf32> -> vector<1280x64xf32>
    %slice3A = vector.extract_strided_slice %get3A_17 {offsets = [0, 0], sizes = [1, 64], strides = [1, 1]} : vector<8x64xf32> to vector<1x64xf32>
    %add3A = vector.broadcast %slice3A : vector<1x64xf32> to vector<1280x64xf32>
    %add3A_34 = arith.addf %dot_general3A_33, %add3A : vector<1280x64xf32>
    %logistic3A = arith.negf %add3A_34 : vector<1280x64xf32>
    %logistic3A_35 = math.exp %logistic3A : vector<1280x64xf32>
    %logistic3A_36 = arith.constant 1.000000e+00 : f32
    %logistic3A_37 = vector.broadcast %logistic3A_36 : f32 to vector<1280x64xf32>
    %logistic3A_38 = arith.addf %logistic3A_37, %logistic3A_35 : vector<1280x64xf32>
    %logistic3A_39 = arith.divf %logistic3A_37, %logistic3A_38 : vector<1280x64xf32>
    %mul3A = arith.mulf %add3A_34, %logistic3A_39 : vector<1280x64xf32>
    %convert_element_type3A_40 = arith.truncf %mul3A : vector<1280x64xf32> to vector<1280x64xbf16>
    %dot_general3A_41 = arith.constant dense<0.000000e+00> : vector<1280x64xf32>
    %dot_general3A_42 = tpu.matmul %convert_element_type3A_40, %get3A_20, %dot_general3A_41 {dimension_numbers = #tpu.dot_dimension_numbers<[1], [0], [0], [1], [0, 0, 1, 1], [], []>, transpose_lhs_hint = false} : vector<1280x64xbf16>, vector<64x64xbf16>, vector<1280x64xf32> -> vector<1280x64xf32>
    %slice3A_43 = vector.extract_strided_slice %get3A_23 {offsets = [0, 0], sizes = [1, 64], strides = [1, 1]} : vector<8x64xf32> to vector<1x64xf32>
    %add3A_44 = vector.broadcast %slice3A_43 : vector<1x64xf32> to vector<1280x64xf32>
    %add3A_45 = arith.addf %dot_general3A_42, %add3A_44 : vector<1280x64xf32>
    %logistic3A_46 = arith.negf %add3A_45 : vector<1280x64xf32>
    %logistic3A_47 = math.exp %logistic3A_46 : vector<1280x64xf32>
    %logistic3A_48 = arith.constant 1.000000e+00 : f32
    %logistic3A_49 = vector.broadcast %logistic3A_48 : f32 to vector<1280x64xf32>
    %logistic3A_50 = arith.addf %logistic3A_49, %logistic3A_47 : vector<1280x64xf32>
    %logistic3A_51 = arith.divf %logistic3A_49, %logistic3A_50 : vector<1280x64xf32>
    %mul3A_52 = arith.mulf %add3A_45, %logistic3A_51 : vector<1280x64xf32>
    %convert_element_type3A_53 = arith.truncf %mul3A_52 : vector<1280x64xf32> to vector<1280x64xbf16>
    %dot_general3A_54 = arith.constant dense<0.000000e+00> : vector<1280x64xf32>
    %dot_general3A_55 = tpu.matmul %convert_element_type3A_53, %get3A_26, %dot_general3A_54 {dimension_numbers = #tpu.dot_dimension_numbers<[1], [0], [0], [1], [0, 0, 1, 1], [], []>, transpose_lhs_hint = false} : vector<1280x64xbf16>, vector<64x64xbf16>, vector<1280x64xf32> -> vector<1280x64xf32>
    %slice3A_56 = vector.extract_strided_slice %get3A_29 {offsets = [0, 0], sizes = [1, 64], strides = [1, 1]} : vector<8x64xf32> to vector<1x64xf32>
    %add3A_57 = vector.broadcast %slice3A_56 : vector<1x64xf32> to vector<1280x64xf32>
    %add3A_58 = arith.addf %dot_general3A_55, %add3A_57 : vector<1280x64xf32>
    %logistic3A_59 = arith.negf %add3A_58 : vector<1280x64xf32>
    %logistic3A_60 = math.exp %logistic3A_59 : vector<1280x64xf32>
    %logistic3A_61 = arith.constant 1.000000e+00 : f32
    %logistic3A_62 = vector.broadcast %logistic3A_61 : f32 to vector<1280x64xf32>
    %logistic3A_63 = arith.addf %logistic3A_62, %logistic3A_60 : vector<1280x64xf32>
    %logistic3A_64 = arith.divf %logistic3A_62, %logistic3A_63 : vector<1280x64xf32>
    %mul3A_65 = arith.mulf %add3A_58, %logistic3A_64 : vector<1280x64xf32>
    %convert_element_type3A_66 = arith.truncf %mul3A_65 : vector<1280x64xf32> to vector<1280x64xbf16>
    %dot_general3A_67 = arith.constant dense<0.000000e+00> : vector<1280x512xf32>
    %dot_general3A_68 = tpu.matmul %convert_element_type3A_66, %get3A_32, %dot_general3A_67 {dimension_numbers = #tpu.dot_dimension_numbers<[1], [0], [0], [1], [0, 0, 1, 1], [], []>, transpose_lhs_hint = false} : vector<1280x64xbf16>, vector<64x512xbf16>, vector<1280x512xf32> -> vector<1280x512xf32>
    %get3A_69 = arith.constant 0 : index
    %get3A_70 = arith.constant 0 : index
    %get3A_71 = vector.load %arg8[%get3A_69, %get3A_70] : memref<1280x16xf32, #tpu.memory_space<vmem>>, vector<1280x16xf32>
    %convert_element_type3A_72 = arith.truncf %get3A_71 : vector<1280x16xf32> to vector<1280x16xbf16>
    %get3A_73 = arith.constant 0 : index
    %get3A_74 = arith.constant 0 : index
    %get3A_75 = vector.load %arg18[%get3A_73, %get3A_74] : memref<16x512xbf16, #tpu.memory_space<vmem>>, vector<16x512xbf16>
    %dot_general3A_76 = arith.constant dense<0.000000e+00> : vector<1280x512xf32>
    %dot_general3A_77 = tpu.matmul %convert_element_type3A_72, %get3A_75, %dot_general3A_76 {dimension_numbers = #tpu.dot_dimension_numbers<[1], [0], [0], [1], [0, 0, 1, 1], [], []>, transpose_lhs_hint = false} : vector<1280x16xbf16>, vector<16x512xbf16>, vector<1280x512xf32> -> vector<1280x512xf32>
    %get3A_78 = arith.constant 0 : index
    %get3A_79 = arith.constant 0 : index
    %get3A_80 = vector.load %arg9[%get3A_78, %get3A_79] : memref<1280x32xf32, #tpu.memory_space<vmem>>, vector<1280x32xf32>
    %convert_element_type3A_81 = arith.truncf %get3A_80 : vector<1280x32xf32> to vector<1280x32xbf16>
    %get3A_82 = arith.constant 0 : index
    %get3A_83 = arith.constant 0 : index
    %get3A_84 = vector.load %arg19[%get3A_82, %get3A_83] : memref<32x512xbf16, #tpu.memory_space<vmem>>, vector<32x512xbf16>
    %dot_general3A_85 = arith.constant dense<0.000000e+00> : vector<1280x512xf32>
    %dot_general3A_86 = tpu.matmul %convert_element_type3A_81, %get3A_84, %dot_general3A_85 {dimension_numbers = #tpu.dot_dimension_numbers<[1], [0], [0], [1], [0, 0, 1, 1], [], []>, transpose_lhs_hint = false} : vector<1280x32xbf16>, vector<32x512xbf16>, vector<1280x512xf32> -> vector<1280x512xf32>
    %mul3A_87 = arith.mulf %dot_general3A_68, %dot_general3A_77 : vector<1280x512xf32>
    %mul3A_88 = arith.mulf %mul3A_87, %dot_general3A_86 : vector<1280x512xf32>
    %convert_element_type3A_89 = arith.truncf %mul3A_88 : vector<1280x512xf32> to vector<1280x512xbf16>
    %get3A_90 = arith.constant 0 : index
    %get3A_91 = arith.constant 0 : index
    %get3A_92 = arith.constant 0 : index
    %get3A_93 = vector.load %arg10[%get3A_90, %get3A_91, %get3A_92] : memref<1x1x1280xi32, #tpu.memory_space<vmem>>, vector<1x1x1280xi32>
    %get3A_94 = vector.shape_cast %get3A_93 : vector<1x1x1280xi32> to vector<1x1280xi32>
    %mul3A_95 = arith.constant 1280 : i32
    %mul3A_96 = arith.muli %get3A_0, %mul3A_95 : i32
    %iota3A = tpu.iota {dimensions = array<i32: 1>} : vector<1x1280xi32>
    %add3A_97 = vector.broadcast %mul3A_96 : i32 to vector<1x1280xi32>
    %add3A_98 = arith.addi %add3A_97, %iota3A : vector<1x1280xi32>
    %ge3A = vector.broadcast %get3A_4 : i32 to vector<1x1280xi32>
    %ge3A_99 = arith.cmpi sge, %add3A_98, %ge3A : vector<1x1280xi32>
    %lt3A = vector.broadcast %get3A_6 : i32 to vector<1x1280xi32>
    %lt3A_100 = arith.cmpi slt, %add3A_98, %lt3A : vector<1x1280xi32>
    %and3A = arith.andi %ge3A_99, %lt3A_100 : vector<1x1280xi1>
    %mul3A_101 = arith.constant 200 : i32
    %mul3A_102 = arith.muli %get3A_2, %mul3A_101 : i32
    %sub3A = vector.broadcast %mul3A_102 : i32 to vector<1x1280xi32>
    %sub3A_103 = arith.subi %get3A_94, %sub3A : vector<1x1280xi32>
    %iota3A_104 = tpu.iota {dimensions = array<i32: 0>} : vector<200x1280xi32>
    %eq3A = vector.broadcast %sub3A_103 : vector<1x1280xi32> to vector<200x1280xi32>
    %eq3A_105 = arith.cmpi eq, %iota3A_104, %eq3A : vector<200x1280xi32>
    %and3A_106 = vector.broadcast %and3A : vector<1x1280xi1> to vector<200x1280xi1>
    %and3A_107 = arith.andi %eq3A_105, %and3A_106 : vector<200x1280xi1>
    %convert_element_type3A_108 = arith.extui %and3A_107 : vector<200x1280xi1> to vector<200x1280xi32>
    %convert_element_type3A_109 = arith.sitofp %convert_element_type3A_108 : vector<200x1280xi32> to vector<200x1280xf32>
    %convert_element_type3A_110 = arith.truncf %convert_element_type3A_109 : vector<200x1280xf32> to vector<200x1280xbf16>
    %dot_general3A_111 = arith.constant dense<0.000000e+00> : vector<200x512xf32>
    %dot_general3A_112 = tpu.matmul %convert_element_type3A_110, %convert_element_type3A_89, %dot_general3A_111 {dimension_numbers = #tpu.dot_dimension_numbers<[1], [0], [0], [1], [0, 0, 1, 1], [], []>, transpose_lhs_hint = false} : vector<200x1280xbf16>, vector<1280x512xbf16>, vector<200x512xf32> -> vector<200x512xf32>
    %eq3A_113 = arith.constant 1 : i32
    %eq3A_114 = arith.cmpi eq, %get3A_8, %eq3A_113 : i32
    %convert_element_type3A_115 = arith.extui %eq3A_114 : i1 to i32
    %cond3A = arith.constant 0 : i32
    %cond3A_116 = arith.cmpi ne, %convert_element_type3A_115, %cond3A : i32
    scf.if %cond3A_116 {
      %swap3A = arith.constant 0 : index
      %swap3A_122 = arith.constant 0 : index
      %swap3A_123 = vector.load %arg20[%swap3A, %swap3A_122] : memref<200x512xf32, #tpu.memory_space<vmem>>, vector<200x512xf32>
      tpu.vector_store %arg20[%swap3A, %swap3A_122], %dot_general3A_112 {strides = array<i32>} : memref<200x512xf32, #tpu.memory_space<vmem>>, vector<200x512xf32>,
    } else {
    }
    %eq3A_117 = arith.constant 0 : i32
    %eq3A_118 = arith.cmpi eq, %get3A_8, %eq3A_117 : i32
    %convert_element_type3A_119 = arith.extui %eq3A_118 : i1 to i32
    %cond3A_120 = arith.constant 0 : i32
    %cond3A_121 = arith.cmpi ne, %convert_element_type3A_119, %cond3A_120 : i32
    scf.if %cond3A_121 {
      %get3A_122 = arith.constant 0 : index
      %get3A_123 = arith.constant 0 : index
      %get3A_124 = vector.load %arg20[%get3A_122, %get3A_123] : memref<200x512xf32, #tpu.memory_space<vmem>>, vector<200x512xf32>
      %add3A_125 = arith.addf %get3A_124, %dot_general3A_112 : vector<200x512xf32>
      %swap3A = arith.constant 0 : index
      %swap3A_126 = arith.constant 0 : index
      %swap3A_127 = vector.load %arg20[%swap3A, %swap3A_126] : memref<200x512xf32, #tpu.memory_space<vmem>>, vector<200x512xf32>
      tpu.vector_store %arg20[%swap3A, %swap3A_126], %add3A_125 {strides = array<i32>} : memref<200x512xf32, #tpu.memory_space<vmem>>, vector<200x512xf32>,
    } else {
    }
    return
  }
  func.func @transform_0(%arg0: i32, %arg1: memref<300xi32, #tpu.memory_space<smem>>, %arg2: memref<300xi32, #tpu.memory_space<smem>>, %arg3: memref<300xi32, #tpu.memory_space<smem>>, %arg4: memref<300xi32, #tpu.memory_space<smem>>, %arg5: memref<300xi32, #tpu.memory_space<smem>>, %arg6: memref<300xi32, #tpu.memory_space<smem>>) -> (i32, i32) {
    %get3A = arith.index_cast %arg0 : i32 to index
    %get3A_0 = memref.load %arg1[%get3A] : memref<300xi32, #tpu.memory_space<smem>>
    %c0_i32 = arith.constant 0 : i32
    %c0_i32_1 = arith.constant 0 : i32
    return %get3A_0, %c0_i32 : i32, i32
  }
  func.func @transform_1(%arg0: i32, %arg1: memref<300xi32, #tpu.memory_space<smem>>, %arg2: memref<300xi32, #tpu.memory_space<smem>>, %arg3: memref<300xi32, #tpu.memory_space<smem>>, %arg4: memref<300xi32, #tpu.memory_space<smem>>, %arg5: memref<300xi32, #tpu.memory_space<smem>>, %arg6: memref<300xi32, #tpu.memory_space<smem>>) -> (i32, i32) {
    %get3A = arith.index_cast %arg0 : i32 to index
    %get3A_0 = memref.load %arg1[%get3A] : memref<300xi32, #tpu.memory_space<smem>>
    %c0_i32 = arith.constant 0 : i32
    %c0_i32_1 = arith.constant 0 : i32
    return %get3A_0, %c0_i32 : i32, i32
  }
  func.func @transform_2(%arg0: i32, %arg1: memref<300xi32, #tpu.memory_space<smem>>, %arg2: memref<300xi32, #tpu.memory_space<smem>>, %arg3: memref<300xi32, #tpu.memory_space<smem>>, %arg4: memref<300xi32, #tpu.memory_space<smem>>, %arg5: memref<300xi32, #tpu.memory_space<smem>>, %arg6: memref<300xi32, #tpu.memory_space<smem>>) -> (i32, i32) {
    %get3A = arith.index_cast %arg0 : i32 to index
    %get3A_0 = memref.load %arg1[%get3A] : memref<300xi32, #tpu.memory_space<smem>>
    %c0_i32 = arith.constant 0 : i32
    %c0_i32_1 = arith.constant 0 : i32
    return %get3A_0, %c0_i32 : i32, i32
  }
  func.func @transform_3(%arg0: i32, %arg1: memref<300xi32, #tpu.memory_space<smem>>, %arg2: memref<300xi32, #tpu.memory_space<smem>>, %arg3: memref<300xi32, #tpu.memory_space<smem>>, %arg4: memref<300xi32, #tpu.memory_space<smem>>, %arg5: memref<300xi32, #tpu.memory_space<smem>>, %arg6: memref<300xi32, #tpu.memory_space<smem>>) -> (i32, i32, i32) {
    %get3A = arith.index_cast %arg0 : i32 to index
    %get3A_0 = memref.load %arg1[%get3A] : memref<300xi32, #tpu.memory_space<smem>>
    %c0_i32 = arith.constant 0 : i32
    %c0_i32_1 = arith.constant 0 : i32
    %c0_i32_2 = arith.constant 0 : i32
    return %get3A_0, %c0_i32, %c0_i32_1 : i32, i32, i32
  }
  func.func @transform_4(%arg0: i32, %arg1: memref<300xi32, #tpu.memory_space<smem>>, %arg2: memref<300xi32, #tpu.memory_space<smem>>, %arg3: memref<300xi32, #tpu.memory_space<smem>>, %arg4: memref<300xi32, #tpu.memory_space<smem>>, %arg5: memref<300xi32, #tpu.memory_space<smem>>, %arg6: memref<300xi32, #tpu.memory_space<smem>>) -> (i32, i32) {
    %c0_i32 = arith.constant 0 : i32
    %c0_i32_0 = arith.constant 0 : i32
    %c0_i32_1 = arith.constant 0 : i32
    return %c0_i32, %c0_i32_0 : i32, i32
  }
  func.func @transform_5(%arg0: i32, %arg1: memref<300xi32, #tpu.memory_space<smem>>, %arg2: memref<300xi32, #tpu.memory_space<smem>>, %arg3: memref<300xi32, #tpu.memory_space<smem>>, %arg4: memref<300xi32, #tpu.memory_space<smem>>, %arg5: memref<300xi32, #tpu.memory_space<smem>>, %arg6: memref<300xi32, #tpu.memory_space<smem>>) -> (i32, i32) {
    %c0_i32 = arith.constant 0 : i32
    %c0_i32_0 = arith.constant 0 : i32
    %c0_i32_1 = arith.constant 0 : i32
    return %c0_i32, %c0_i32_0 : i32, i32
  }
  func.func @transform_6(%arg0: i32, %arg1: memref<300xi32, #tpu.memory_space<smem>>, %arg2: memref<300xi32, #tpu.memory_space<smem>>, %arg3: memref<300xi32, #tpu.memory_space<smem>>, %arg4: memref<300xi32, #tpu.memory_space<smem>>, %arg5: memref<300xi32, #tpu.memory_space<smem>>, %arg6: memref<300xi32, #tpu.memory_space<smem>>) -> (i32, i32) {
    %c0_i32 = arith.constant 0 : i32
    %c0_i32_0 = arith.constant 0 : i32
    %c0_i32_1 = arith.constant 0 : i32
    return %c0_i32, %c0_i32_0 : i32, i32
  }
  func.func @transform_7(%arg0: i32, %arg1: memref<300xi32, #tpu.memory_space<smem>>, %arg2: memref<300xi32, #tpu.memory_space<smem>>, %arg3: memref<300xi32, #tpu.memory_space<smem>>, %arg4: memref<300xi32, #tpu.memory_space<smem>>, %arg5: memref<300xi32, #tpu.memory_space<smem>>, %arg6: memref<300xi32, #tpu.memory_space<smem>>) -> (i32, i32) {
    %c0_i32 = arith.constant 0 : i32
    %c0_i32_0 = arith.constant 0 : i32
    %c0_i32_1 = arith.constant 0 : i32
    return %c0_i32, %c0_i32_0 : i32, i32
  }
  func.func @transform_8(%arg0: i32, %arg1: memref<300xi32, #tpu.memory_space<smem>>, %arg2: memref<300xi32, #tpu.memory_space<smem>>, %arg3: memref<300xi32, #tpu.memory_space<smem>>, %arg4: memref<300xi32, #tpu.memory_space<smem>>, %arg5: memref<300xi32, #tpu.memory_space<smem>>, %arg6: memref<300xi32, #tpu.memory_space<smem>>) -> (i32, i32) {
    %c0_i32 = arith.constant 0 : i32
    %c0_i32_0 = arith.constant 0 : i32
    %c0_i32_1 = arith.constant 0 : i32
    return %c0_i32, %c0_i32_0 : i32, i32
  }
  func.func @transform_9(%arg0: i32, %arg1: memref<300xi32, #tpu.memory_space<smem>>, %arg2: memref<300xi32, #tpu.memory_space<smem>>, %arg3: memref<300xi32, #tpu.memory_space<smem>>, %arg4: memref<300xi32, #tpu.memory_space<smem>>, %arg5: memref<300xi32, #tpu.memory_space<smem>>, %arg6: memref<300xi32, #tpu.memory_space<smem>>) -> (i32, i32) {
    %c0_i32 = arith.constant 0 : i32
    %c0_i32_0 = arith.constant 0 : i32
    %c0_i32_1 = arith.constant 0 : i32
    return %c0_i32, %c0_i32_0 : i32, i32
  }
  func.func @transform_10(%arg0: i32, %arg1: memref<300xi32, #tpu.memory_space<smem>>, %arg2: memref<300xi32, #tpu.memory_space<smem>>, %arg3: memref<300xi32, #tpu.memory_space<smem>>, %arg4: memref<300xi32, #tpu.memory_space<smem>>, %arg5: memref<300xi32, #tpu.memory_space<smem>>, %arg6: memref<300xi32, #tpu.memory_space<smem>>) -> (i32, i32) {
    %c0_i32 = arith.constant 0 : i32
    %c0_i32_0 = arith.constant 0 : i32
    %c0_i32_1 = arith.constant 0 : i32
    return %c0_i32, %c0_i32_0 : i32, i32
  }
  func.func @transform_11(%arg0: i32, %arg1: memref<300xi32, #tpu.memory_space<smem>>, %arg2: memref<300xi32, #tpu.memory_space<smem>>, %arg3: memref<300xi32, #tpu.memory_space<smem>>, %arg4: memref<300xi32, #tpu.memory_space<smem>>, %arg5: memref<300xi32, #tpu.memory_space<smem>>, %arg6: memref<300xi32, #tpu.memory_space<smem>>) -> (i32, i32) {
    %c0_i32 = arith.constant 0 : i32
    %c0_i32_0 = arith.constant 0 : i32
    %c0_i32_1 = arith.constant 0 : i32
    return %c0_i32, %c0_i32_0 : i32, i32
  }
  func.func @transform_12(%arg0: i32, %arg1: memref<300xi32, #tpu.memory_space<smem>>, %arg2: memref<300xi32, #tpu.memory_space<smem>>, %arg3: memref<300xi32, #tpu.memory_space<smem>>, %arg4: memref<300xi32, #tpu.memory_space<smem>>, %arg5: memref<300xi32, #tpu.memory_space<smem>>, %arg6: memref<300xi32, #tpu.memory_space<smem>>) -> (i32, i32) {
    %c0_i32 = arith.constant 0 : i32
    %c0_i32_0 = arith.constant 0 : i32
    %c0_i32_1 = arith.constant 0 : i32
    return %c0_i32, %c0_i32_0 : i32, i32
  }
  func.func @transform_13(%arg0: i32, %arg1: memref<300xi32, #tpu.memory_space<smem>>, %arg2: memref<300xi32, #tpu.memory_space<smem>>, %arg3: memref<300xi32, #tpu.memory_space<smem>>, %arg4: memref<300xi32, #tpu.memory_space<smem>>, %arg5: memref<300xi32, #tpu.memory_space<smem>>, %arg6: memref<300xi32, #tpu.memory_space<smem>>) -> (i32, i32) {
    %get3A = arith.index_cast %arg0 : i32 to index
    %get3A_0 = memref.load %arg2[%get3A] : memref<300xi32, #tpu.memory_space<smem>>
    %c0_i32 = arith.constant 0 : i32
    %c0_i32_1 = arith.constant 0 : i32
    return %get3A_0, %c0_i32 : i32, i32
  }
}

module attributes {stable_mosaic.version = 14 : i64} {
  func.func @_bwd_body(%arg0: i32, %arg1: memref<300xi32, #tpu.memory_space<smem>>, %arg2: memref<300xi32, #tpu.memory_space<smem>>, %arg3: memref<300xi32, #tpu.memory_space<smem>>, %arg4: memref<300xi32, #tpu.memory_space<smem>>, %arg5: memref<300xi32, #tpu.memory_space<smem>>, %arg6: memref<300xi32, #tpu.memory_space<smem>>, %arg7: memref<1280x8xf32, #tpu.memory_space<vmem>>, %arg8: memref<1280x16xf32, #tpu.memory_space<vmem>>, %arg9: memref<1280x32xf32, #tpu.memory_space<vmem>>, %arg10: memref<1x1x1280xi32, #tpu.memory_space<vmem>>, %arg11: memref<200x512xf32, #tpu.memory_space<vmem>>, %arg12: memref<8x64xbf16, #tpu.memory_space<vmem>>, %arg13: memref<8x64xf32, #tpu.memory_space<vmem>>, %arg14: memref<64x64xbf16, #tpu.memory_space<vmem>>, %arg15: memref<8x64xf32, #tpu.memory_space<vmem>>, %arg16: memref<64x64xbf16, #tpu.memory_space<vmem>>, %arg17: memref<8x64xf32, #tpu.memory_space<vmem>>, %arg18: memref<64x512xbf16, #tpu.memory_space<vmem>>, %arg19: memref<16x512xbf16, #tpu.memory_space<vmem>>, %arg20: memref<32x512xbf16, #tpu.memory_space<vmem>>, %arg21: memref<1280x8xf32, #tpu.memory_space<vmem>>, %arg22: memref<1280x16xf32, #tpu.memory_space<vmem>>, %arg23: memref<1280x32xf32, #tpu.memory_space<vmem>>) attributes {dimension_semantics = [#tpu.dimension_semantics<arbitrary>], iteration_bounds = array<i64: 300>, scalar_prefetch = 6 : i64, scratch_operands = 0 : i64, tpu.core_type = #tpu.core_type<tc>, window_params = [{transform_indices = @transform_0, window_bounds = array<i64: 1280, 8>}, {transform_indices = @transform_1, window_bounds = array<i64: 1280, 16>}, {transform_indices = @transform_2, window_bounds = array<i64: 1280, 32>}, {transform_indices = @transform_3, window_bounds = array<i64: 1, 1, 1280>}, {transform_indices = @transform_4, window_bounds = array<i64: 200, 512>}, {pipeline_mode = #tpu.pipeline_mode<synchronous>, transform_indices = @transform_5, window_bounds = array<i64: 8, 64>}, {pipeline_mode = #tpu.pipeline_mode<synchronous>, transform_indices = @transform_6, window_bounds = array<i64: 8, 64>}, {pipeline_mode = #tpu.pipeline_mode<synchronous>, transform_indices = @transform_7, window_bounds = array<i64: 64, 64>}, {pipeline_mode = #tpu.pipeline_mode<synchronous>, transform_indices = @transform_8, window_bounds = array<i64: 8, 64>}, {pipeline_mode = #tpu.pipeline_mode<synchronous>, transform_indices = @transform_9, window_bounds = array<i64: 64, 64>}, {pipeline_mode = #tpu.pipeline_mode<synchronous>, transform_indices = @transform_10, window_bounds = array<i64: 8, 64>}, {pipeline_mode = #tpu.pipeline_mode<synchronous>, transform_indices = @transform_11, window_bounds = array<i64: 64, 512>}, {pipeline_mode = #tpu.pipeline_mode<synchronous>, transform_indices = @transform_12, window_bounds = array<i64: 16, 512>}, {pipeline_mode = #tpu.pipeline_mode<synchronous>, transform_indices = @transform_13, window_bounds = array<i64: 32, 512>}, {transform_indices = @transform_14, window_bounds = array<i64: 1280, 8>}, {transform_indices = @transform_15, window_bounds = array<i64: 1280, 16>}, {transform_indices = @transform_16, window_bounds = array<i64: 1280, 32>}]} {
    %get3A = arith.index_cast %arg0 : i32 to index
    %get3A_0 = memref.load %arg1[%get3A] : memref<300xi32, #tpu.memory_space<smem>>
    %get3A_1 = arith.index_cast %arg0 : i32 to index
    %get3A_2 = memref.load %arg2[%get3A_1] : memref<300xi32, #tpu.memory_space<smem>>
    %get3A_3 = arith.index_cast %arg0 : i32 to index
    %get3A_4 = memref.load %arg3[%get3A_3] : memref<300xi32, #tpu.memory_space<smem>>
    %get3A_5 = arith.index_cast %arg0 : i32 to index
    %get3A_6 = memref.load %arg4[%get3A_5] : memref<300xi32, #tpu.memory_space<smem>>
    %get3A_7 = arith.index_cast %arg0 : i32 to index
    %get3A_8 = memref.load %arg6[%get3A_7] : memref<300xi32, #tpu.memory_space<smem>>
    %get3A_9 = arith.constant 0 : index
    %get3A_10 = arith.constant 0 : index
    %get3A_11 = vector.load %arg7[%get3A_9, %get3A_10] : memref<1280x8xf32, #tpu.memory_space<vmem>>, vector<1280x8xf32>
    %get3A_12 = arith.constant 0 : index
    %get3A_13 = arith.constant 0 : index
    %get3A_14 = vector.load %arg12[%get3A_12, %get3A_13] : memref<8x64xbf16, #tpu.memory_space<vmem>>, vector<8x64xbf16>
    %get3A_15 = arith.constant 0 : index
    %get3A_16 = arith.constant 0 : index
    %get3A_17 = vector.load %arg13[%get3A_15, %get3A_16] : memref<8x64xf32, #tpu.memory_space<vmem>>, vector<8x64xf32>
    %get3A_18 = arith.constant 0 : index
    %get3A_19 = arith.constant 0 : index
    %get3A_20 = vector.load %arg14[%get3A_18, %get3A_19] : memref<64x64xbf16, #tpu.memory_space<vmem>>, vector<64x64xbf16>
    %get3A_21 = arith.constant 0 : index
    %get3A_22 = arith.constant 0 : index
    %get3A_23 = vector.load %arg15[%get3A_21, %get3A_22] : memref<8x64xf32, #tpu.memory_space<vmem>>, vector<8x64xf32>
    %get3A_24 = arith.constant 0 : index
    %get3A_25 = arith.constant 0 : index
    %get3A_26 = vector.load %arg16[%get3A_24, %get3A_25] : memref<64x64xbf16, #tpu.memory_space<vmem>>, vector<64x64xbf16>
    %get3A_27 = arith.constant 0 : index
    %get3A_28 = arith.constant 0 : index
    %get3A_29 = vector.load %arg17[%get3A_27, %get3A_28] : memref<8x64xf32, #tpu.memory_space<vmem>>, vector<8x64xf32>
    %get3A_30 = arith.constant 0 : index
    %get3A_31 = arith.constant 0 : index
    %get3A_32 = vector.load %arg18[%get3A_30, %get3A_31] : memref<64x512xbf16, #tpu.memory_space<vmem>>, vector<64x512xbf16>
    %convert_element_type3A = arith.truncf %get3A_11 : vector<1280x8xf32> to vector<1280x8xbf16>
    %dot_general3A = arith.constant dense<0.000000e+00> : vector<1280x64xf32>
    %dot_general3A_33 = tpu.matmul %convert_element_type3A, %get3A_14, %dot_general3A {dimension_numbers = #tpu.dot_dimension_numbers<[1], [0], [0], [1], [0, 0, 1, 1], [], []>, transpose_lhs_hint = false} : vector<1280x8xbf16>, vector<8x64xbf16>, vector<1280x64xf32> -> vector<1280x64xf32>
    %slice3A = vector.extract_strided_slice %get3A_17 {offsets = [0, 0], sizes = [1, 64], strides = [1, 1]} : vector<8x64xf32> to vector<1x64xf32>
    %add3A = vector.broadcast %slice3A : vector<1x64xf32> to vector<1280x64xf32>
    %add3A_34 = arith.addf %dot_general3A_33, %add3A : vector<1280x64xf32>
    %logistic3A = arith.negf %add3A_34 : vector<1280x64xf32>
    %logistic3A_35 = math.exp %logistic3A : vector<1280x64xf32>
    %logistic3A_36 = arith.constant 1.000000e+00 : f32
    %logistic3A_37 = vector.broadcast %logistic3A_36 : f32 to vector<1280x64xf32>
    %logistic3A_38 = arith.addf %logistic3A_37, %logistic3A_35 : vector<1280x64xf32>
    %logistic3A_39 = arith.divf %logistic3A_37, %logistic3A_38 : vector<1280x64xf32>
    %mul3A = arith.mulf %add3A_34, %logistic3A_39 : vector<1280x64xf32>
    %convert_element_type3A_40 = arith.truncf %mul3A : vector<1280x64xf32> to vector<1280x64xbf16>
    %dot_general3A_41 = arith.constant dense<0.000000e+00> : vector<1280x64xf32>
    %dot_general3A_42 = tpu.matmul %convert_element_type3A_40, %get3A_20, %dot_general3A_41 {dimension_numbers = #tpu.dot_dimension_numbers<[1], [0], [0], [1], [0, 0, 1, 1], [], []>, transpose_lhs_hint = false} : vector<1280x64xbf16>, vector<64x64xbf16>, vector<1280x64xf32> -> vector<1280x64xf32>
    %slice3A_43 = vector.extract_strided_slice %get3A_23 {offsets = [0, 0], sizes = [1, 64], strides = [1, 1]} : vector<8x64xf32> to vector<1x64xf32>
    %add3A_44 = vector.broadcast %slice3A_43 : vector<1x64xf32> to vector<1280x64xf32>
    %add3A_45 = arith.addf %dot_general3A_42, %add3A_44 : vector<1280x64xf32>
    %logistic3A_46 = arith.negf %add3A_45 : vector<1280x64xf32>
    %logistic3A_47 = math.exp %logistic3A_46 : vector<1280x64xf32>
    %logistic3A_48 = arith.constant 1.000000e+00 : f32
    %logistic3A_49 = vector.broadcast %logistic3A_48 : f32 to vector<1280x64xf32>
    %logistic3A_50 = arith.addf %logistic3A_49, %logistic3A_47 : vector<1280x64xf32>
    %logistic3A_51 = arith.divf %logistic3A_49, %logistic3A_50 : vector<1280x64xf32>
    %mul3A_52 = arith.mulf %add3A_45, %logistic3A_51 : vector<1280x64xf32>
    %convert_element_type3A_53 = arith.truncf %mul3A_52 : vector<1280x64xf32> to vector<1280x64xbf16>
    %dot_general3A_54 = arith.constant dense<0.000000e+00> : vector<1280x64xf32>
    %dot_general3A_55 = tpu.matmul %convert_element_type3A_53, %get3A_26, %dot_general3A_54 {dimension_numbers = #tpu.dot_dimension_numbers<[1], [0], [0], [1], [0, 0, 1, 1], [], []>, transpose_lhs_hint = false} : vector<1280x64xbf16>, vector<64x64xbf16>, vector<1280x64xf32> -> vector<1280x64xf32>
    %slice3A_56 = vector.extract_strided_slice %get3A_29 {offsets = [0, 0], sizes = [1, 64], strides = [1, 1]} : vector<8x64xf32> to vector<1x64xf32>
    %add3A_57 = vector.broadcast %slice3A_56 : vector<1x64xf32> to vector<1280x64xf32>
    %add3A_58 = arith.addf %dot_general3A_55, %add3A_57 : vector<1280x64xf32>
    %logistic3A_59 = arith.negf %add3A_58 : vector<1280x64xf32>
    %logistic3A_60 = math.exp %logistic3A_59 : vector<1280x64xf32>
    %logistic3A_61 = arith.constant 1.000000e+00 : f32
    %logistic3A_62 = vector.broadcast %logistic3A_61 : f32 to vector<1280x64xf32>
    %logistic3A_63 = arith.addf %logistic3A_62, %logistic3A_60 : vector<1280x64xf32>
    %logistic3A_64 = arith.divf %logistic3A_62, %logistic3A_63 : vector<1280x64xf32>
    %mul3A_65 = arith.mulf %add3A_58, %logistic3A_64 : vector<1280x64xf32>
    %convert_element_type3A_66 = arith.truncf %mul3A_65 : vector<1280x64xf32> to vector<1280x64xbf16>
    %dot_general3A_67 = arith.constant dense<0.000000e+00> : vector<1280x512xf32>
    %dot_general3A_68 = tpu.matmul %convert_element_type3A_66, %get3A_32, %dot_general3A_67 {dimension_numbers = #tpu.dot_dimension_numbers<[1], [0], [0], [1], [0, 0, 1, 1], [], []>, transpose_lhs_hint = false} : vector<1280x64xbf16>, vector<64x512xbf16>, vector<1280x512xf32> -> vector<1280x512xf32>
    %get3A_69 = arith.constant 0 : index
    %get3A_70 = arith.constant 0 : index
    %get3A_71 = vector.load %arg19[%get3A_69, %get3A_70] : memref<16x512xbf16, #tpu.memory_space<vmem>>, vector<16x512xbf16>
    %get3A_72 = arith.constant 0 : index
    %get3A_73 = arith.constant 0 : index
    %get3A_74 = vector.load %arg20[%get3A_72, %get3A_73] : memref<32x512xbf16, #tpu.memory_space<vmem>>, vector<32x512xbf16>
    %get3A_75 = arith.constant 0 : index
    %get3A_76 = arith.constant 0 : index
    %get3A_77 = vector.load %arg8[%get3A_75, %get3A_76] : memref<1280x16xf32, #tpu.memory_space<vmem>>, vector<1280x16xf32>
    %convert_element_type3A_78 = arith.truncf %get3A_77 : vector<1280x16xf32> to vector<1280x16xbf16>
    %dot_general3A_79 = arith.constant dense<0.000000e+00> : vector<1280x512xf32>
    %dot_general3A_80 = tpu.matmul %convert_element_type3A_78, %get3A_71, %dot_general3A_79 {dimension_numbers = #tpu.dot_dimension_numbers<[1], [0], [0], [1], [0, 0, 1, 1], [], []>, transpose_lhs_hint = false} : vector<1280x16xbf16>, vector<16x512xbf16>, vector<1280x512xf32> -> vector<1280x512xf32>
    %get3A_81 = arith.constant 0 : index
    %get3A_82 = arith.constant 0 : index
    %get3A_83 = vector.load %arg9[%get3A_81, %get3A_82] : memref<1280x32xf32, #tpu.memory_space<vmem>>, vector<1280x32xf32>
    %convert_element_type3A_84 = arith.truncf %get3A_83 : vector<1280x32xf32> to vector<1280x32xbf16>
    %dot_general3A_85 = arith.constant dense<0.000000e+00> : vector<1280x512xf32>
    %dot_general3A_86 = tpu.matmul %convert_element_type3A_84, %get3A_74, %dot_general3A_85 {dimension_numbers = #tpu.dot_dimension_numbers<[1], [0], [0], [1], [0, 0, 1, 1], [], []>, transpose_lhs_hint = false} : vector<1280x32xbf16>, vector<32x512xbf16>, vector<1280x512xf32> -> vector<1280x512xf32>
    %get3A_87 = arith.constant 0 : index
    %get3A_88 = arith.constant 0 : index
    %get3A_89 = arith.constant 0 : index
    %get3A_90 = vector.load %arg10[%get3A_87, %get3A_88, %get3A_89] : memref<1x1x1280xi32, #tpu.memory_space<vmem>>, vector<1x1x1280xi32>
    %get3A_91 = vector.shape_cast %get3A_90 : vector<1x1x1280xi32> to vector<1x1280xi32>
    %mul3A_92 = arith.constant 1280 : i32
    %mul3A_93 = arith.muli %get3A_0, %mul3A_92 : i32
    %iota3A = tpu.iota {dimensions = array<i32: 1>} : vector<1x1280xi32>
    %add3A_94 = vector.broadcast %mul3A_93 : i32 to vector<1x1280xi32>
    %add3A_95 = arith.addi %add3A_94, %iota3A : vector<1x1280xi32>
    %ge3A = vector.broadcast %get3A_4 : i32 to vector<1x1280xi32>
    %ge3A_96 = arith.cmpi sge, %add3A_95, %ge3A : vector<1x1280xi32>
    %lt3A = vector.broadcast %get3A_6 : i32 to vector<1x1280xi32>
    %lt3A_97 = arith.cmpi slt, %add3A_95, %lt3A : vector<1x1280xi32>
    %and3A = arith.andi %ge3A_96, %lt3A_97 : vector<1x1280xi1>
    %mul3A_98 = arith.constant 200 : i32
    %mul3A_99 = arith.muli %get3A_2, %mul3A_98 : i32
    %sub3A = vector.broadcast %mul3A_99 : i32 to vector<1x1280xi32>
    %sub3A_100 = arith.subi %get3A_91, %sub3A : vector<1x1280xi32>
    %iota3A_101 = tpu.iota {dimensions = array<i32: 0>} : vector<200x1280xi32>
    %eq3A = vector.broadcast %sub3A_100 : vector<1x1280xi32> to vector<200x1280xi32>
    %eq3A_102 = arith.cmpi eq, %iota3A_101, %eq3A : vector<200x1280xi32>
    %and3A_103 = vector.broadcast %and3A : vector<1x1280xi1> to vector<200x1280xi1>
    %and3A_104 = arith.andi %eq3A_102, %and3A_103 : vector<200x1280xi1>
    %convert_element_type3A_105 = arith.extui %and3A_104 : vector<200x1280xi1> to vector<200x1280xi32>
    %convert_element_type3A_106 = arith.sitofp %convert_element_type3A_105 : vector<200x1280xi32> to vector<200x1280xf32>
    %convert_element_type3A_107 = arith.truncf %convert_element_type3A_106 : vector<200x1280xf32> to vector<200x1280xbf16>
    %get3A_108 = arith.constant 0 : index
    %get3A_109 = arith.constant 0 : index
    %get3A_110 = vector.load %arg11[%get3A_108, %get3A_109] : memref<200x512xf32, #tpu.memory_space<vmem>>, vector<200x512xf32>
    %convert_element_type3A_111 = arith.truncf %get3A_110 : vector<200x512xf32> to vector<200x512xbf16>
    %dot_general3A_112 = arith.constant dense<0.000000e+00> : vector<1280x512xf32>
    %dot_general3A_113 = tpu.matmul %convert_element_type3A_107, %convert_element_type3A_111, %dot_general3A_112 {dimension_numbers = #tpu.dot_dimension_numbers<[0], [0], [1], [1], [0, 1, 1, 1], [], []>, transpose_lhs_hint = false} : vector<200x1280xbf16>, vector<200x512xbf16>, vector<1280x512xf32> -> vector<1280x512xf32>
    %mul3A_114 = arith.mulf %dot_general3A_113, %dot_general3A_80 : vector<1280x512xf32>
    %mul3A_115 = arith.mulf %mul3A_114, %dot_general3A_86 : vector<1280x512xf32>
    %convert_element_type3A_116 = arith.truncf %mul3A_115 : vector<1280x512xf32> to vector<1280x512xbf16>
    %mul3A_117 = arith.mulf %dot_general3A_113, %dot_general3A_68 : vector<1280x512xf32>
    %mul3A_118 = arith.mulf %mul3A_117, %dot_general3A_86 : vector<1280x512xf32>
    %convert_element_type3A_119 = arith.truncf %mul3A_118 : vector<1280x512xf32> to vector<1280x512xbf16>
    %dot_general3A_120 = arith.constant dense<0.000000e+00> : vector<1280x16xf32>
    %dot_general3A_121 = tpu.matmul %convert_element_type3A_119, %get3A_71, %dot_general3A_120 {dimension_numbers = #tpu.dot_dimension_numbers<[1], [1], [0], [0], [0, 0, 1, 0], [], []>, transpose_lhs_hint = false} : vector<1280x512xbf16>, vector<16x512xbf16>, vector<1280x16xf32> -> vector<1280x16xf32>
    %mul3A_122 = arith.mulf %dot_general3A_113, %dot_general3A_68 : vector<1280x512xf32>
    %mul3A_123 = arith.mulf %mul3A_122, %dot_general3A_80 : vector<1280x512xf32>
    %convert_element_type3A_124 = arith.truncf %mul3A_123 : vector<1280x512xf32> to vector<1280x512xbf16>
    %dot_general3A_125 = arith.constant dense<0.000000e+00> : vector<1280x32xf32>
    %dot_general3A_126 = tpu.matmul %convert_element_type3A_124, %get3A_74, %dot_general3A_125 {dimension_numbers = #tpu.dot_dimension_numbers<[1], [1], [0], [0], [0, 0, 1, 0], [], []>, transpose_lhs_hint = false} : vector<1280x512xbf16>, vector<32x512xbf16>, vector<1280x32xf32> -> vector<1280x32xf32>
    %get3A_127 = arith.constant 0 : index
    %get3A_128 = arith.constant 0 : index
    %get3A_129 = vector.load %arg18[%get3A_127, %get3A_128] : memref<64x512xbf16, #tpu.memory_space<vmem>>, vector<64x512xbf16>
    %dot_general3A_130 = arith.constant dense<0.000000e+00> : vector<1280x64xf32>
    %dot_general3A_131 = tpu.matmul %convert_element_type3A_116, %get3A_129, %dot_general3A_130 {dimension_numbers = #tpu.dot_dimension_numbers<[1], [1], [0], [0], [0, 0, 1, 0], [], []>, transpose_lhs_hint = false} : vector<1280x512xbf16>, vector<64x512xbf16>, vector<1280x64xf32> -> vector<1280x64xf32>
    %logistic3A_132 = arith.negf %add3A_58 : vector<1280x64xf32>
    %logistic3A_133 = math.exp %logistic3A_132 : vector<1280x64xf32>
    %logistic3A_134 = arith.constant 1.000000e+00 : f32
    %logistic3A_135 = vector.broadcast %logistic3A_134 : f32 to vector<1280x64xf32>
    %logistic3A_136 = arith.addf %logistic3A_135, %logistic3A_133 : vector<1280x64xf32>
    %logistic3A_137 = arith.divf %logistic3A_135, %logistic3A_136 : vector<1280x64xf32>
    %sub3A_138 = arith.constant 1.000000e+00 : f32
    %sub3A_139 = vector.broadcast %sub3A_138 : f32 to vector<1280x64xf32>
    %sub3A_140 = arith.subf %sub3A_139, %logistic3A_137 : vector<1280x64xf32>
    %mul3A_141 = arith.mulf %add3A_58, %sub3A_140 : vector<1280x64xf32>
    %add3A_142 = arith.constant 1.000000e+00 : f32
    %add3A_143 = vector.broadcast %add3A_142 : f32 to vector<1280x64xf32>
    %add3A_144 = arith.addf %add3A_143, %mul3A_141 : vector<1280x64xf32>
    %mul3A_145 = arith.mulf %logistic3A_137, %add3A_144 : vector<1280x64xf32>
    %mul3A_146 = arith.mulf %dot_general3A_131, %mul3A_145 : vector<1280x64xf32>
    %convert_element_type3A_147 = arith.truncf %mul3A_146 : vector<1280x64xf32> to vector<1280x64xbf16>
    %get3A_148 = arith.constant 0 : index
    %get3A_149 = arith.constant 0 : index
    %get3A_150 = vector.load %arg16[%get3A_148, %get3A_149] : memref<64x64xbf16, #tpu.memory_space<vmem>>, vector<64x64xbf16>
    %dot_general3A_151 = arith.constant dense<0.000000e+00> : vector<1280x64xf32>
    %dot_general3A_152 = tpu.matmul %convert_element_type3A_147, %get3A_150, %dot_general3A_151 {dimension_numbers = #tpu.dot_dimension_numbers<[1], [1], [0], [0], [0, 0, 1, 0], [], []>, transpose_lhs_hint = false} : vector<1280x64xbf16>, vector<64x64xbf16>, vector<1280x64xf32> -> vector<1280x64xf32>
    %logistic3A_153 = arith.negf %add3A_45 : vector<1280x64xf32>
    %logistic3A_154 = math.exp %logistic3A_153 : vector<1280x64xf32>
    %logistic3A_155 = arith.constant 1.000000e+00 : f32
    %logistic3A_156 = vector.broadcast %logistic3A_155 : f32 to vector<1280x64xf32>
    %logistic3A_157 = arith.addf %logistic3A_156, %logistic3A_154 : vector<1280x64xf32>
    %logistic3A_158 = arith.divf %logistic3A_156, %logistic3A_157 : vector<1280x64xf32>
    %sub3A_159 = arith.constant 1.000000e+00 : f32
    %sub3A_160 = vector.broadcast %sub3A_159 : f32 to vector<1280x64xf32>
    %sub3A_161 = arith.subf %sub3A_160, %logistic3A_158 : vector<1280x64xf32>
    %mul3A_162 = arith.mulf %add3A_45, %sub3A_161 : vector<1280x64xf32>
    %add3A_163 = arith.constant 1.000000e+00 : f32
    %add3A_164 = vector.broadcast %add3A_163 : f32 to vector<1280x64xf32>
    %add3A_165 = arith.addf %add3A_164, %mul3A_162 : vector<1280x64xf32>
    %mul3A_166 = arith.mulf %logistic3A_158, %add3A_165 : vector<1280x64xf32>
    %mul3A_167 = arith.mulf %dot_general3A_152, %mul3A_166 : vector<1280x64xf32>
    %convert_element_type3A_168 = arith.truncf %mul3A_167 : vector<1280x64xf32> to vector<1280x64xbf16>
    %get3A_169 = arith.constant 0 : index
    %get3A_170 = arith.constant 0 : index
    %get3A_171 = vector.load %arg14[%get3A_169, %get3A_170] : memref<64x64xbf16, #tpu.memory_space<vmem>>, vector<64x64xbf16>
    %dot_general3A_172 = arith.constant dense<0.000000e+00> : vector<1280x64xf32>
    %dot_general3A_173 = tpu.matmul %convert_element_type3A_168, %get3A_171, %dot_general3A_172 {dimension_numbers = #tpu.dot_dimension_numbers<[1], [1], [0], [0], [0, 0, 1, 0], [], []>, transpose_lhs_hint = false} : vector<1280x64xbf16>, vector<64x64xbf16>, vector<1280x64xf32> -> vector<1280x64xf32>
    %logistic3A_174 = arith.negf %add3A_34 : vector<1280x64xf32>
    %logistic3A_175 = math.exp %logistic3A_174 : vector<1280x64xf32>
    %logistic3A_176 = arith.constant 1.000000e+00 : f32
    %logistic3A_177 = vector.broadcast %logistic3A_176 : f32 to vector<1280x64xf32>
    %logistic3A_178 = arith.addf %logistic3A_177, %logistic3A_175 : vector<1280x64xf32>
    %logistic3A_179 = arith.divf %logistic3A_177, %logistic3A_178 : vector<1280x64xf32>
    %sub3A_180 = arith.constant 1.000000e+00 : f32
    %sub3A_181 = vector.broadcast %sub3A_180 : f32 to vector<1280x64xf32>
    %sub3A_182 = arith.subf %sub3A_181, %logistic3A_179 : vector<1280x64xf32>
    %mul3A_183 = arith.mulf %add3A_34, %sub3A_182 : vector<1280x64xf32>
    %add3A_184 = arith.constant 1.000000e+00 : f32
    %add3A_185 = vector.broadcast %add3A_184 : f32 to vector<1280x64xf32>
    %add3A_186 = arith.addf %add3A_185, %mul3A_183 : vector<1280x64xf32>
    %mul3A_187 = arith.mulf %logistic3A_179, %add3A_186 : vector<1280x64xf32>
    %mul3A_188 = arith.mulf %dot_general3A_173, %mul3A_187 : vector<1280x64xf32>
    %convert_element_type3A_189 = arith.truncf %mul3A_188 : vector<1280x64xf32> to vector<1280x64xbf16>
    %get3A_190 = arith.constant 0 : index
    %get3A_191 = arith.constant 0 : index
    %get3A_192 = vector.load %arg12[%get3A_190, %get3A_191] : memref<8x64xbf16, #tpu.memory_space<vmem>>, vector<8x64xbf16>
    %dot_general3A_193 = arith.constant dense<0.000000e+00> : vector<1280x8xf32>
    %dot_general3A_194 = tpu.matmul %convert_element_type3A_189, %get3A_192, %dot_general3A_193 {dimension_numbers = #tpu.dot_dimension_numbers<[1], [1], [0], [0], [0, 0, 1, 0], [], []>, transpose_lhs_hint = false} : vector<1280x64xbf16>, vector<8x64xbf16>, vector<1280x8xf32> -> vector<1280x8xf32>
    %eq3A_195 = arith.constant 1 : i32
    %eq3A_196 = arith.cmpi eq, %get3A_8, %eq3A_195 : i32
    %convert_element_type3A_197 = arith.extui %eq3A_196 : i1 to i32
    %cond3A = arith.constant 0 : i32
    %cond3A_198 = arith.cmpi ne, %convert_element_type3A_197, %cond3A : i32
    scf.if %cond3A_198 {
      %swap3A = arith.constant 0 : index
      %swap3A_204 = arith.constant 0 : index
      %swap3A_205 = vector.load %arg21[%swap3A, %swap3A_204] : memref<1280x8xf32, #tpu.memory_space<vmem>>, vector<1280x8xf32>
      tpu.vector_store %arg21[%swap3A, %swap3A_204], %dot_general3A_194 {strides = array<i32>} : memref<1280x8xf32, #tpu.memory_space<vmem>>, vector<1280x8xf32>,
      %swap3A_206 = arith.constant 0 : index
      %swap3A_207 = arith.constant 0 : index
      %swap3A_208 = vector.load %arg22[%swap3A_206, %swap3A_207] : memref<1280x16xf32, #tpu.memory_space<vmem>>, vector<1280x16xf32>
      tpu.vector_store %arg22[%swap3A_206, %swap3A_207], %dot_general3A_121 {strides = array<i32>} : memref<1280x16xf32, #tpu.memory_space<vmem>>, vector<1280x16xf32>,
      %swap3A_209 = arith.constant 0 : index
      %swap3A_210 = arith.constant 0 : index
      %swap3A_211 = vector.load %arg23[%swap3A_209, %swap3A_210] : memref<1280x32xf32, #tpu.memory_space<vmem>>, vector<1280x32xf32>
      tpu.vector_store %arg23[%swap3A_209, %swap3A_210], %dot_general3A_126 {strides = array<i32>} : memref<1280x32xf32, #tpu.memory_space<vmem>>, vector<1280x32xf32>,
    } else {
    }
    %eq3A_199 = arith.constant 0 : i32
    %eq3A_200 = arith.cmpi eq, %get3A_8, %eq3A_199 : i32
    %convert_element_type3A_201 = arith.extui %eq3A_200 : i1 to i32
    %cond3A_202 = arith.constant 0 : i32
    %cond3A_203 = arith.cmpi ne, %convert_element_type3A_201, %cond3A_202 : i32
    scf.if %cond3A_203 {
      %get3A_204 = arith.constant 0 : index
      %get3A_205 = arith.constant 0 : index
      %get3A_206 = vector.load %arg21[%get3A_204, %get3A_205] : memref<1280x8xf32, #tpu.memory_space<vmem>>, vector<1280x8xf32>
      %add3A_207 = arith.addf %get3A_206, %dot_general3A_194 : vector<1280x8xf32>
      %swap3A = arith.constant 0 : index
      %swap3A_208 = arith.constant 0 : index
      %swap3A_209 = vector.load %arg21[%swap3A, %swap3A_208] : memref<1280x8xf32, #tpu.memory_space<vmem>>, vector<1280x8xf32>
      tpu.vector_store %arg21[%swap3A, %swap3A_208], %add3A_207 {strides = array<i32>} : memref<1280x8xf32, #tpu.memory_space<vmem>>, vector<1280x8xf32>,
      %get3A_210 = arith.constant 0 : index
      %get3A_211 = arith.constant 0 : index
      %get3A_212 = vector.load %arg22[%get3A_210, %get3A_211] : memref<1280x16xf32, #tpu.memory_space<vmem>>, vector<1280x16xf32>
      %add3A_213 = arith.addf %get3A_212, %dot_general3A_121 : vector<1280x16xf32>
      %swap3A_214 = arith.constant 0 : index
      %swap3A_215 = arith.constant 0 : index
      %swap3A_216 = vector.load %arg22[%swap3A_214, %swap3A_215] : memref<1280x16xf32, #tpu.memory_space<vmem>>, vector<1280x16xf32>
      tpu.vector_store %arg22[%swap3A_214, %swap3A_215], %add3A_213 {strides = array<i32>} : memref<1280x16xf32, #tpu.memory_space<vmem>>, vector<1280x16xf32>,
      %get3A_217 = arith.constant 0 : index
      %get3A_218 = arith.constant 0 : index
      %get3A_219 = vector.load %arg23[%get3A_217, %get3A_218] : memref<1280x32xf32, #tpu.memory_space<vmem>>, vector<1280x32xf32>
      %add3A_220 = arith.addf %get3A_219, %dot_general3A_126 : vector<1280x32xf32>
      %swap3A_221 = arith.constant 0 : index
      %swap3A_222 = arith.constant 0 : index
      %swap3A_223 = vector.load %arg23[%swap3A_221, %swap3A_222] : memref<1280x32xf32, #tpu.memory_space<vmem>>, vector<1280x32xf32>
      tpu.vector_store %arg23[%swap3A_221, %swap3A_222], %add3A_220 {strides = array<i32>} : memref<1280x32xf32, #tpu.memory_space<vmem>>, vector<1280x32xf32>,
    } else {
    }
    return
  }
  func.func @transform_0(%arg0: i32, %arg1: memref<300xi32, #tpu.memory_space<smem>>, %arg2: memref<300xi32, #tpu.memory_space<smem>>, %arg3: memref<300xi32, #tpu.memory_space<smem>>, %arg4: memref<300xi32, #tpu.memory_space<smem>>, %arg5: memref<300xi32, #tpu.memory_space<smem>>, %arg6: memref<300xi32, #tpu.memory_space<smem>>) -> (i32, i32) {
    %get3A = arith.index_cast %arg0 : i32 to index
    %get3A_0 = memref.load %arg1[%get3A] : memref<300xi32, #tpu.memory_space<smem>>
    %c0_i32 = arith.constant 0 : i32
    %c0_i32_1 = arith.constant 0 : i32
    return %get3A_0, %c0_i32 : i32, i32
  }
  func.func @transform_1(%arg0: i32, %arg1: memref<300xi32, #tpu.memory_space<smem>>, %arg2: memref<300xi32, #tpu.memory_space<smem>>, %arg3: memref<300xi32, #tpu.memory_space<smem>>, %arg4: memref<300xi32, #tpu.memory_space<smem>>, %arg5: memref<300xi32, #tpu.memory_space<smem>>, %arg6: memref<300xi32, #tpu.memory_space<smem>>) -> (i32, i32) {
    %get3A = arith.index_cast %arg0 : i32 to index
    %get3A_0 = memref.load %arg1[%get3A] : memref<300xi32, #tpu.memory_space<smem>>
    %c0_i32 = arith.constant 0 : i32
    %c0_i32_1 = arith.constant 0 : i32
    return %get3A_0, %c0_i32 : i32, i32
  }
  func.func @transform_2(%arg0: i32, %arg1: memref<300xi32, #tpu.memory_space<smem>>, %arg2: memref<300xi32, #tpu.memory_space<smem>>, %arg3: memref<300xi32, #tpu.memory_space<smem>>, %arg4: memref<300xi32, #tpu.memory_space<smem>>, %arg5: memref<300xi32, #tpu.memory_space<smem>>, %arg6: memref<300xi32, #tpu.memory_space<smem>>) -> (i32, i32) {
    %get3A = arith.index_cast %arg0 : i32 to index
    %get3A_0 = memref.load %arg1[%get3A] : memref<300xi32, #tpu.memory_space<smem>>
    %c0_i32 = arith.constant 0 : i32
    %c0_i32_1 = arith.constant 0 : i32
    return %get3A_0, %c0_i32 : i32, i32
  }
  func.func @transform_3(%arg0: i32, %arg1: memref<300xi32, #tpu.memory_space<smem>>, %arg2: memref<300xi32, #tpu.memory_space<smem>>, %arg3: memref<300xi32, #tpu.memory_space<smem>>, %arg4: memref<300xi32, #tpu.memory_space<smem>>, %arg5: memref<300xi32, #tpu.memory_space<smem>>, %arg6: memref<300xi32, #tpu.memory_space<smem>>) -> (i32, i32, i32) {
    %get3A = arith.index_cast %arg0 : i32 to index
    %get3A_0 = memref.load %arg1[%get3A] : memref<300xi32, #tpu.memory_space<smem>>
    %c0_i32 = arith.constant 0 : i32
    %c0_i32_1 = arith.constant 0 : i32
    %c0_i32_2 = arith.constant 0 : i32
    return %get3A_0, %c0_i32, %c0_i32_1 : i32, i32, i32
  }
  func.func @transform_4(%arg0: i32, %arg1: memref<300xi32, #tpu.memory_space<smem>>, %arg2: memref<300xi32, #tpu.memory_space<smem>>, %arg3: memref<300xi32, #tpu.memory_space<smem>>, %arg4: memref<300xi32, #tpu.memory_space<smem>>, %arg5: memref<300xi32, #tpu.memory_space<smem>>, %arg6: memref<300xi32, #tpu.memory_space<smem>>) -> (i32, i32) {
    %get3A = arith.index_cast %arg0 : i32 to index
    %get3A_0 = memref.load %arg2[%get3A] : memref<300xi32, #tpu.memory_space<smem>>
    %c0_i32 = arith.constant 0 : i32
    %c0_i32_1 = arith.constant 0 : i32
    return %get3A_0, %c0_i32 : i32, i32
  }
  func.func @transform_5(%arg0: i32, %arg1: memref<300xi32, #tpu.memory_space<smem>>, %arg2: memref<300xi32, #tpu.memory_space<smem>>, %arg3: memref<300xi32, #tpu.memory_space<smem>>, %arg4: memref<300xi32, #tpu.memory_space<smem>>, %arg5: memref<300xi32, #tpu.memory_space<smem>>, %arg6: memref<300xi32, #tpu.memory_space<smem>>) -> (i32, i32) {
    %c0_i32 = arith.constant 0 : i32
    %c0_i32_0 = arith.constant 0 : i32
    %c0_i32_1 = arith.constant 0 : i32
    return %c0_i32, %c0_i32_0 : i32, i32
  }
  func.func @transform_6(%arg0: i32, %arg1: memref<300xi32, #tpu.memory_space<smem>>, %arg2: memref<300xi32, #tpu.memory_space<smem>>, %arg3: memref<300xi32, #tpu.memory_space<smem>>, %arg4: memref<300xi32, #tpu.memory_space<smem>>, %arg5: memref<300xi32, #tpu.memory_space<smem>>, %arg6: memref<300xi32, #tpu.memory_space<smem>>) -> (i32, i32) {
    %c0_i32 = arith.constant 0 : i32
    %c0_i32_0 = arith.constant 0 : i32
    %c0_i32_1 = arith.constant 0 : i32
    return %c0_i32, %c0_i32_0 : i32, i32
  }
  func.func @transform_7(%arg0: i32, %arg1: memref<300xi32, #tpu.memory_space<smem>>, %arg2: memref<300xi32, #tpu.memory_space<smem>>, %arg3: memref<300xi32, #tpu.memory_space<smem>>, %arg4: memref<300xi32, #tpu.memory_space<smem>>, %arg5: memref<300xi32, #tpu.memory_space<smem>>, %arg6: memref<300xi32, #tpu.memory_space<smem>>) -> (i32, i32) {
    %c0_i32 = arith.constant 0 : i32
    %c0_i32_0 = arith.constant 0 : i32
    %c0_i32_1 = arith.constant 0 : i32
    return %c0_i32, %c0_i32_0 : i32, i32
  }
  func.func @transform_8(%arg0: i32, %arg1: memref<300xi32, #tpu.memory_space<smem>>, %arg2: memref<300xi32, #tpu.memory_space<smem>>, %arg3: memref<300xi32, #tpu.memory_space<smem>>, %arg4: memref<300xi32, #tpu.memory_space<smem>>, %arg5: memref<300xi32, #tpu.memory_space<smem>>, %arg6: memref<300xi32, #tpu.memory_space<smem>>) -> (i32, i32) {
    %c0_i32 = arith.constant 0 : i32
    %c0_i32_0 = arith.constant 0 : i32
    %c0_i32_1 = arith.constant 0 : i32
    return %c0_i32, %c0_i32_0 : i32, i32
  }
  func.func @transform_9(%arg0: i32, %arg1: memref<300xi32, #tpu.memory_space<smem>>, %arg2: memref<300xi32, #tpu.memory_space<smem>>, %arg3: memref<300xi32, #tpu.memory_space<smem>>, %arg4: memref<300xi32, #tpu.memory_space<smem>>, %arg5: memref<300xi32, #tpu.memory_space<smem>>, %arg6: memref<300xi32, #tpu.memory_space<smem>>) -> (i32, i32) {
    %c0_i32 = arith.constant 0 : i32
    %c0_i32_0 = arith.constant 0 : i32
    %c0_i32_1 = arith.constant 0 : i32
    return %c0_i32, %c0_i32_0 : i32, i32
  }
  func.func @transform_10(%arg0: i32, %arg1: memref<300xi32, #tpu.memory_space<smem>>, %arg2: memref<300xi32, #tpu.memory_space<smem>>, %arg3: memref<300xi32, #tpu.memory_space<smem>>, %arg4: memref<300xi32, #tpu.memory_space<smem>>, %arg5: memref<300xi32, #tpu.memory_space<smem>>, %arg6: memref<300xi32, #tpu.memory_space<smem>>) -> (i32, i32) {
    %c0_i32 = arith.constant 0 : i32
    %c0_i32_0 = arith.constant 0 : i32
    %c0_i32_1 = arith.constant 0 : i32
    return %c0_i32, %c0_i32_0 : i32, i32
  }
  func.func @transform_11(%arg0: i32, %arg1: memref<300xi32, #tpu.memory_space<smem>>, %arg2: memref<300xi32, #tpu.memory_space<smem>>, %arg3: memref<300xi32, #tpu.memory_space<smem>>, %arg4: memref<300xi32, #tpu.memory_space<smem>>, %arg5: memref<300xi32, #tpu.memory_space<smem>>, %arg6: memref<300xi32, #tpu.memory_space<smem>>) -> (i32, i32) {
    %c0_i32 = arith.constant 0 : i32
    %c0_i32_0 = arith.constant 0 : i32
    %c0_i32_1 = arith.constant 0 : i32
    return %c0_i32, %c0_i32_0 : i32, i32
  }
  func.func @transform_12(%arg0: i32, %arg1: memref<300xi32, #tpu.memory_space<smem>>, %arg2: memref<300xi32, #tpu.memory_space<smem>>, %arg3: memref<300xi32, #tpu.memory_space<smem>>, %arg4: memref<300xi32, #tpu.memory_space<smem>>, %arg5: memref<300xi32, #tpu.memory_space<smem>>, %arg6: memref<300xi32, #tpu.memory_space<smem>>) -> (i32, i32) {
    %c0_i32 = arith.constant 0 : i32
    %c0_i32_0 = arith.constant 0 : i32
    %c0_i32_1 = arith.constant 0 : i32
    return %c0_i32, %c0_i32_0 : i32, i32
  }
  func.func @transform_13(%arg0: i32, %arg1: memref<300xi32, #tpu.memory_space<smem>>, %arg2: memref<300xi32, #tpu.memory_space<smem>>, %arg3: memref<300xi32, #tpu.memory_space<smem>>, %arg4: memref<300xi32, #tpu.memory_space<smem>>, %arg5: memref<300xi32, #tpu.memory_space<smem>>, %arg6: memref<300xi32, #tpu.memory_space<smem>>) -> (i32, i32) {
    %c0_i32 = arith.constant 0 : i32
    %c0_i32_0 = arith.constant 0 : i32
    %c0_i32_1 = arith.constant 0 : i32
    return %c0_i32, %c0_i32_0 : i32, i32
  }
  func.func @transform_14(%arg0: i32, %arg1: memref<300xi32, #tpu.memory_space<smem>>, %arg2: memref<300xi32, #tpu.memory_space<smem>>, %arg3: memref<300xi32, #tpu.memory_space<smem>>, %arg4: memref<300xi32, #tpu.memory_space<smem>>, %arg5: memref<300xi32, #tpu.memory_space<smem>>, %arg6: memref<300xi32, #tpu.memory_space<smem>>) -> (i32, i32) {
    %get3A = arith.index_cast %arg0 : i32 to index
    %get3A_0 = memref.load %arg1[%get3A] : memref<300xi32, #tpu.memory_space<smem>>
    %c0_i32 = arith.constant 0 : i32
    %c0_i32_1 = arith.constant 0 : i32
    return %get3A_0, %c0_i32 : i32, i32
  }
  func.func @transform_15(%arg0: i32, %arg1: memref<300xi32, #tpu.memory_space<smem>>, %arg2: memref<300xi32, #tpu.memory_space<smem>>, %arg3: memref<300xi32, #tpu.memory_space<smem>>, %arg4: memref<300xi32, #tpu.memory_space<smem>>, %arg5: memref<300xi32, #tpu.memory_space<smem>>, %arg6: memref<300xi32, #tpu.memory_space<smem>>) -> (i32, i32) {
    %get3A = arith.index_cast %arg0 : i32 to index
    %get3A_0 = memref.load %arg1[%get3A] : memref<300xi32, #tpu.memory_space<smem>>
    %c0_i32 = arith.constant 0 : i32
    %c0_i32_1 = arith.constant 0 : i32
    return %get3A_0, %c0_i32 : i32, i32
  }
  func.func @transform_16(%arg0: i32, %arg1: memref<300xi32, #tpu.memory_space<smem>>, %arg2: memref<300xi32, #tpu.memory_space<smem>>, %arg3: memref<300xi32, #tpu.memory_space<smem>>, %arg4: memref<300xi32, #tpu.memory_space<smem>>, %arg5: memref<300xi32, #tpu.memory_space<smem>>, %arg6: memref<300xi32, #tpu.memory_space<smem>>) -> (i32, i32) {
    %get3A = arith.index_cast %arg0 : i32 to index
    %get3A_0 = memref.load %arg1[%get3A] : memref<300xi32, #tpu.memory_space<smem>>
    %c0_i32 = arith.constant 0 : i32
    %c0_i32_1 = arith.constant 0 : i32
    return %get3A_0, %c0_i32 : i32, i32
  }
}

module attributes {stable_mosaic.version = 14 : i64} {
  func.func @_segsum_body(%arg0: i32, %arg1: memref<300xi32, #tpu.memory_space<smem>>, %arg2: memref<300xi32, #tpu.memory_space<smem>>, %arg3: memref<300xi32, #tpu.memory_space<smem>>, %arg4: memref<300xi32, #tpu.memory_space<smem>>, %arg5: memref<300xi32, #tpu.memory_space<smem>>, %arg6: memref<300xi32, #tpu.memory_space<smem>>, %arg7: memref<1280x32xf32, #tpu.memory_space<vmem>>, %arg8: memref<1x1x1280xi32, #tpu.memory_space<vmem>>, %arg9: memref<200x32xf32, #tpu.memory_space<vmem>>) attributes {dimension_semantics = [#tpu.dimension_semantics<arbitrary>], iteration_bounds = array<i64: 300>, scalar_prefetch = 6 : i64, scratch_operands = 0 : i64, tpu.core_type = #tpu.core_type<tc>, window_params = [{transform_indices = @transform_0, window_bounds = array<i64: 1280, 32>}, {transform_indices = @transform_1, window_bounds = array<i64: 1, 1, 1280>}, {transform_indices = @transform_2, window_bounds = array<i64: 200, 32>}]} {
    %get3A = arith.index_cast %arg0 : i32 to index
    %get3A_0 = memref.load %arg1[%get3A] : memref<300xi32, #tpu.memory_space<smem>>
    %get3A_1 = arith.index_cast %arg0 : i32 to index
    %get3A_2 = memref.load %arg2[%get3A_1] : memref<300xi32, #tpu.memory_space<smem>>
    %get3A_3 = arith.index_cast %arg0 : i32 to index
    %get3A_4 = memref.load %arg3[%get3A_3] : memref<300xi32, #tpu.memory_space<smem>>
    %get3A_5 = arith.index_cast %arg0 : i32 to index
    %get3A_6 = memref.load %arg4[%get3A_5] : memref<300xi32, #tpu.memory_space<smem>>
    %get3A_7 = arith.constant 0 : index
    %get3A_8 = arith.constant 0 : index
    %get3A_9 = arith.constant 0 : index
    %get3A_10 = vector.load %arg8[%get3A_7, %get3A_8, %get3A_9] : memref<1x1x1280xi32, #tpu.memory_space<vmem>>, vector<1x1x1280xi32>
    %get3A_11 = vector.shape_cast %get3A_10 : vector<1x1x1280xi32> to vector<1x1280xi32>
    %mul3A = arith.constant 1280 : i32
    %mul3A_12 = arith.muli %get3A_0, %mul3A : i32
    %iota3A = tpu.iota {dimensions = array<i32: 1>} : vector<1x1280xi32>
    %add3A = vector.broadcast %mul3A_12 : i32 to vector<1x1280xi32>
    %add3A_13 = arith.addi %add3A, %iota3A : vector<1x1280xi32>
    %ge3A = vector.broadcast %get3A_4 : i32 to vector<1x1280xi32>
    %ge3A_14 = arith.cmpi sge, %add3A_13, %ge3A : vector<1x1280xi32>
    %lt3A = vector.broadcast %get3A_6 : i32 to vector<1x1280xi32>
    %lt3A_15 = arith.cmpi slt, %add3A_13, %lt3A : vector<1x1280xi32>
    %and3A = arith.andi %ge3A_14, %lt3A_15 : vector<1x1280xi1>
    %mul3A_16 = arith.constant 200 : i32
    %mul3A_17 = arith.muli %get3A_2, %mul3A_16 : i32
    %sub3A = vector.broadcast %mul3A_17 : i32 to vector<1x1280xi32>
    %sub3A_18 = arith.subi %get3A_11, %sub3A : vector<1x1280xi32>
    %iota3A_19 = tpu.iota {dimensions = array<i32: 0>} : vector<200x1280xi32>
    %eq3A = vector.broadcast %sub3A_18 : vector<1x1280xi32> to vector<200x1280xi32>
    %eq3A_20 = arith.cmpi eq, %iota3A_19, %eq3A : vector<200x1280xi32>
    %and3A_21 = vector.broadcast %and3A : vector<1x1280xi1> to vector<200x1280xi1>
    %and3A_22 = arith.andi %eq3A_20, %and3A_21 : vector<200x1280xi1>
    %convert_element_type3A = arith.extui %and3A_22 : vector<200x1280xi1> to vector<200x1280xi32>
    %convert_element_type3A_23 = arith.sitofp %convert_element_type3A : vector<200x1280xi32> to vector<200x1280xf32>
    %get3A_24 = arith.constant 0 : index
    %get3A_25 = arith.constant 0 : index
    %get3A_26 = vector.load %arg7[%get3A_24, %get3A_25] : memref<1280x32xf32, #tpu.memory_space<vmem>>, vector<1280x32xf32>
    %dot_general3A = arith.constant dense<0.000000e+00> : vector<200x32xf32>
    %dot_general3A_27 = tpu.matmul %convert_element_type3A_23, %get3A_26, %dot_general3A {dimension_numbers = #tpu.dot_dimension_numbers<[1], [0], [0], [1], [0, 0, 1, 1], [], []>, transpose_lhs_hint = false} : vector<200x1280xf32>, vector<1280x32xf32>, vector<200x32xf32> -> vector<200x32xf32>
    %get3A_28 = arith.index_cast %arg0 : i32 to index
    %get3A_29 = memref.load %arg5[%get3A_28] : memref<300xi32, #tpu.memory_space<smem>>
    %eq3A_30 = arith.constant 1 : i32
    %eq3A_31 = arith.cmpi eq, %get3A_29, %eq3A_30 : i32
    %convert_element_type3A_32 = arith.extui %eq3A_31 : i1 to i32
    %cond3A = arith.constant 0 : i32
    %cond3A_33 = arith.cmpi ne, %convert_element_type3A_32, %cond3A : i32
    scf.if %cond3A_33 {
      %swap3A = arith.constant 0 : index
      %swap3A_41 = arith.constant 0 : index
      %swap3A_42 = vector.load %arg9[%swap3A, %swap3A_41] : memref<200x32xf32, #tpu.memory_space<vmem>>, vector<200x32xf32>
      tpu.vector_store %arg9[%swap3A, %swap3A_41], %dot_general3A_27 {strides = array<i32>} : memref<200x32xf32, #tpu.memory_space<vmem>>, vector<200x32xf32>,
    } else {
    }
    %get3A_34 = arith.index_cast %arg0 : i32 to index
    %get3A_35 = memref.load %arg5[%get3A_34] : memref<300xi32, #tpu.memory_space<smem>>
    %eq3A_36 = arith.constant 0 : i32
    %eq3A_37 = arith.cmpi eq, %get3A_35, %eq3A_36 : i32
    %convert_element_type3A_38 = arith.extui %eq3A_37 : i1 to i32
    %cond3A_39 = arith.constant 0 : i32
    %cond3A_40 = arith.cmpi ne, %convert_element_type3A_38, %cond3A_39 : i32
    scf.if %cond3A_40 {
      %get3A_41 = arith.constant 0 : index
      %get3A_42 = arith.constant 0 : index
      %get3A_43 = vector.load %arg9[%get3A_41, %get3A_42] : memref<200x32xf32, #tpu.memory_space<vmem>>, vector<200x32xf32>
      %add3A_44 = arith.addf %get3A_43, %dot_general3A_27 : vector<200x32xf32>
      %swap3A = arith.constant 0 : index
      %swap3A_45 = arith.constant 0 : index
      %swap3A_46 = vector.load %arg9[%swap3A, %swap3A_45] : memref<200x32xf32, #tpu.memory_space<vmem>>, vector<200x32xf32>
      tpu.vector_store %arg9[%swap3A, %swap3A_45], %add3A_44 {strides = array<i32>} : memref<200x32xf32, #tpu.memory_space<vmem>>, vector<200x32xf32>,
    } else {
    }
    return
  }
  func.func @transform_0(%arg0: i32, %arg1: memref<300xi32, #tpu.memory_space<smem>>, %arg2: memref<300xi32, #tpu.memory_space<smem>>, %arg3: memref<300xi32, #tpu.memory_space<smem>>, %arg4: memref<300xi32, #tpu.memory_space<smem>>, %arg5: memref<300xi32, #tpu.memory_space<smem>>, %arg6: memref<300xi32, #tpu.memory_space<smem>>) -> (i32, i32) {
    %get3A = arith.index_cast %arg0 : i32 to index
    %get3A_0 = memref.load %arg1[%get3A] : memref<300xi32, #tpu.memory_space<smem>>
    %c0_i32 = arith.constant 0 : i32
    %c0_i32_1 = arith.constant 0 : i32
    return %get3A_0, %c0_i32 : i32, i32
  }
  func.func @transform_1(%arg0: i32, %arg1: memref<300xi32, #tpu.memory_space<smem>>, %arg2: memref<300xi32, #tpu.memory_space<smem>>, %arg3: memref<300xi32, #tpu.memory_space<smem>>, %arg4: memref<300xi32, #tpu.memory_space<smem>>, %arg5: memref<300xi32, #tpu.memory_space<smem>>, %arg6: memref<300xi32, #tpu.memory_space<smem>>) -> (i32, i32, i32) {
    %get3A = arith.index_cast %arg0 : i32 to index
    %get3A_0 = memref.load %arg1[%get3A] : memref<300xi32, #tpu.memory_space<smem>>
    %c0_i32 = arith.constant 0 : i32
    %c0_i32_1 = arith.constant 0 : i32
    %c0_i32_2 = arith.constant 0 : i32
    return %get3A_0, %c0_i32, %c0_i32_1 : i32, i32, i32
  }
  func.func @transform_2(%arg0: i32, %arg1: memref<300xi32, #tpu.memory_space<smem>>, %arg2: memref<300xi32, #tpu.memory_space<smem>>, %arg3: memref<300xi32, #tpu.memory_space<smem>>, %arg4: memref<300xi32, #tpu.memory_space<smem>>, %arg5: memref<300xi32, #tpu.memory_space<smem>>, %arg6: memref<300xi32, #tpu.memory_space<smem>>) -> (i32, i32) {
    %get3A = arith.index_cast %arg0 : i32 to index
    %get3A_0 = memref.load %arg2[%get3A] : memref<300xi32, #tpu.memory_space<smem>>
    %c0_i32 = arith.constant 0 : i32
    %c0_i32_1 = arith.constant 0 : i32
    return %get3A_0, %c0_i32 : i32, i32
  }
}

module attributes {stable_mosaic.version = 14 : i64} {
  func.func @_segsum2_body(%arg0: i32, %arg1: memref<300xi32, #tpu.memory_space<smem>>, %arg2: memref<300xi32, #tpu.memory_space<smem>>, %arg3: memref<300xi32, #tpu.memory_space<smem>>, %arg4: memref<300xi32, #tpu.memory_space<smem>>, %arg5: memref<300xi32, #tpu.memory_space<smem>>, %arg6: memref<300xi32, #tpu.memory_space<smem>>, %arg7: memref<300xi32, #tpu.memory_space<smem>>, %arg8: memref<300xi32, #tpu.memory_space<smem>>, %arg9: memref<300xi32, #tpu.memory_space<smem>>, %arg10: memref<300xi32, #tpu.memory_space<smem>>, %arg11: memref<300xi32, #tpu.memory_space<smem>>, %arg12: memref<300xi32, #tpu.memory_space<smem>>, %arg13: memref<1280x3xf32, #tpu.memory_space<vmem>>, %arg14: memref<1x1x1280xi32, #tpu.memory_space<vmem>>, %arg15: memref<1280x3xf32, #tpu.memory_space<vmem>>, %arg16: memref<1x1x1280xi32, #tpu.memory_space<vmem>>, %arg17: memref<200x3xf32, #tpu.memory_space<vmem>>, %arg18: memref<200x3xf32, #tpu.memory_space<vmem>>) attributes {dimension_semantics = [#tpu.dimension_semantics<arbitrary>], iteration_bounds = array<i64: 300>, scalar_prefetch = 12 : i64, scratch_operands = 0 : i64, tpu.core_type = #tpu.core_type<tc>, window_params = [{transform_indices = @transform_0, window_bounds = array<i64: 1280, 3>}, {transform_indices = @transform_1, window_bounds = array<i64: 1, 1, 1280>}, {transform_indices = @transform_2, window_bounds = array<i64: 1280, 3>}, {transform_indices = @transform_3, window_bounds = array<i64: 1, 1, 1280>}, {transform_indices = @transform_4, window_bounds = array<i64: 200, 3>}, {transform_indices = @transform_5, window_bounds = array<i64: 200, 3>}]} {
    %get3A = arith.index_cast %arg0 : i32 to index
    %get3A_0 = memref.load %arg1[%get3A] : memref<300xi32, #tpu.memory_space<smem>>
    %get3A_1 = arith.index_cast %arg0 : i32 to index
    %get3A_2 = memref.load %arg2[%get3A_1] : memref<300xi32, #tpu.memory_space<smem>>
    %get3A_3 = arith.index_cast %arg0 : i32 to index
    %get3A_4 = memref.load %arg3[%get3A_3] : memref<300xi32, #tpu.memory_space<smem>>
    %get3A_5 = arith.index_cast %arg0 : i32 to index
    %get3A_6 = memref.load %arg4[%get3A_5] : memref<300xi32, #tpu.memory_space<smem>>
    %get3A_7 = arith.constant 0 : index
    %get3A_8 = arith.constant 0 : index
    %get3A_9 = arith.constant 0 : index
    %get3A_10 = vector.load %arg14[%get3A_7, %get3A_8, %get3A_9] : memref<1x1x1280xi32, #tpu.memory_space<vmem>>, vector<1x1x1280xi32>
    %get3A_11 = vector.shape_cast %get3A_10 : vector<1x1x1280xi32> to vector<1x1280xi32>
    %mul3A = arith.constant 1280 : i32
    %mul3A_12 = arith.muli %get3A_0, %mul3A : i32
    %iota3A = tpu.iota {dimensions = array<i32: 1>} : vector<1x1280xi32>
    %add3A = vector.broadcast %mul3A_12 : i32 to vector<1x1280xi32>
    %add3A_13 = arith.addi %add3A, %iota3A : vector<1x1280xi32>
    %ge3A = vector.broadcast %get3A_4 : i32 to vector<1x1280xi32>
    %ge3A_14 = arith.cmpi sge, %add3A_13, %ge3A : vector<1x1280xi32>
    %lt3A = vector.broadcast %get3A_6 : i32 to vector<1x1280xi32>
    %lt3A_15 = arith.cmpi slt, %add3A_13, %lt3A : vector<1x1280xi32>
    %and3A = arith.andi %ge3A_14, %lt3A_15 : vector<1x1280xi1>
    %mul3A_16 = arith.constant 200 : i32
    %mul3A_17 = arith.muli %get3A_2, %mul3A_16 : i32
    %sub3A = vector.broadcast %mul3A_17 : i32 to vector<1x1280xi32>
    %sub3A_18 = arith.subi %get3A_11, %sub3A : vector<1x1280xi32>
    %iota3A_19 = tpu.iota {dimensions = array<i32: 0>} : vector<200x1280xi32>
    %eq3A = vector.broadcast %sub3A_18 : vector<1x1280xi32> to vector<200x1280xi32>
    %eq3A_20 = arith.cmpi eq, %iota3A_19, %eq3A : vector<200x1280xi32>
    %and3A_21 = vector.broadcast %and3A : vector<1x1280xi1> to vector<200x1280xi1>
    %and3A_22 = arith.andi %eq3A_20, %and3A_21 : vector<200x1280xi1>
    %convert_element_type3A = arith.extui %and3A_22 : vector<200x1280xi1> to vector<200x1280xi32>
    %convert_element_type3A_23 = arith.sitofp %convert_element_type3A : vector<200x1280xi32> to vector<200x1280xf32>
    %get3A_24 = arith.constant 0 : index
    %get3A_25 = arith.constant 0 : index
    %get3A_26 = vector.load %arg13[%get3A_24, %get3A_25] : memref<1280x3xf32, #tpu.memory_space<vmem>>, vector<1280x3xf32>
    %dot_general3A = arith.constant dense<0.000000e+00> : vector<200x3xf32>
    %dot_general3A_27 = tpu.matmul %convert_element_type3A_23, %get3A_26, %dot_general3A {dimension_numbers = #tpu.dot_dimension_numbers<[1], [0], [0], [1], [0, 0, 1, 1], [], []>, transpose_lhs_hint = false} : vector<200x1280xf32>, vector<1280x3xf32>, vector<200x3xf32> -> vector<200x3xf32>
    %get3A_28 = arith.index_cast %arg0 : i32 to index
    %get3A_29 = memref.load %arg7[%get3A_28] : memref<300xi32, #tpu.memory_space<smem>>
    %get3A_30 = arith.index_cast %arg0 : i32 to index
    %get3A_31 = memref.load %arg8[%get3A_30] : memref<300xi32, #tpu.memory_space<smem>>
    %get3A_32 = arith.index_cast %arg0 : i32 to index
    %get3A_33 = memref.load %arg9[%get3A_32] : memref<300xi32, #tpu.memory_space<smem>>
    %get3A_34 = arith.index_cast %arg0 : i32 to index
    %get3A_35 = memref.load %arg10[%get3A_34] : memref<300xi32, #tpu.memory_space<smem>>
    %get3A_36 = arith.constant 0 : index
    %get3A_37 = arith.constant 0 : index
    %get3A_38 = arith.constant 0 : index
    %get3A_39 = vector.load %arg16[%get3A_36, %get3A_37, %get3A_38] : memref<1x1x1280xi32, #tpu.memory_space<vmem>>, vector<1x1x1280xi32>
    %get3A_40 = vector.shape_cast %get3A_39 : vector<1x1x1280xi32> to vector<1x1280xi32>
    %mul3A_41 = arith.constant 1280 : i32
    %mul3A_42 = arith.muli %get3A_29, %mul3A_41 : i32
    %iota3A_43 = tpu.iota {dimensions = array<i32: 1>} : vector<1x1280xi32>
    %add3A_44 = vector.broadcast %mul3A_42 : i32 to vector<1x1280xi32>
    %add3A_45 = arith.addi %add3A_44, %iota3A_43 : vector<1x1280xi32>
    %ge3A_46 = vector.broadcast %get3A_33 : i32 to vector<1x1280xi32>
    %ge3A_47 = arith.cmpi sge, %add3A_45, %ge3A_46 : vector<1x1280xi32>
    %lt3A_48 = vector.broadcast %get3A_35 : i32 to vector<1x1280xi32>
    %lt3A_49 = arith.cmpi slt, %add3A_45, %lt3A_48 : vector<1x1280xi32>
    %and3A_50 = arith.andi %ge3A_47, %lt3A_49 : vector<1x1280xi1>
    %mul3A_51 = arith.constant 200 : i32
    %mul3A_52 = arith.muli %get3A_31, %mul3A_51 : i32
    %sub3A_53 = vector.broadcast %mul3A_52 : i32 to vector<1x1280xi32>
    %sub3A_54 = arith.subi %get3A_40, %sub3A_53 : vector<1x1280xi32>
    %iota3A_55 = tpu.iota {dimensions = array<i32: 0>} : vector<200x1280xi32>
    %eq3A_56 = vector.broadcast %sub3A_54 : vector<1x1280xi32> to vector<200x1280xi32>
    %eq3A_57 = arith.cmpi eq, %iota3A_55, %eq3A_56 : vector<200x1280xi32>
    %and3A_58 = vector.broadcast %and3A_50 : vector<1x1280xi1> to vector<200x1280xi1>
    %and3A_59 = arith.andi %eq3A_57, %and3A_58 : vector<200x1280xi1>
    %convert_element_type3A_60 = arith.extui %and3A_59 : vector<200x1280xi1> to vector<200x1280xi32>
    %convert_element_type3A_61 = arith.sitofp %convert_element_type3A_60 : vector<200x1280xi32> to vector<200x1280xf32>
    %get3A_62 = arith.constant 0 : index
    %get3A_63 = arith.constant 0 : index
    %get3A_64 = vector.load %arg15[%get3A_62, %get3A_63] : memref<1280x3xf32, #tpu.memory_space<vmem>>, vector<1280x3xf32>
    %dot_general3A_65 = arith.constant dense<0.000000e+00> : vector<200x3xf32>
    %dot_general3A_66 = tpu.matmul %convert_element_type3A_61, %get3A_64, %dot_general3A_65 {dimension_numbers = #tpu.dot_dimension_numbers<[1], [0], [0], [1], [0, 0, 1, 1], [], []>, transpose_lhs_hint = false} : vector<200x1280xf32>, vector<1280x3xf32>, vector<200x3xf32> -> vector<200x3xf32>
    %get3A_67 = arith.index_cast %arg0 : i32 to index
    %get3A_68 = memref.load %arg5[%get3A_67] : memref<300xi32, #tpu.memory_space<smem>>
    %eq3A_69 = arith.constant 1 : i32
    %eq3A_70 = arith.cmpi eq, %get3A_68, %eq3A_69 : i32
    %convert_element_type3A_71 = arith.extui %eq3A_70 : i1 to i32
    %cond3A = arith.constant 0 : i32
    %cond3A_72 = arith.cmpi ne, %convert_element_type3A_71, %cond3A : i32
    scf.if %cond3A_72 {
      %swap3A = arith.constant 0 : index
      %swap3A_94 = arith.constant 0 : index
      %swap3A_95 = vector.load %arg17[%swap3A, %swap3A_94] : memref<200x3xf32, #tpu.memory_space<vmem>>, vector<200x3xf32>
      tpu.vector_store %arg17[%swap3A, %swap3A_94], %dot_general3A_27 {strides = array<i32>} : memref<200x3xf32, #tpu.memory_space<vmem>>, vector<200x3xf32>,
    } else {
    }
    %get3A_73 = arith.index_cast %arg0 : i32 to index
    %get3A_74 = memref.load %arg5[%get3A_73] : memref<300xi32, #tpu.memory_space<smem>>
    %eq3A_75 = arith.constant 0 : i32
    %eq3A_76 = arith.cmpi eq, %get3A_74, %eq3A_75 : i32
    %convert_element_type3A_77 = arith.extui %eq3A_76 : i1 to i32
    %cond3A_78 = arith.constant 0 : i32
    %cond3A_79 = arith.cmpi ne, %convert_element_type3A_77, %cond3A_78 : i32
    scf.if %cond3A_79 {
      %get3A_94 = arith.constant 0 : index
      %get3A_95 = arith.constant 0 : index
      %get3A_96 = vector.load %arg17[%get3A_94, %get3A_95] : memref<200x3xf32, #tpu.memory_space<vmem>>, vector<200x3xf32>
      %add3A_97 = arith.addf %get3A_96, %dot_general3A_27 : vector<200x3xf32>
      %swap3A = arith.constant 0 : index
      %swap3A_98 = arith.constant 0 : index
      %swap3A_99 = vector.load %arg17[%swap3A, %swap3A_98] : memref<200x3xf32, #tpu.memory_space<vmem>>, vector<200x3xf32>
      tpu.vector_store %arg17[%swap3A, %swap3A_98], %add3A_97 {strides = array<i32>} : memref<200x3xf32, #tpu.memory_space<vmem>>, vector<200x3xf32>,
    } else {
    }
    %get3A_80 = arith.index_cast %arg0 : i32 to index
    %get3A_81 = memref.load %arg11[%get3A_80] : memref<300xi32, #tpu.memory_space<smem>>
    %eq3A_82 = arith.constant 1 : i32
    %eq3A_83 = arith.cmpi eq, %get3A_81, %eq3A_82 : i32
    %convert_element_type3A_84 = arith.extui %eq3A_83 : i1 to i32
    %cond3A_85 = arith.constant 0 : i32
    %cond3A_86 = arith.cmpi ne, %convert_element_type3A_84, %cond3A_85 : i32
    scf.if %cond3A_86 {
      %swap3A = arith.constant 0 : index
      %swap3A_94 = arith.constant 0 : index
      %swap3A_95 = vector.load %arg18[%swap3A, %swap3A_94] : memref<200x3xf32, #tpu.memory_space<vmem>>, vector<200x3xf32>
      tpu.vector_store %arg18[%swap3A, %swap3A_94], %dot_general3A_66 {strides = array<i32>} : memref<200x3xf32, #tpu.memory_space<vmem>>, vector<200x3xf32>,
    } else {
    }
    %get3A_87 = arith.index_cast %arg0 : i32 to index
    %get3A_88 = memref.load %arg11[%get3A_87] : memref<300xi32, #tpu.memory_space<smem>>
    %eq3A_89 = arith.constant 0 : i32
    %eq3A_90 = arith.cmpi eq, %get3A_88, %eq3A_89 : i32
    %convert_element_type3A_91 = arith.extui %eq3A_90 : i1 to i32
    %cond3A_92 = arith.constant 0 : i32
    %cond3A_93 = arith.cmpi ne, %convert_element_type3A_91, %cond3A_92 : i32
    scf.if %cond3A_93 {
      %get3A_94 = arith.constant 0 : index
      %get3A_95 = arith.constant 0 : index
      %get3A_96 = vector.load %arg18[%get3A_94, %get3A_95] : memref<200x3xf32, #tpu.memory_space<vmem>>, vector<200x3xf32>
      %add3A_97 = arith.addf %get3A_96, %dot_general3A_66 : vector<200x3xf32>
      %swap3A = arith.constant 0 : index
      %swap3A_98 = arith.constant 0 : index
      %swap3A_99 = vector.load %arg18[%swap3A, %swap3A_98] : memref<200x3xf32, #tpu.memory_space<vmem>>, vector<200x3xf32>
      tpu.vector_store %arg18[%swap3A, %swap3A_98], %add3A_97 {strides = array<i32>} : memref<200x3xf32, #tpu.memory_space<vmem>>, vector<200x3xf32>,
    } else {
    }
    return
  }
  func.func @transform_0(%arg0: i32, %arg1: memref<300xi32, #tpu.memory_space<smem>>, %arg2: memref<300xi32, #tpu.memory_space<smem>>, %arg3: memref<300xi32, #tpu.memory_space<smem>>, %arg4: memref<300xi32, #tpu.memory_space<smem>>, %arg5: memref<300xi32, #tpu.memory_space<smem>>, %arg6: memref<300xi32, #tpu.memory_space<smem>>, %arg7: memref<300xi32, #tpu.memory_space<smem>>, %arg8: memref<300xi32, #tpu.memory_space<smem>>, %arg9: memref<300xi32, #tpu.memory_space<smem>>, %arg10: memref<300xi32, #tpu.memory_space<smem>>, %arg11: memref<300xi32, #tpu.memory_space<smem>>, %arg12: memref<300xi32, #tpu.memory_space<smem>>) -> (i32, i32) {
    %get3A = arith.index_cast %arg0 : i32 to index
    %get3A_0 = memref.load %arg1[%get3A] : memref<300xi32, #tpu.memory_space<smem>>
    %c0_i32 = arith.constant 0 : i32
    %c0_i32_1 = arith.constant 0 : i32
    return %get3A_0, %c0_i32 : i32, i32
  }
  func.func @transform_1(%arg0: i32, %arg1: memref<300xi32, #tpu.memory_space<smem>>, %arg2: memref<300xi32, #tpu.memory_space<smem>>, %arg3: memref<300xi32, #tpu.memory_space<smem>>, %arg4: memref<300xi32, #tpu.memory_space<smem>>, %arg5: memref<300xi32, #tpu.memory_space<smem>>, %arg6: memref<300xi32, #tpu.memory_space<smem>>, %arg7: memref<300xi32, #tpu.memory_space<smem>>, %arg8: memref<300xi32, #tpu.memory_space<smem>>, %arg9: memref<300xi32, #tpu.memory_space<smem>>, %arg10: memref<300xi32, #tpu.memory_space<smem>>, %arg11: memref<300xi32, #tpu.memory_space<smem>>, %arg12: memref<300xi32, #tpu.memory_space<smem>>) -> (i32, i32, i32) {
    %get3A = arith.index_cast %arg0 : i32 to index
    %get3A_0 = memref.load %arg1[%get3A] : memref<300xi32, #tpu.memory_space<smem>>
    %c0_i32 = arith.constant 0 : i32
    %c0_i32_1 = arith.constant 0 : i32
    %c0_i32_2 = arith.constant 0 : i32
    return %get3A_0, %c0_i32, %c0_i32_1 : i32, i32, i32
  }
  func.func @transform_2(%arg0: i32, %arg1: memref<300xi32, #tpu.memory_space<smem>>, %arg2: memref<300xi32, #tpu.memory_space<smem>>, %arg3: memref<300xi32, #tpu.memory_space<smem>>, %arg4: memref<300xi32, #tpu.memory_space<smem>>, %arg5: memref<300xi32, #tpu.memory_space<smem>>, %arg6: memref<300xi32, #tpu.memory_space<smem>>, %arg7: memref<300xi32, #tpu.memory_space<smem>>, %arg8: memref<300xi32, #tpu.memory_space<smem>>, %arg9: memref<300xi32, #tpu.memory_space<smem>>, %arg10: memref<300xi32, #tpu.memory_space<smem>>, %arg11: memref<300xi32, #tpu.memory_space<smem>>, %arg12: memref<300xi32, #tpu.memory_space<smem>>) -> (i32, i32) {
    %get3A = arith.index_cast %arg0 : i32 to index
    %get3A_0 = memref.load %arg7[%get3A] : memref<300xi32, #tpu.memory_space<smem>>
    %c0_i32 = arith.constant 0 : i32
    %c0_i32_1 = arith.constant 0 : i32
    return %get3A_0, %c0_i32 : i32, i32
  }
  func.func @transform_3(%arg0: i32, %arg1: memref<300xi32, #tpu.memory_space<smem>>, %arg2: memref<300xi32, #tpu.memory_space<smem>>, %arg3: memref<300xi32, #tpu.memory_space<smem>>, %arg4: memref<300xi32, #tpu.memory_space<smem>>, %arg5: memref<300xi32, #tpu.memory_space<smem>>, %arg6: memref<300xi32, #tpu.memory_space<smem>>, %arg7: memref<300xi32, #tpu.memory_space<smem>>, %arg8: memref<300xi32, #tpu.memory_space<smem>>, %arg9: memref<300xi32, #tpu.memory_space<smem>>, %arg10: memref<300xi32, #tpu.memory_space<smem>>, %arg11: memref<300xi32, #tpu.memory_space<smem>>, %arg12: memref<300xi32, #tpu.memory_space<smem>>) -> (i32, i32, i32) {
    %get3A = arith.index_cast %arg0 : i32 to index
    %get3A_0 = memref.load %arg7[%get3A] : memref<300xi32, #tpu.memory_space<smem>>
    %c0_i32 = arith.constant 0 : i32
    %c0_i32_1 = arith.constant 0 : i32
    %c0_i32_2 = arith.constant 0 : i32
    return %get3A_0, %c0_i32, %c0_i32_1 : i32, i32, i32
  }
  func.func @transform_4(%arg0: i32, %arg1: memref<300xi32, #tpu.memory_space<smem>>, %arg2: memref<300xi32, #tpu.memory_space<smem>>, %arg3: memref<300xi32, #tpu.memory_space<smem>>, %arg4: memref<300xi32, #tpu.memory_space<smem>>, %arg5: memref<300xi32, #tpu.memory_space<smem>>, %arg6: memref<300xi32, #tpu.memory_space<smem>>, %arg7: memref<300xi32, #tpu.memory_space<smem>>, %arg8: memref<300xi32, #tpu.memory_space<smem>>, %arg9: memref<300xi32, #tpu.memory_space<smem>>, %arg10: memref<300xi32, #tpu.memory_space<smem>>, %arg11: memref<300xi32, #tpu.memory_space<smem>>, %arg12: memref<300xi32, #tpu.memory_space<smem>>) -> (i32, i32) {
    %get3A = arith.index_cast %arg0 : i32 to index
    %get3A_0 = memref.load %arg2[%get3A] : memref<300xi32, #tpu.memory_space<smem>>
    %c0_i32 = arith.constant 0 : i32
    %c0_i32_1 = arith.constant 0 : i32
    return %get3A_0, %c0_i32 : i32, i32
  }
  func.func @transform_5(%arg0: i32, %arg1: memref<300xi32, #tpu.memory_space<smem>>, %arg2: memref<300xi32, #tpu.memory_space<smem>>, %arg3: memref<300xi32, #tpu.memory_space<smem>>, %arg4: memref<300xi32, #tpu.memory_space<smem>>, %arg5: memref<300xi32, #tpu.memory_space<smem>>, %arg6: memref<300xi32, #tpu.memory_space<smem>>, %arg7: memref<300xi32, #tpu.memory_space<smem>>, %arg8: memref<300xi32, #tpu.memory_space<smem>>, %arg9: memref<300xi32, #tpu.memory_space<smem>>, %arg10: memref<300xi32, #tpu.memory_space<smem>>, %arg11: memref<300xi32, #tpu.memory_space<smem>>, %arg12: memref<300xi32, #tpu.memory_space<smem>>) -> (i32, i32) {
    %get3A = arith.index_cast %arg0 : i32 to index
    %get3A_0 = memref.load %arg8[%get3A] : memref<300xi32, #tpu.memory_space<smem>>
    %c0_i32 = arith.constant 0 : i32
    %c0_i32_1 = arith.constant 0 : i32
    return %get3A_0, %c0_i32 : i32, i32
  }
}

</mosaic_0001>

<sc_bundles>
// kernel: gather_offload_async_start.1
scs
__scs_entry_jumppad:
0x0: {  	(pc) =	sbr.rel $0x88, $3  }
0x1: {  	(tag) =	ssettag $0x0;
	lr =	simm.s32 $0x1  }
0x2: {  	[smem:$0x3F7D] =	sst lr;
	_ =	strace $0xD0000000  }
0x3: {  	_ = 	snop  }
0x4: {  	_ = 	snop  }
0x5: {  	_ = 	snop  }
0x6: {  	_ = 	snop  }
0x7: {  	_ = 	snop  }
__scs_overlays_trampoline_lowered:
0x8: {  	[smem:$0x3F8C] =	sst s0  }
0x9: {  	[smem:$0x3F8D] =	sst s1  }
0xa: {  	[smem:$0x3F8E] =	sst s2  }
0xb: {  	[smem:$0x3F8F] =	sst s3  }
0xc: {  	[smem:$0x3F90] =	sst s4  }
0xd: {  	[smem:$0x3F91] =	sst s5  }
0xe: {  	[smem:$0x3F92] =	sst s6  }
0xf: {  	[smem:$0x3F93] =	sst s7  }
0x10: {  	[smem:$0x3F94] =	sst s8  }
0x11: {  	[smem:$0x3F95] =	sst s9;
	s0 =	simm.s32 @!p0 $0x0  }
0x12: {  	s1 =	sld [smem:$0x3F7B];
	s0 =	simm.s32 @p0 $0x1  }
0x13: {  	[smem:$0x3F96] =	sst s0;
	s0 =	simm.s32 @!p1 $0x0  }
0x14: {  	s2 =	sld [smem:$0x3F7A];
	s0 =	simm.s32 @p1 $0x1  }
0x15: {  	[smem:$0x3F97] =	sst s0;
	s0 =	simm.s32 @!p2 $0x0  }
0x16: {  	s3 =	sld [smem:$0x3FDB];
	s0 =	simm.s32 @p2 $0x1  }
0x17: {  	s4 =	simm.s32 $0x1BF5;
	[smem:$0x3F99] =	sst s0  }
0x18: {  	s0 =	sld [smem:$0x3F7C];
	_ =	swait.ge [sflag:s4], $0x0  }
0x19: {  	s7 =	sld [smem:$0x3F7D]  }
0x1a: {  	s8 =	sadd.s32 $0xFFFFE003, lr  }
0x1b: {  	s9 =	sadd.s32 $0xFFFFFEF7, lr;
	s5 =	simm.s32 $0xFFFFFFFF;
	p2 =	slt.u32 s8, $0xFFFFF086  }
0x1c: {  	p1 =	slt.u32 s9, $0xF7A;
	s5 =	simm.s32 @!p2 $0x0  }
0x1d: {  	s5 =	simm.s32 @p1 $0x1;
	p0 =	seq.s32 s7, s2  }
0x1e: {  	s7 =	smul.u32 @!p0 $0xF7A, s2;
	p2 =	seq.s32 @!p0 s5, $0x0  }
0x1f: {  	s9 =	smul.u32 $0xF7A, s1;
	s8 =	simm.s32 @!p0 $0x1BF5;
	p2 =	por !p2, p0  }
0x20: {  	[sflag:s8] =	ssyncset.s32 @!p0 $0xFFFFF086;
	s6 =	sadd.s32 @!p0 s3, s7;
	s7 =	simm.s32 @!p0 $0x108  }
0x21: {  	s3 =	sadd.s32 s3, s9;
	s6 =	sadd.s32 @!p0 $0x88, s6;
	s7 =	simm.s32 @p2 $0x1082  }
0x22: {  	[simem:s7], [sflag:s8] =	dma.local @!p0 [hbm:s6], $0xF7A  }
0x23: {  	s9 =	sor.u32 $0xD0000000, s2;
	s6 =	simm.s32 $0x108;
	_ =	swait.ge @!p0 [sflag:s8], $0x0  }
0x24: {  	s3 =	sadd.s32 $0x88, s3;
	s6 =	simm.s32 @!p1 $0x1082;
	[sflag:s4] =	ssyncset.s32 $0xFFFFF086  }
0x25: {  	[simem:s6], [sflag:s4] =	dma.local [hbm:s3], $0xF7A  }
0x26: {  	[smem:$0x3F7D] =	sst s1;
	(tag) =	ssettag s2;
	_ =	strace s9  }
0x27: {  	s1 =	sld [smem:$0x3F8D]  }
0x28: {  	s2 =	sld [smem:$0x3F8E]  }
0x29: {  	s4 =	sld [smem:$0x3F90]  }
0x2a: {  	p0 =	seq.s32 s5, $0x0;
	s5 =	sld [smem:$0x3F91]  }
0x2b: {  	s6 =	sld [smem:$0x3F92]  }
0x2c: {  	s7 =	sld [smem:$0x3F93]  }
0x2d: {  	s3 =	simm.s32 $0x108;
	s8 =	sld [smem:$0x3F94]  }
0x2e: {  	s3 =	simm.s32 @!p0 $0x1082;
	s9 =	sld [smem:$0x3F95]  }
0x2f: {  	lr =	sadd.s32 s0, s3;
	s0 =	sld [smem:$0x3F8C]  }
0x30: {  	s3 =	sld [smem:$0x3F8F]  }
0x31: {  	[smem:$0x3F98] =	sst s10  }
0x32: {  	s10 =	sld [smem:$0x3F96];
	_ =	sdelay $0x3  }
0x33: {  	p0 =	seq.s32 s10, $0x1;
	s10 =	sld [smem:$0x3F98];
	_ =	sdelay $0x3  }
0x34: {  	[smem:$0x3F98] =	sst s10  }
0x35: {  	s10 =	sld [smem:$0x3F97];
	_ =	sdelay $0x3  }
0x36: {  	p1 =	seq.s32 s10, $0x1;
	s10 =	sld [smem:$0x3F98];
	_ =	sdelay $0x3  }
0x37: {  	[smem:$0x3F98] =	sst s10  }
0x38: {  	s10 =	sld [smem:$0x3F99]  }
0x39: {  	_ = 	snop;
	(pc) =	sbr.ind lr, $3  }
0x3a: {  	_ = 	snop  }
0x3b: {  	_ = 	snop  }
0x3c: {  	p2 =	seq.s32 s10, $0x1;
	s10 =	sld [smem:$0x3F98]  }
0x3d: {  	_ =	shalt  }
0x3e: {  	_ =	shalt  }
0x3f: {  	_ =	shalt  }
0x40: {  	_ =	shalt  }
0x41: {  	_ =	shalt  }
0x42: {  	_ =	shalt  }
0x43: {  	_ =	shalt  }
0x44: {  	_ =	shalt  }
0x45: {  	_ =	shalt  }
0x46: {  	_ =	shalt  }
0x47: {  	_ =	shalt  }
0x48: {  	_ =	shalt  }
0x49: {  	_ =	shalt  }
0x4a: {  	_ =	shalt  }
0x4b: {  	_ =	shalt  }
0x4c: {  	_ =	shalt  }
0x4d: {  	_ =	shalt  }
0x4e: {  	_ =	shalt  }
0x4f: {  	_ =	shalt  }
0x50: {  	_ =	shalt  }
0x51: {  	_ =	shalt  }
0x52: {  	_ =	shalt  }
0x53: {  	_ =	shalt  }
0x54: {  	_ =	shalt  }
0x55: {  	_ =	shalt  }
0x56: {  	_ =	shalt  }
0x57: {  	_ =	shalt  }
0x58: {  	_ =	shalt  }
0x59: {  	_ =	shalt  }
0x5a: {  	_ =	shalt  }
0x5b: {  	_ =	shalt  }
0x5c: {  	_ =	shalt  }
0x5d: {  	_ =	shalt  }
0x5e: {  	_ =	shalt  }
0x5f: {  	_ =	shalt  }
0x60: {  	_ =	shalt  }
0x61: {  	_ =	shalt  }
0x62: {  	_ =	shalt  }
0x63: {  	_ =	shalt  }
0x64: {  	_ =	shalt  }
0x65: {  	_ =	shalt  }
0x66: {  	_ =	shalt  }
0x67: {  	_ =	shalt  }
0x68: {  	_ =	shalt  }
0x69: {  	_ =	shalt  }
0x6a: {  	_ =	shalt  }
0x6b: {  	_ =	shalt  }
0x6c: {  	_ =	shalt  }
0x6d: {  	_ =	shalt  }
0x6e: {  	_ =	shalt  }
0x6f: {  	_ =	shalt  }
0x70: {  	_ =	shalt  }
0x71: {  	_ =	shalt  }
0x72: {  	_ =	shalt  }
0x73: {  	_ =	shalt  }
0x74: {  	_ =	shalt  }
0x75: {  	_ =	shalt  }
0x76: {  	_ =	shalt  }
0x77: {  	_ =	shalt  }
0x78: {  	_ =	shalt  }
0x79: {  	_ =	shalt  }
0x7a: {  	_ =	shalt  }
0x7b: {  	_ =	shalt  }
0x7c: {  	_ =	shalt  }
0x7d: {  	_ =	shalt  }
0x7e: {  	_ =	shalt  }
0x7f: {  	_ =	shalt  }
0x80: {  	_ =	shalt  }
0x81: {  	_ =	shalt  }
0x82: {  	_ =	shalt  }
0x83: {  	_ =	shalt  }
0x84: {  	_ =	shalt  }
0x85: {  	_ =	shalt  }
0x86: {  	_ =	shalt  }
0x87: {  	_ =	shalt  }
.Lfunc_end0:
.L_simem_size_0:
called_computation.1_lowered:
.L_overlay_start_0:
0x88: {  	s2 =	sld [smem:$0x3FD9]  }
0x89: {  	s3 =	sld [smem:$0x3FFE];
	_ =	sdelay $0x1  }
0x8a: {  	s1 =	srdreg.scid  }
0x8b: {  	s0 =	sand.u32 $0x1, s1  }
0x8c: {  	s16 =	sshll.u32 s0, $0xA;
	s2 =	sadd.s32 s3, s2  }
0x8d: {  	s2 =	sadd.s32 s2, s16  }
0x8e: {  	[smem:$0x3FA4] =	sst s2  }
0x8f: {  	_ = 	snop  }
0x90: {  	(tm) =	ssettm $0x1  }
0x91: {  	s17 =	sld [smem:$0x3FFB];
	_ =	sdelay $0x3  }
0x92: {  	_ =	strace s17  }
0x93: {  	s2 =	sld [smem:$0x3FFC];
	_ =	sdelay $0x3  }
0x94: {  	_ =	strace s2  }
0x95: {  	s2 =	sld [smem:$0x3FFD];
	_ =	sdelay $0x3  }
0x96: {  	_ =	strace s2  }
0x97: {  	_ =	strace $0x8FFFFFFF  }
0x98: {  	s18 =	sld [smem:$0x3FDB];
	_ =	sdelay $0x1  }
0x99: {  	s19 =	simm.s32 $_scs_section_size  }
0x9a: {  	s4 =	simm.s32 $_size__tile_overlayer_lowered;
	s5 =	simm.s32 $_tile_overlayer_lowered  }
0x9b: {  	s22 =	simm.s32 $0x1BFF;
	s21 =	sshll.u32 s5, $0x1;
	s2 =	sadd.s32 s19, s18  }
0x9c: {  	s6 =	simm.s32 $0x0;
	s20 =	sshll.u32 s4, $0x1;
	s4 =	sadd.s32 s21, s2  }
0x9d: {  	[timem:s6], [sflag:s22] =	dma.local [hbm:s4], s20  }
0x9e: {  	_ =	swait.ge [sflag:s22], s20  }
0x9f: {  	s3 =	ssub.s32 $0x0, s20;
	[sflag:s22] =	ssyncset.done $0x0  }
0xa0: {  	[sflag:s22] =	ssyncadd.s32 s3;
	_ =	sdelay $0x1  }
0xa1: {  	s23 =	simm.s32 $0x1B8B  }
0xa2: {  	_ =	swait.ge [sflag:s23], $0x1  }
0xa3: {  	[sflag:s23] =	ssyncset.done $0x0  }
0xa4: {  	s25 =	simm.s32 $0x1B8E;
	s24 =	sld [smem:$0x3FFE];
	[sflag:s23] =	ssyncadd.s32 $0xFFFFFFFF  }
0xa5: {  	s26 =	simm.s32 $execute0_lowered;
	[smem:$0x3FD2] =	sst s25  }
0xa6: {  	s4 =	sshll.u32 s26, $0x1;
	_ =	strace $0x80000046;
	[dreg:$0x1] =	wrdreg $0xFFFFFFFF  }
0xa7: {  	s28 =	simm.s32 $_size_execute0_lowered;
	s2 =	sadd.s32 s2, s4;
	[dreg:$0x0] =	wrdreg $0x0  }
0xa8: {  	s4 =	sshll.u32 s28, $0x1;
	[dreg:$0x2] =	wrdreg s2  }
0xa9: {  	[dreg:$0x3] =	wrdreg s4  }
0xaa: {  	[dreg:$0x4] =	wrdreg $0xC0  }
0xab: {  	_ =	task [dreg:s6], $0x5FFFF  }
0xac: {  	[dreg:$0x1] =	wrdreg $0xFFFFFFFF  }
0xad: {  	[dreg:$0x0] =	wrdreg $0x60  }
0xae: {  	[dreg:$0x2] =	wrdreg s24  }
0xaf: {  	[dreg:$0x3] =	wrdreg $0x9  }
0xb0: {  	_ =	task.clear_ibuf [dreg:s6], $0x4FFFF;
	_ =	strace $0x90000046  }
0xb1: {  	s29 =	simm.s32 $0x9;
	_ =	strace $0x80000048  }
0xb2: {  	_ =	swait.ge [sflag:s29], $0x1  }
0xb3: {  	[sflag:s29] =	ssyncadd.s32 $0xFFFFFFFF  }
0xb4: {  	_ =	strace $0x90000048  }
0xb5: {  	_ =	sfence  }
0xb6: {  	s30 =	sld [smem:$0x0];
	_ =	sdelay $0x2  }
0xb7: {  	s31 =	sshll.u32 s1, $0xD;
	s1 =	sshrl.u32 s1, $0x2  }
0xb8: {  	s3 =	sand.u32 $0x4000, s31;
	s1 =	sadd.s32 s1, s30  }
0xb9: {  	s0 =	sor.u32 s3, s0;
	s1 =	sshll.u32 s1, $0x11  }
0xba: {  	s0 =	sor.u32 s1, s0  }
0xbb: {  	s0 =	sadd.s32 $0x8F2B, s0  }
0xbc: {  	[sflag:s0] =	ssyncadd.remote.s32 $0x1  }
0xbd: {  	_ =	sfence.sel $0xFFFF  }
0xbe: {  	[dreg:$0x0] =	wrdreg $0xFFFFFFFF;
	(pc) =	sbr.abs _section_cstart, $3  }
0xbf: {  	[dreg:$0x1] =	wrdreg $0xFFFFFFFF  }
0xc0: {  	_ =	task.clear_ibuf [dreg:s6], $0x2FFFF;
	_ =	strace $0x9FFFFFFF  }
0xc1: {  	(tm) =	ssettm $0x7FFFFFFF  }
tec
execute0_lowered:
.L_overlay_start_1:
0x0: {  	(tag) =	ssettag $0x1  }
0x1: {  	s8 =	rddreg [dreg:$0x0]  }
0x2: {  	s0 =	rddreg [dreg:$0x1];
	_ =	strace $0x80000047;
	s1 =	stileid.u32  }
0x3: {  	s3 =	srdreg.scid;
	s4 =	simm.s32 $0x1;
	s7 =	simm.s32 $0x1  }
0x4: {  	s9 =	simm.s32 $0x1;
	s10 =	simm.s32 $0x3;
	s13 =	simm.s32 $0x0  }
0x5: {  	s12 =	simm.s32 $0x0;
	s5 =	sand.u32 $0x1, s3;
	s6 =	sshll.u32 s1, $0x1  }
0x6: {  	s2 =	sadd.s32 $0x22800, s8;
	s3 =	sadd.s32 $0x36400, s8;
	s5 =	sor.u32 s6, s5  }
.Ltmp0:
0x7: {  	[sflag:s4] =	ssyncpa.u1 $0x0;
	p0 =	slt.u32 s5, $0x9;
	(pc) =	sbr.rel .LBB2_1-.Ltmp0, $4  }
0x8: {  	s6 =	simm.s32 $0x2;
	s7 =	simm.s32 @!p0 $0x0;
	p0 =	sne.s32 s5, $0x8  }
0x9: {  	[sflag:s6] =	ssyncpa.u1 $0x0;
	s5 =	smul.u32 $0x1F40, s5;
	s9 =	simm.s32 @!p0 $0x0  }
0xa: {  	s8 =	sadd.s32 $0xB8800, s8;
	[sflag:s10] =	ssyncpa.u1 $0x0;
	s7 =	sadd.s32 s9, s7  }
0xb: {  	vm0 =	vmmov $0xffff;
	s10 =	simm.s32 $0x0;
	s11 =	smov.u32 s5;
	s9 =	sadd.s32 $0x1, s7  }
.LBB2_4:
0xc: {  	v2 =	vnsel vm1, $0x0, v2  }
0xd: {  	vm1 =	vgt.s32 v0, $0x0;
	v2 =	vmin.u32 v2, $0x4E1FF  }
0xe: {  	v0 =	vnsel vm1, $0x0, v0  }
0xf: {  	v0 =	vmin.u32 v0, $0x4E1FF  }
0x10: {  	[tilespmem:s18], [sflag:$0x1] =	stream.indirect_vreg.gather [hbm4b:s2+s10], $0x1, v1, vm0, $0x4038;
	[tilespmem:$0x7D00] =	vst v63  }
0x11: {  	(ifvalue) =	ssetifvalue $0x7FFFFFFF  }
0x12: {  	[tilespmem:s15], [sflag:$0x1] =	stream.indirect_vreg.gather [hbm4b:s2+s10], $0x1, v2, vm0, $0x4038;
	[tilespmem:$0x7D00] =	vst v63  }
0x13: {  	s29 =	sadd.s32 $0x10, s15;
	(ifvalue) =	ssetifvalue $0x7FFFFFFF  }
0x14: {  	[tilespmem:s29], [sflag:$0x1] =	stream.indirect_vreg.gather [hbm4b:s2+s10], $0x1, v0, vm0, $0x4038;
	[tilespmem:$0x7D00] =	vst v63  }
0x15: {  	_ =	swait.ge [sflag:s4], $0x1F40  }
0x16: {  	s30 =	sshrl.u32 s13, $0x3;
	[sflag:s4] =	ssyncset.done $0x0  }
0x17: {  	s31 =	sand.u32 $0x7, s13;
	s15 =	sadd.s32 s8, s30;
	[sflag:s4] =	ssyncadd.s32 $0xFFFFE0C0  }
0x18: {  	[hbm4b:s15+s31] =	stream.linear.scatter [tilespmem:s14], [sflag:$0x3], $0x1F40, $0x38;
	[tilespmem:$0x7D00] =	vst v63  }
.LBB2_5:
0x19: {  	s15 =	sadd.s32 $0x3E800, s11  }
0x1a: {  	p1 =	sgt.s32 s15, $0x4E1FF  }
0x1b: {  	s15 =	smov.u32 @p1 s5;
	p1 =	sne.s32 s12, s9  }
.Ltmp1:
0x1c: {  	p0 =	slt.u32 s12, $0x2;
	(pc) =	sbr.rel @!p1 .LBB2_6-.Ltmp1, $4  }
0x1d: {  	s14 =	simm.s32 @!p0 $0x3  }
0x1e: {  	_ =	swait.ge @!p0 [sflag:s14], $0x1F40  }
0x1f: {  	s16 =	sadd.s32 $0x1, s12;
	s13 =	smov.u32 s11;
	[sflag:s14] =	ssyncset.done @!p0 $0x0  }
0x20: {  	s12 =	smov.u32 s16;
	s11 =	smov.u32 s15;
	[sflag:s14] =	ssyncadd.s32 @!p0 $0xFFFFE0C0  }
.LBB2_1:
0x21: {  	p0 =	sge.u32 s12, s7  }
0x22: {  	s14 =	sxor.u32 @!p0 $0x1, s12  }
0x23: {  	s14 =	smul.u32 @!p0 $0x7D00, s14  }
0x24: {  	s31 =	sadd.s32 $0xFFFFFFFF, s12;
	s15 =	sshrl.u32 @!p0 s11, $0x3  }
0x25: {  	s16 =	sand.u32 @!p0 $0x7, s11;
	s15 =	sadd.s32 @!p0 s3, s15;
	s14 =	sshra.s32 @!p0 s14, $0x2  }
0x26: {  	[tilespmem:s14], [sflag:$0x2] =	stream.linear.gather @!p0 [hbm4b:s15+s16], $0x1F40, $0x38;
	[tilespmem:$0x7D00] =	vst v63  }
0x27: {  	p0 =	sge.u32 s31, s7  }
.Ltmp2:
0x28: {  	_ = 	snop;
	(pc) =	sbr.rel @p0 .LBB2_5-.Ltmp2, $1  }
0x29: {  	_ =	sdelay $0x3  }
0x2a: {  	s14 =	sand.u32 $0x1, s12  }
0x2b: {  	_ =	swait.ge [sflag:s6], $0x1F40;
	p0 =	seq.s32 s14, $0x1;
	s14 =	simm.s32 $0x1F40  }
0x2c: {  	[sflag:s6] =	ssyncset.done $0x0;
	s14 =	simm.s32 @!p0 $0x0  }
0x2d: {  	[sflag:s6] =	ssyncadd.s32 $0xFFFFE0C0;
	(ifvalue) =	ssetifvalue $0x7FFFFFFF;
	v0 =	vld.msk [tilespmem:s14+$0x0 ss:$0x1], $0xffff;
	_ =	sdelay $0x4  }
0x2e: {  	s15 =	sadd.s32 $0x10, s14;
	vm1 =	vgt.s32 v0, $0x0  }
0x2f: {  	v2 =	vld.msk [tilespmem:s15+$0x0 ss:$0x1], $0xffff;
	v1 =	vnsel vm1, $0x0, v0  }
0x30: {  	v1 =	vmin.u32 v1, $0x4E1FF;
	_ =	sdelay $0x2  }
0x31: {  	s17 =	simm.s32 $0x20;
	s14 =	sadd.s32 $0x3E80, s14;
	s16 =	sadd.s32 $0x10, s15  }
0x32: {  	s15 =	sadd.s32 $0x10, s14;
	s18 =	smov.u32 s14;
	v0 =	vld.msk [tilespmem:s16+$0x0 ss:$0x1], $0xffff;
	vm1 =	vgt.s32 v2, $0x0;
	(ifvalue) =	ssetifvalue $0x7FFFFFFF  }
.LBB2_3:
0x33: {  	[tilespmem:s18], [sflag:$0x1] =	stream.indirect_vreg.gather [hbm4b:s2+s10], $0x1, v1, vm0, $0x4038;
	[tilespmem:$0x7D00] =	vst v63  }
0x34: {  	s17 =	sadd.s32 $0x10, s17  }
0x35: {  	v2 =	vnsel vm1, $0x0, v2;
	p0 =	slt.u32 s17, $0x1F30  }
.Ltmp3:
0x36: {  	s18 =	smov.u32 s15;
	v1 =	vmin.u32 v2, $0x4E1FF;
	(pc) =	sbr.rel @p0 .LBB2_3-.Ltmp3, $3  }
0x37: {  	_ =	sdelay $0x1  }
0x38: {  	s16 =	sadd.s32 $0x10, s16  }
0x39: {  	vm1 =	vgt.s32 v0, $0x0;
	s15 =	sadd.s32 $0x10, s15;
	v2 =	vmov v0;
	(ifvalue) =	ssetifvalue $0x7FFFFFFF;
	v0 =	vld.msk [tilespmem:s16+$0x0 ss:$0x1], $0xffff  }
.Ltmp4:
0x3a: {  	_ = 	snop;
	(pc) =	sbr.rel .LBB2_4-.Ltmp4, $1  }
0x3b: {  	_ =	sdelay $0x3  }
.LBB2_6:
0x3c: {  	_ =	sfence.sel $0x180000  }
0x3d: {  	s2 =	simm.s32 $0x2;
	[bflag:$0x0] =	sbarrier.arrive $0xFFFF  }
0x3e: {  	s30 =	simm.s32 $0x3;
	[sflag:s2] =	ssyncpa.u1 $0x1  }
0x3f: {  	s31 =	simm.s32 $0x1;
	[sflag:s30] =	ssyncpa.u1 $0x1  }
0x40: {  	[sflag:s31] =	ssyncpa.u1 $0x1  }
0x41: {  	p0 =	sne.s32 s1, $0x0;
	_ =	strace $0x90000047  }
0x42: {  	s0 =	sadd.s32 @!p0 $0x100000, s0;
	[bflag:$0x2] =	sbarrier.arrive $0xFFFF  }
0x43: {  	[sflag:s0] =	ssyncadd.tile.s32 @!p0 $0x1;
	_ =	shalt  }
.Lfunc_end2:
_tile_overlayer_lowered:
.L_overlay_start_2:
0x44: {  	(tag) =	ssettag $0x2  }
0x45: {  	s0 =	rddreg [dreg:$0x0];
	s2 =	stileid.u32  }
0x46: {  	s1 =	rddreg [dreg:$0x1];
	p0 =	sne.s32 s2, $0x0  }
0x47: {  	s3 =	rddreg [dreg:$0x2];
	[bflag:$0x3] =	sbarrier.arrive $0xFFFF;
	s2 =	simm.s32 @!p0 $0x1C01  }
0x48: {  	[timem:s3], [sflag:s2] =	dma.local @!p0 [hbm:s0], s1  }
0x49: {  	s0 =	simm.s32 @!p0 $0x1  }
0x4a: {  	_ =	swait.ge @!p0 [sflag:s0], s1  }
0x4b: {  	s1 =	ssub.s32 @!p0 $0x0, s1;
	[sflag:s0] =	ssyncset.done @!p0 $0x0  }
0x4c: {  	[sflag:s0] =	ssyncadd.s32 @!p0 s1  }
0x4d: {  	[bflag:$0x3] =	sbarrier.arrive $0xFFFF  }
0x4e: {  	_ =	shalt  }

// kernel: gather_offload_async_start.2
scs
__scs_entry_jumppad:
0x0: {  	(pc) =	sbr.rel $0x88, $3  }
0x1: {  	(tag) =	ssettag $0x0;
	lr =	simm.s32 $0x1  }
0x2: {  	[smem:$0x3F7D] =	sst lr;
	_ =	strace $0xD0000000  }
0x3: {  	_ = 	snop  }
0x4: {  	_ = 	snop  }
0x5: {  	_ = 	snop  }
0x6: {  	_ = 	snop  }
0x7: {  	_ = 	snop  }
__scs_overlays_trampoline_lowered:
0x8: {  	[smem:$0x3F8C] =	sst s0  }
0x9: {  	[smem:$0x3F8D] =	sst s1  }
0xa: {  	[smem:$0x3F8E] =	sst s2  }
0xb: {  	[smem:$0x3F8F] =	sst s3  }
0xc: {  	[smem:$0x3F90] =	sst s4  }
0xd: {  	[smem:$0x3F91] =	sst s5  }
0xe: {  	[smem:$0x3F92] =	sst s6  }
0xf: {  	[smem:$0x3F93] =	sst s7  }
0x10: {  	[smem:$0x3F94] =	sst s8  }
0x11: {  	[smem:$0x3F95] =	sst s9;
	s0 =	simm.s32 @!p0 $0x0  }
0x12: {  	s1 =	sld [smem:$0x3F7B];
	s0 =	simm.s32 @p0 $0x1  }
0x13: {  	[smem:$0x3F96] =	sst s0;
	s0 =	simm.s32 @!p1 $0x0  }
0x14: {  	s2 =	sld [smem:$0x3F7A];
	s0 =	simm.s32 @p1 $0x1  }
0x15: {  	[smem:$0x3F97] =	sst s0;
	s0 =	simm.s32 @!p2 $0x0  }
0x16: {  	s3 =	sld [smem:$0x3FDB];
	s0 =	simm.s32 @p2 $0x1  }
0x17: {  	s4 =	simm.s32 $0x1BF5;
	[smem:$0x3F99] =	sst s0  }
0x18: {  	s0 =	sld [smem:$0x3F7C];
	_ =	swait.ge [sflag:s4], $0x0  }
0x19: {  	s7 =	sld [smem:$0x3F7D]  }
0x1a: {  	s8 =	sadd.s32 $0xFFFFE003, lr  }
0x1b: {  	s9 =	sadd.s32 $0xFFFFFEF7, lr;
	s5 =	simm.s32 $0xFFFFFFFF;
	p2 =	slt.u32 s8, $0xFFFFF086  }
0x1c: {  	p1 =	slt.u32 s9, $0xF7A;
	s5 =	simm.s32 @!p2 $0x0  }
0x1d: {  	s5 =	simm.s32 @p1 $0x1;
	p0 =	seq.s32 s7, s2  }
0x1e: {  	s7 =	smul.u32 @!p0 $0xF7A, s2;
	p2 =	seq.s32 @!p0 s5, $0x0  }
0x1f: {  	s9 =	smul.u32 $0xF7A, s1;
	s8 =	simm.s32 @!p0 $0x1BF5;
	p2 =	por !p2, p0  }
0x20: {  	[sflag:s8] =	ssyncset.s32 @!p0 $0xFFFFF086;
	s6 =	sadd.s32 @!p0 s3, s7;
	s7 =	simm.s32 @!p0 $0x108  }
0x21: {  	s3 =	sadd.s32 s3, s9;
	s6 =	sadd.s32 @!p0 $0x88, s6;
	s7 =	simm.s32 @p2 $0x1082  }
0x22: {  	[simem:s7], [sflag:s8] =	dma.local @!p0 [hbm:s6], $0xF7A  }
0x23: {  	s9 =	sor.u32 $0xD0000000, s2;
	s6 =	simm.s32 $0x108;
	_ =	swait.ge @!p0 [sflag:s8], $0x0  }
0x24: {  	s3 =	sadd.s32 $0x88, s3;
	s6 =	simm.s32 @!p1 $0x1082;
	[sflag:s4] =	ssyncset.s32 $0xFFFFF086  }
0x25: {  	[simem:s6], [sflag:s4] =	dma.local [hbm:s3], $0xF7A  }
0x26: {  	[smem:$0x3F7D] =	sst s1;
	(tag) =	ssettag s2;
	_ =	strace s9  }
0x27: {  	s1 =	sld [smem:$0x3F8D]  }
0x28: {  	s2 =	sld [smem:$0x3F8E]  }
0x29: {  	s4 =	sld [smem:$0x3F90]  }
0x2a: {  	p0 =	seq.s32 s5, $0x0;
	s5 =	sld [smem:$0x3F91]  }
0x2b: {  	s6 =	sld [smem:$0x3F92]  }
0x2c: {  	s7 =	sld [smem:$0x3F93]  }
0x2d: {  	s3 =	simm.s32 $0x108;
	s8 =	sld [smem:$0x3F94]  }
0x2e: {  	s3 =	simm.s32 @!p0 $0x1082;
	s9 =	sld [smem:$0x3F95]  }
0x2f: {  	lr =	sadd.s32 s0, s3;
	s0 =	sld [smem:$0x3F8C]  }
0x30: {  	s3 =	sld [smem:$0x3F8F]  }
0x31: {  	[smem:$0x3F98] =	sst s10  }
0x32: {  	s10 =	sld [smem:$0x3F96];
	_ =	sdelay $0x3  }
0x33: {  	p0 =	seq.s32 s10, $0x1;
	s10 =	sld [smem:$0x3F98];
	_ =	sdelay $0x3  }
0x34: {  	[smem:$0x3F98] =	sst s10  }
0x35: {  	s10 =	sld [smem:$0x3F97];
	_ =	sdelay $0x3  }
0x36: {  	p1 =	seq.s32 s10, $0x1;
	s10 =	sld [smem:$0x3F98];
	_ =	sdelay $0x3  }
0x37: {  	[smem:$0x3F98] =	sst s10  }
0x38: {  	s10 =	sld [smem:$0x3F99]  }
0x39: {  	_ = 	snop;
	(pc) =	sbr.ind lr, $3  }
0x3a: {  	_ = 	snop  }
0x3b: {  	_ = 	snop  }
0x3c: {  	p2 =	seq.s32 s10, $0x1;
	s10 =	sld [smem:$0x3F98]  }
0x3d: {  	_ =	shalt  }
0x3e: {  	_ =	shalt  }
0x3f: {  	_ =	shalt  }
0x40: {  	_ =	shalt  }
0x41: {  	_ =	shalt  }
0x42: {  	_ =	shalt  }
0x43: {  	_ =	shalt  }
0x44: {  	_ =	shalt  }
0x45: {  	_ =	shalt  }
0x46: {  	_ =	shalt  }
0x47: {  	_ =	shalt  }
0x48: {  	_ =	shalt  }
0x49: {  	_ =	shalt  }
0x4a: {  	_ =	shalt  }
0x4b: {  	_ =	shalt  }
0x4c: {  	_ =	shalt  }
0x4d: {  	_ =	shalt  }
0x4e: {  	_ =	shalt  }
0x4f: {  	_ =	shalt  }
0x50: {  	_ =	shalt  }
0x51: {  	_ =	shalt  }
0x52: {  	_ =	shalt  }
0x53: {  	_ =	shalt  }
0x54: {  	_ =	shalt  }
0x55: {  	_ =	shalt  }
0x56: {  	_ =	shalt  }
0x57: {  	_ =	shalt  }
0x58: {  	_ =	shalt  }
0x59: {  	_ =	shalt  }
0x5a: {  	_ =	shalt  }
0x5b: {  	_ =	shalt  }
0x5c: {  	_ =	shalt  }
0x5d: {  	_ =	shalt  }
0x5e: {  	_ =	shalt  }
0x5f: {  	_ =	shalt  }
0x60: {  	_ =	shalt  }
0x61: {  	_ =	shalt  }
0x62: {  	_ =	shalt  }
0x63: {  	_ =	shalt  }
0x64: {  	_ =	shalt  }
0x65: {  	_ =	shalt  }
0x66: {  	_ =	shalt  }
0x67: {  	_ =	shalt  }
0x68: {  	_ =	shalt  }
0x69: {  	_ =	shalt  }
0x6a: {  	_ =	shalt  }
0x6b: {  	_ =	shalt  }
0x6c: {  	_ =	shalt  }
0x6d: {  	_ =	shalt  }
0x6e: {  	_ =	shalt  }
0x6f: {  	_ =	shalt  }
0x70: {  	_ =	shalt  }
0x71: {  	_ =	shalt  }
0x72: {  	_ =	shalt  }
0x73: {  	_ =	shalt  }
0x74: {  	_ =	shalt  }
0x75: {  	_ =	shalt  }
0x76: {  	_ =	shalt  }
0x77: {  	_ =	shalt  }
0x78: {  	_ =	shalt  }
0x79: {  	_ =	shalt  }
0x7a: {  	_ =	shalt  }
0x7b: {  	_ =	shalt  }
0x7c: {  	_ =	shalt  }
0x7d: {  	_ =	shalt  }
0x7e: {  	_ =	shalt  }
0x7f: {  	_ =	shalt  }
0x80: {  	_ =	shalt  }
0x81: {  	_ =	shalt  }
0x82: {  	_ =	shalt  }
0x83: {  	_ =	shalt  }
0x84: {  	_ =	shalt  }
0x85: {  	_ =	shalt  }
0x86: {  	_ =	shalt  }
0x87: {  	_ =	shalt  }
.Lfunc_end0:
.L_simem_size_0:
called_computation.2_lowered:
.L_overlay_start_0:
0x88: {  	s2 =	sld [smem:$0x3FD9]  }
0x89: {  	s3 =	sld [smem:$0x3FFE];
	_ =	sdelay $0x1  }
0x8a: {  	s1 =	srdreg.scid  }
0x8b: {  	s0 =	sand.u32 $0x1, s1  }
0x8c: {  	s17 =	sshll.u32 s0, $0xA;
	s2 =	sadd.s32 s3, s2  }
0x8d: {  	s2 =	sadd.s32 s2, s17  }
0x8e: {  	[smem:$0x3FA4] =	sst s2  }
0x8f: {  	_ = 	snop  }
0x90: {  	s2 =	sld [smem:$0x3FC6];
	(tm) =	ssettm $0x1  }
0x91: {  	s18 =	sld [smem:$0x3FFB];
	_ =	sdelay $0x3  }
0x92: {  	_ =	strace s18  }
0x93: {  	s3 =	sld [smem:$0x3FFC];
	_ =	sdelay $0x3  }
0x94: {  	_ =	strace s3  }
0x95: {  	s3 =	sld [smem:$0x3FFD];
	_ =	sdelay $0x3  }
0x96: {  	_ =	strace s3  }
0x97: {  	_ =	strace $0x8FFFFFFF  }
0x98: {  	s19 =	sld [smem:$0x3FDB];
	_ =	sdelay $0x1  }
0x99: {  	s4 =	simm.s32 $_scs_section_size  }
0x9a: {  	s5 =	simm.s32 $_size__tile_overlayer_lowered;
	s6 =	simm.s32 $_tile_overlayer_lowered  }
0x9b: {  	s22 =	simm.s32 $0x1BFF;
	s21 =	sshll.u32 s6, $0x1;
	s3 =	sadd.s32 s4, s19  }
0x9c: {  	s7 =	simm.s32 $0x0;
	s20 =	sshll.u32 s5, $0x1;
	s5 =	sadd.s32 s21, s3  }
0x9d: {  	[timem:s7], [sflag:s22] =	dma.local [hbm:s5], s20  }
0x9e: {  	_ =	swait.ge [sflag:s22], s20  }
0x9f: {  	s4 =	ssub.s32 $0x0, s20;
	[sflag:s22] =	ssyncset.done $0x0  }
0xa0: {  	[sflag:s22] =	ssyncadd.s32 s4;
	_ =	sdelay $0x1  }
0xa1: {  	s23 =	simm.s32 $0x1B8B  }
0xa2: {  	_ =	swait.ge [sflag:s23], $0x1  }
0xa3: {  	[sflag:s23] =	ssyncset.done $0x0  }
0xa4: {  	s25 =	simm.s32 $0x1B8E;
	s24 =	sld [smem:$0x3FFE];
	[sflag:s23] =	ssyncadd.s32 $0xFFFFFFFF  }
0xa5: {  	s26 =	simm.s32 $execute0_lowered;
	[smem:$0x3FD2] =	sst s25  }
0xa6: {  	s5 =	sshll.u32 s26, $0x1;
	_ =	strace $0x8000004F;
	[dreg:$0x1] =	wrdreg $0xFFFFFFFF  }
0xa7: {  	s28 =	simm.s32 $_size_execute0_lowered;
	s3 =	sadd.s32 s3, s5;
	[dreg:$0x0] =	wrdreg $0x0  }
0xa8: {  	s5 =	sshll.u32 s28, $0x1;
	[dreg:$0x2] =	wrdreg s3  }
0xa9: {  	[dreg:$0x3] =	wrdreg s5  }
0xaa: {  	[dreg:$0x4] =	wrdreg $0xC0  }
0xab: {  	_ =	task [dreg:s7], $0x5FFFF  }
0xac: {  	[dreg:$0x1] =	wrdreg $0xFFFFFFFF  }
0xad: {  	[dreg:$0x0] =	wrdreg $0x60  }
0xae: {  	[dreg:$0x2] =	wrdreg s2  }
0xaf: {  	[dreg:$0x3] =	wrdreg s24  }
0xb0: {  	[dreg:$0x4] =	wrdreg $0x9  }
0xb1: {  	_ =	task.clear_ibuf [dreg:s7], $0x5FFFF;
	_ =	strace $0x9000004F  }
0xb2: {  	s29 =	simm.s32 $0x9;
	_ =	strace $0x80000051  }
0xb3: {  	_ =	swait.ge [sflag:s29], $0x1  }
0xb4: {  	[sflag:s29] =	ssyncadd.s32 $0xFFFFFFFF  }
0xb5: {  	_ =	strace $0x90000051  }
0xb6: {  	_ =	sfence  }
0xb7: {  	s30 =	sld [smem:$0x0];
	_ =	sdelay $0x2  }
0xb8: {  	s31 =	sshll.u32 s1, $0xD;
	s1 =	sshrl.u32 s1, $0x2  }
0xb9: {  	s3 =	sand.u32 $0x4000, s31;
	s1 =	sadd.s32 s1, s30  }
0xba: {  	s0 =	sor.u32 s3, s0;
	s1 =	sshll.u32 s1, $0x11  }
0xbb: {  	s0 =	sor.u32 s1, s0  }
0xbc: {  	s0 =	sadd.s32 $0x8F2B, s0  }
0xbd: {  	[sflag:s0] =	ssyncadd.remote.s32 $0x1  }
0xbe: {  	_ =	sfence.sel $0xFFFF  }
0xbf: {  	[dreg:$0x0] =	wrdreg $0xFFFFFFFF;
	(pc) =	sbr.abs _section_cstart, $3  }
0xc0: {  	[dreg:$0x1] =	wrdreg $0xFFFFFFFF  }
0xc1: {  	_ =	task.clear_ibuf [dreg:s7], $0x2FFFF;
	_ =	strace $0x9FFFFFFF  }
0xc2: {  	(tm) =	ssettm $0x7FFFFFFF  }
0xc3: {  	_ =	shalt  }
tec
execute0_lowered:
.L_overlay_start_1:
0x0: {  	(tag) =	ssettag $0x1  }
0x1: {  	s2 =	rddreg [dreg:$0x0]  }
0x2: {  	s8 =	rddreg [dreg:$0x1]  }
0x3: {  	s0 =	rddreg [dreg:$0x2];
	s1 =	stileid.u32  }
0x4: {  	s3 =	srdreg.scid;
	_ =	strace $0x80000050;
	s4 =	simm.s32 $0x1  }
0x5: {  	s7 =	simm.s32 $0x1;
	s9 =	simm.s32 $0x1;
	s10 =	simm.s32 $0x3  }
0x6: {  	s13 =	simm.s32 $0x0;
	s5 =	sand.u32 $0x1, s3;
	s6 =	sshll.u32 s1, $0x1  }
0x7: {  	s12 =	simm.s32 $0x0;
	s3 =	sadd.s32 $0x36400, s8;
	s5 =	sor.u32 s6, s5  }
.Ltmp0:
0x8: {  	[sflag:s4] =	ssyncpa.u1 $0x0;
	p0 =	slt.u32 s5, $0x13;
	(pc) =	sbr.rel .LBB2_1-.Ltmp0, $4  }
0x9: {  	s6 =	simm.s32 $0x2;
	s7 =	simm.s32 @!p0 $0x0;
	p0 =	sne.s32 s5, $0x12  }
0xa: {  	[sflag:s6] =	ssyncpa.u1 $0x0;
	s5 =	smul.u32 $0x1900, s5;
	s9 =	simm.s32 @!p0 $0x0  }
0xb: {  	s8 =	sadd.s32 $0x68400, s8;
	[sflag:s10] =	ssyncpa.u1 $0x0;
	s7 =	sadd.s32 s9, s7  }
0xc: {  	vm0 =	vmmov $0xffff;
	v0 =	vlaneseq.u32;
	s10 =	simm.s32 $0x0;
	s11 =	smov.u32 s5;
	s9 =	sadd.s32 $0x1, s7  }
.LBB2_4:
0xd: {  	_ =	sdelay $0x3  }
0xe: {  	[tilespmem:s22], [sflag:$0x1] =	stream.indirect_vreg.gather [hbm4b:s2+s10], $0x1, v1, vm0, $0x4038;
	[tilespmem:$0xFA00] =	vst v63  }
0xf: {  	s15 =	sadd.s32 s19, s15  }
0x10: {  	v1 =	vld.msk [tilespmem:s15+$0x0 ss:$0x1], $0xffff;
	_ =	sdelay $0x4  }
0x11: {  	vm1 =	vgt.s32 v1, $0x0  }
0x12: {  	p0 =	sgt.s32 s18, $0x0;
	v1 =	vnsel vm1, $0x0, v1  }
0x13: {  	s18 =	simm.s32 @!p0 $0x0;
	v1 =	vmin.u32 v1, $0x4E1FF  }
0x14: {  	s25 =	smin.u32 s18, $0x10;
	v2 =	vshll.u32 v1, $0x2  }
0x15: {  	v3 =	vmov s25;
	v1 =	vand.u32 $0x7F, v1;
	v2 =	vand.u32 $0x1FFE00, v2  }
0x16: {  	vm1 =	vgt.u32 v3, v0;
	v1 =	vor.u32 v1, v2  }
0x17: {  	v2 =	vnsel vm1, $0x7FFFFFFF, v1;
	_ =	sdelay $0x1  }
0x18: {  	s26 =	sand.u32 $0x7E00, s16;
	v3 =	vor.u32 $0x80, v1  }
0x19: {  	s28 =	sand.u32 $0x70, s17;
	(ifvalue) =	ssetifvalue $0x7FFFFFFF;
	s15 =	sadd.s32 s26, s14;
	v3 =	vnsel vm1, $0x7FFFFFFF, v3  }
0x1a: {  	s15 =	sadd.s32 s28, s15;
	(ifvalue) =	ssetifvalue $0x7FFFFFFF  }
0x1b: {  	v4 =	vor.u32 $0x100, v1;
	[tilespmem:s15], [sflag:$0x1] =	stream.indirect_vreg.gather [hbm4b:s2+s10], $0x1, v2, vm0, $0x4038;
	[tilespmem:$0xFA00] =	vst v63  }
0x1c: {  	(ifvalue) =	ssetifvalue $0x7FFFFFFF;
	v2 =	vnsel vm1, $0x7FFFFFFF, v4  }
0x1d: {  	s16 =	sadd.s32 $0x80, s15;
	(ifvalue) =	ssetifvalue $0x7FFFFFFF  }
0x1e: {  	v1 =	vor.u32 $0x180, v1;
	[tilespmem:s16], [sflag:$0x1] =	stream.indirect_vreg.gather [hbm4b:s2+s10], $0x1, v3, vm0, $0x4038;
	[tilespmem:$0xFA00] =	vst v63  }
0x1f: {  	v1 =	vnsel vm1, $0x7FFFFFFF, v1;
	(ifvalue) =	ssetifvalue $0x7FFFFFFF  }
0x20: {  	s29 =	sadd.s32 $0x100, s15;
	(ifvalue) =	ssetifvalue $0x7FFFFFFF  }
0x21: {  	[tilespmem:s29], [sflag:$0x1] =	stream.indirect_vreg.gather [hbm4b:s2+s10], $0x1, v2, vm0, $0x4038;
	[tilespmem:$0xFA00] =	vst v63  }
0x22: {  	(ifvalue) =	ssetifvalue $0x7FFFFFFF  }
0x23: {  	s30 =	sshll.u32 s13, $0x2;
	s15 =	sadd.s32 $0x180, s15;
	(ifvalue) =	ssetifvalue $0x7FFFFFFF  }
0x24: {  	[tilespmem:s15], [sflag:$0x1] =	stream.indirect_vreg.gather [hbm4b:s2+s10], $0x1, v1, vm0, $0x4038;
	[tilespmem:$0xFA00] =	vst v63  }
0x25: {  	s31 =	sand.u32 $0x78, s13;
	s15 =	sand.u32 $0xFFFFFE00, s30  }
0x26: {  	_ =	swait.ge [sflag:s4], $0x6400;
	s13 =	sor.u32 s31, s15  }
0x27: {  	[sflag:s4] =	ssyncset.done $0x0;
	s13 =	sshrl.u32 s13, $0x3  }
0x28: {  	[sflag:s4] =	ssyncadd.s32 $0xFFFF9C00;
	s13 =	sadd.s32 s8, s13  }
0x29: {  	[hbm:s13] =	stream.linear.scatter [tilespmem:s14], [sflag:$0x3], $0x6400, $0x38;
	[tilespmem:$0xFA00] =	vst v63  }
.LBB2_5:
0x2a: {  	s15 =	sadd.s32 $0x32000, s11  }
0x2b: {  	p1 =	sgt.s32 s15, $0x4E1FF  }
0x2c: {  	s15 =	smov.u32 @p1 s5;
	p1 =	sne.s32 s12, s9  }
.Ltmp1:
0x2d: {  	p0 =	slt.u32 s12, $0x2;
	(pc) =	sbr.rel @!p1 .LBB2_6-.Ltmp1, $4  }
0x2e: {  	s14 =	simm.s32 @!p0 $0x3  }
0x2f: {  	_ =	swait.ge @!p0 [sflag:s14], $0x6400  }
0x30: {  	s16 =	sadd.s32 $0x1, s12;
	s13 =	smov.u32 s11;
	[sflag:s14] =	ssyncset.done @!p0 $0x0  }
0x31: {  	s12 =	smov.u32 s16;
	s11 =	smov.u32 s15;
	[sflag:s14] =	ssyncadd.s32 @!p0 $0xFFFF9C00  }
.LBB2_1:
0x32: {  	p0 =	sge.u32 s12, s7  }
0x33: {  	s14 =	sxor.u32 @!p0 $0x1, s12  }
0x34: {  	s14 =	smul.u32 @!p0 $0x6400, s14  }
0x35: {  	s31 =	sadd.s32 $0xFFFFFFFF, s12;
	s15 =	sshrl.u32 @!p0 s11, $0x3  }
0x36: {  	s16 =	sand.u32 @!p0 $0x7, s11;
	s15 =	sadd.s32 @!p0 s3, s15;
	s14 =	sshra.s32 @!p0 s14, $0x2  }
0x37: {  	[tilespmem:s14], [sflag:$0x2] =	stream.linear.gather @!p0 [hbm4b:s15+s16], $0x1900, $0x38;
	[tilespmem:$0xFA00] =	vst v63  }
0x38: {  	p0 =	sge.u32 s31, s7  }
.Ltmp2:
0x39: {  	_ = 	snop;
	(pc) =	sbr.rel @p0 .LBB2_5-.Ltmp2, $1  }
0x3a: {  	_ =	sdelay $0x3  }
0x3b: {  	s14 =	sand.u32 $0x1, s12  }
0x3c: {  	p0 =	seq.s32 s14, $0x1;
	s14 =	simm.s32 $0x6400  }
0x3d: {  	_ =	swait.ge [sflag:s6], $0x1900;
	s14 =	simm.s32 @!p0 $0x0  }
0x3e: {  	[sflag:s6] =	ssyncset.done $0x0;
	s15 =	sshrl.u32 s14, $0x2  }
0x3f: {  	[sflag:s6] =	ssyncadd.s32 $0xFFFFE700;
	s16 =	sadd.s32 $0x0, s15  }
0x40: {  	v1 =	vld.msk [tilespmem:s16+$0x0 ss:$0x1], $0xffff;
	_ =	sdelay $0x2  }
0x41: {  	s17 =	ssub.s32 $0x4E200, s13  }
0x42: {  	p0 =	slt.s32 s17, $0x1900  }
0x43: {  	s17 =	simm.s32 @!p0 $0x1900;
	vm1 =	vgt.s32 v1, $0x0  }
0x44: {  	p0 =	sgt.s32 s17, $0x0;
	s16 =	smov.u32 s17;
	v1 =	vnsel vm1, $0x0, v1  }
0x45: {  	s16 =	simm.s32 @!p0 $0x0;
	v1 =	vmin.u32 v1, $0x4E1FF  }
0x46: {  	s16 =	smin.u32 s16, $0x10;
	v2 =	vshll.u32 v1, $0x2  }
0x47: {  	v3 =	vmov s16;
	v1 =	vand.u32 $0x7F, v1;
	v2 =	vand.u32 $0x1FFE00, v2  }
0x48: {  	vm1 =	vgt.u32 v3, v0;
	v1 =	vor.u32 v1, v2  }
0x49: {  	v2 =	vnsel vm1, $0x7FFFFFFF, v1  }
0x4a: {  	s31 =	simm.s32 $0x0  }
0x4b: {  	s18 =	sand.u32 $0x7E00, s31;
	s14 =	sadd.s32 $0x3200, s14;
	v3 =	vor.u32 $0x80, v1  }
0x4c: {  	s18 =	sadd.s32 s18, s14;
	(ifvalue) =	ssetifvalue $0x7FFFFFFF;
	s16 =	sand.u32 $0x70, s31;
	v3 =	vnsel vm1, $0x7FFFFFFF, v3  }
0x4d: {  	(ifvalue) =	ssetifvalue $0x7FFFFFFF;
	s20 =	sadd.s32 s16, s18  }
0x4e: {  	v4 =	vor.u32 $0x100, v1;
	[tilespmem:s20], [sflag:$0x1] =	stream.indirect_vreg.gather [hbm4b:s2+s10], $0x1, v2, vm0, $0x4038;
	[tilespmem:$0xFA00] =	vst v63  }
0x4f: {  	(ifvalue) =	ssetifvalue $0x7FFFFFFF;
	v2 =	vnsel vm1, $0x7FFFFFFF, v4  }
0x50: {  	s16 =	sadd.s32 $0x80, s20;
	(ifvalue) =	ssetifvalue $0x7FFFFFFF  }
0x51: {  	v1 =	vor.u32 $0x180, v1;
	[tilespmem:s16], [sflag:$0x1] =	stream.indirect_vreg.gather [hbm4b:s2+s10], $0x1, v3, vm0, $0x4038;
	[tilespmem:$0xFA00] =	vst v63  }
0x52: {  	s19 =	simm.s32 $0x10;
	v1 =	vnsel vm1, $0x7FFFFFFF, v1;
	(ifvalue) =	ssetifvalue $0x7FFFFFFF  }
0x53: {  	s21 =	simm.s32 $0x80;
	s18 =	sadd.s32 $0x100, s20;
	(ifvalue) =	ssetifvalue $0x7FFFFFFF  }
0x54: {  	[tilespmem:s18], [sflag:$0x1] =	stream.indirect_vreg.gather [hbm4b:s2+s10], $0x1, v2, vm0, $0x4038;
	[tilespmem:$0xFA00] =	vst v63  }
0x55: {  	s22 =	sadd.s32 $0x180, s20;
	s16 =	simm.s32 $0x40;
	(ifvalue) =	ssetifvalue $0x7FFFFFFF  }
0x56: {  	s18 =	sadd.s32 $0xFFFFFFF0, s17;
	s17 =	simm.s32 $0x10;
	(ifvalue) =	ssetifvalue $0x7FFFFFFF  }
.LBB2_3:
0x57: {  	[tilespmem:s22], [sflag:$0x1] =	stream.indirect_vreg.gather [hbm4b:s2+s10], $0x1, v1, vm0, $0x4038;
	[tilespmem:$0xFA00] =	vst v63  }
0x58: {  	s22 =	smov.u32 s21  }
0x59: {  	s20 =	sadd.s32 $0x40, s21;
	s23 =	sadd.s32 s19, s15;
	s19 =	sshra.s32 s22, $0x2  }
0x5a: {  	p0 =	sne.s32 s21, $0x63C0;
	v1 =	vld.msk [tilespmem:s23+$0x0 ss:$0x1], $0xffff  }
0x5b: {  	(ifvalue) =	ssetifvalue $0x7FFFFFFF;
	_ =	sdelay $0x4  }
0x5c: {  	vm1 =	vgt.s32 v1, $0x0  }
0x5d: {  	p1 =	sgt.s32 s18, $0x0;
	s21 =	smov.u32 s18;
	v1 =	vnsel vm1, $0x0, v1  }
0x5e: {  	s21 =	simm.s32 @!p1 $0x0;
	v1 =	vmin.u32 v1, $0x4E1FF  }
0x5f: {  	s21 =	smin.u32 s21, $0x10;
	v2 =	vshll.u32 v1, $0x2  }
0x60: {  	v3 =	vmov s21;
	v1 =	vand.u32 $0x7F, v1;
	v2 =	vand.u32 $0x1FFE00, v2  }
0x61: {  	vm1 =	vgt.u32 v3, v0;
	v1 =	vor.u32 v1, v2  }
0x62: {  	v2 =	vnsel vm1, $0x7FFFFFFF, v1;
	v3 =	vor.u32 $0x80, v1;
	v4 =	vor.u32 $0x100, v1  }
0x63: {  	v1 =	vor.u32 $0x180, v1  }
0x64: {  	s21 =	sand.u32 $0x7E00, s16;
	s16 =	smov.u32 s22  }
0x65: {  	s22 =	sand.u32 $0x70, s17;
	s21 =	sadd.s32 s21, s14;
	v3 =	vnsel vm1, $0x7FFFFFFF, v3  }
0x66: {  	s21 =	sadd.s32 s22, s21;
	(ifvalue) =	ssetifvalue $0x7FFFFFFF  }
0x67: {  	[tilespmem:s21], [sflag:$0x1] =	stream.indirect_vreg.gather [hbm4b:s2+s10], $0x1, v2, vm0, $0x4038;
	[tilespmem:$0xFA00] =	vst v63  }
0x68: {  	v2 =	vnsel vm1, $0x7FFFFFFF, v4;
	(ifvalue) =	ssetifvalue $0x7FFFFFFF  }
0x69: {  	s22 =	sadd.s32 $0x80, s21;
	(ifvalue) =	ssetifvalue $0x7FFFFFFF  }
0x6a: {  	[tilespmem:s22], [sflag:$0x1] =	stream.indirect_vreg.gather [hbm4b:s2+s10], $0x1, v3, vm0, $0x4038;
	[tilespmem:$0xFA00] =	vst v63  }
.Ltmp3:
0x6b: {  	v1 =	vnsel vm1, $0x7FFFFFFF, v1;
	(ifvalue) =	ssetifvalue $0x7FFFFFFF;
	(pc) =	sbr.rel @p0 .LBB2_3-.Ltmp3, $4  }
0x6c: {  	s22 =	sadd.s32 $0x100, s21;
	(ifvalue) =	ssetifvalue $0x7FFFFFFF  }
0x6d: {  	[tilespmem:s22], [sflag:$0x1] =	stream.indirect_vreg.gather [hbm4b:s2+s10], $0x1, v2, vm0, $0x4038;
	[tilespmem:$0xFA00] =	vst v63  }
0x6e: {  	s18 =	sadd.s32 $0xFFFFFFF0, s18;
	s17 =	sadd.s32 $0x10, s17;
	(ifvalue) =	ssetifvalue $0x7FFFFFFF  }
0x6f: {  	s22 =	sadd.s32 $0x180, s21;
	s21 =	smov.u32 s20;
	(ifvalue) =	ssetifvalue $0x7FFFFFFF  }
.Ltmp4:
0x70: {  	_ = 	snop;
	(pc) =	sbr.rel .LBB2_4-.Ltmp4, $1  }
0x71: {  	_ =	sdelay $0x3  }
.LBB2_6:
0x72: {  	_ =	sfence.sel $0x180000  }
0x73: {  	s2 =	simm.s32 $0x2;
	[bflag:$0x0] =	sbarrier.arrive $0xFFFF  }
0x74: {  	s30 =	simm.s32 $0x3;
	[sflag:s2] =	ssyncpa.u1 $0x1  }
0x75: {  	s31 =	simm.s32 $0x1;
	[sflag:s30] =	ssyncpa.u1 $0x1  }
0x76: {  	[sflag:s31] =	ssyncpa.u1 $0x1  }
0x77: {  	p0 =	sne.s32 s1, $0x0;
	_ =	strace $0x90000050  }
0x78: {  	s0 =	sadd.s32 @!p0 $0x100000, s0;
	[bflag:$0x2] =	sbarrier.arrive $0xFFFF  }
0x79: {  	[sflag:s0] =	ssyncadd.tile.s32 @!p0 $0x1;
	_ =	shalt  }
.Lfunc_end2:
_tile_overlayer_lowered:
.L_overlay_start_2:
0x7a: {  	(tag) =	ssettag $0x2  }
0x7b: {  	s0 =	rddreg [dreg:$0x0];
	s2 =	stileid.u32  }
0x7c: {  	s1 =	rddreg [dreg:$0x1];
	p0 =	sne.s32 s2, $0x0  }
0x7d: {  	s3 =	rddreg [dreg:$0x2];
	[bflag:$0x3] =	sbarrier.arrive $0xFFFF;
	s2 =	simm.s32 @!p0 $0x1C01  }
0x7e: {  	[timem:s3], [sflag:s2] =	dma.local @!p0 [hbm:s0], s1  }
0x7f: {  	s0 =	simm.s32 @!p0 $0x1  }
0x80: {  	_ =	swait.ge @!p0 [sflag:s0], s1  }
0x81: {  	s1 =	ssub.s32 @!p0 $0x0, s1;
	[sflag:s0] =	ssyncset.done @!p0 $0x0  }
0x82: {  	[sflag:s0] =	ssyncadd.s32 @!p0 s1  }
0x83: {  	[bflag:$0x3] =	sbarrier.arrive $0xFFFF  }
0x84: {  	_ =	shalt  }

// kernel: gather_offload_async_start.3
scs
__scs_entry_jumppad:
0x0: {  	(pc) =	sbr.rel $0x88, $3  }
0x1: {  	(tag) =	ssettag $0x0;
	lr =	simm.s32 $0x1  }
0x2: {  	[smem:$0x3F7D] =	sst lr;
	_ =	strace $0xD0000000  }
0x3: {  	_ = 	snop  }
0x4: {  	_ = 	snop  }
0x5: {  	_ = 	snop  }
0x6: {  	_ = 	snop  }
0x7: {  	_ = 	snop  }
__scs_overlays_trampoline_lowered:
0x8: {  	[smem:$0x3F8C] =	sst s0  }
0x9: {  	[smem:$0x3F8D] =	sst s1  }
0xa: {  	[smem:$0x3F8E] =	sst s2  }
0xb: {  	[smem:$0x3F8F] =	sst s3  }
0xc: {  	[smem:$0x3F90] =	sst s4  }
0xd: {  	[smem:$0x3F91] =	sst s5  }
0xe: {  	[smem:$0x3F92] =	sst s6  }
0xf: {  	[smem:$0x3F93] =	sst s7  }
0x10: {  	[smem:$0x3F94] =	sst s8  }
0x11: {  	[smem:$0x3F95] =	sst s9;
	s0 =	simm.s32 @!p0 $0x0  }
0x12: {  	s1 =	sld [smem:$0x3F7B];
	s0 =	simm.s32 @p0 $0x1  }
0x13: {  	[smem:$0x3F96] =	sst s0;
	s0 =	simm.s32 @!p1 $0x0  }
0x14: {  	s2 =	sld [smem:$0x3F7A];
	s0 =	simm.s32 @p1 $0x1  }
0x15: {  	[smem:$0x3F97] =	sst s0;
	s0 =	simm.s32 @!p2 $0x0  }
0x16: {  	s3 =	sld [smem:$0x3FDB];
	s0 =	simm.s32 @p2 $0x1  }
0x17: {  	s4 =	simm.s32 $0x1BF5;
	[smem:$0x3F99] =	sst s0  }
0x18: {  	s0 =	sld [smem:$0x3F7C];
	_ =	swait.ge [sflag:s4], $0x0  }
0x19: {  	s7 =	sld [smem:$0x3F7D]  }
0x1a: {  	s8 =	sadd.s32 $0xFFFFE003, lr  }
0x1b: {  	s9 =	sadd.s32 $0xFFFFFEF7, lr;
	s5 =	simm.s32 $0xFFFFFFFF;
	p2 =	slt.u32 s8, $0xFFFFF086  }
0x1c: {  	p1 =	slt.u32 s9, $0xF7A;
	s5 =	simm.s32 @!p2 $0x0  }
0x1d: {  	s5 =	simm.s32 @p1 $0x1;
	p0 =	seq.s32 s7, s2  }
0x1e: {  	s7 =	smul.u32 @!p0 $0xF7A, s2;
	p2 =	seq.s32 @!p0 s5, $0x0  }
0x1f: {  	s9 =	smul.u32 $0xF7A, s1;
	s8 =	simm.s32 @!p0 $0x1BF5;
	p2 =	por !p2, p0  }
0x20: {  	[sflag:s8] =	ssyncset.s32 @!p0 $0xFFFFF086;
	s6 =	sadd.s32 @!p0 s3, s7;
	s7 =	simm.s32 @!p0 $0x108  }
0x21: {  	s3 =	sadd.s32 s3, s9;
	s6 =	sadd.s32 @!p0 $0x88, s6;
	s7 =	simm.s32 @p2 $0x1082  }
0x22: {  	[simem:s7], [sflag:s8] =	dma.local @!p0 [hbm:s6], $0xF7A  }
0x23: {  	s9 =	sor.u32 $0xD0000000, s2;
	s6 =	simm.s32 $0x108;
	_ =	swait.ge @!p0 [sflag:s8], $0x0  }
0x24: {  	s3 =	sadd.s32 $0x88, s3;
	s6 =	simm.s32 @!p1 $0x1082;
	[sflag:s4] =	ssyncset.s32 $0xFFFFF086  }
0x25: {  	[simem:s6], [sflag:s4] =	dma.local [hbm:s3], $0xF7A  }
0x26: {  	[smem:$0x3F7D] =	sst s1;
	(tag) =	ssettag s2;
	_ =	strace s9  }
0x27: {  	s1 =	sld [smem:$0x3F8D]  }
0x28: {  	s2 =	sld [smem:$0x3F8E]  }
0x29: {  	s4 =	sld [smem:$0x3F90]  }
0x2a: {  	p0 =	seq.s32 s5, $0x0;
	s5 =	sld [smem:$0x3F91]  }
0x2b: {  	s6 =	sld [smem:$0x3F92]  }
0x2c: {  	s7 =	sld [smem:$0x3F93]  }
0x2d: {  	s3 =	simm.s32 $0x108;
	s8 =	sld [smem:$0x3F94]  }
0x2e: {  	s3 =	simm.s32 @!p0 $0x1082;
	s9 =	sld [smem:$0x3F95]  }
0x2f: {  	lr =	sadd.s32 s0, s3;
	s0 =	sld [smem:$0x3F8C]  }
0x30: {  	s3 =	sld [smem:$0x3F8F]  }
0x31: {  	[smem:$0x3F98] =	sst s10  }
0x32: {  	s10 =	sld [smem:$0x3F96];
	_ =	sdelay $0x3  }
0x33: {  	p0 =	seq.s32 s10, $0x1;
	s10 =	sld [smem:$0x3F98];
	_ =	sdelay $0x3  }
0x34: {  	[smem:$0x3F98] =	sst s10  }
0x35: {  	s10 =	sld [smem:$0x3F97];
	_ =	sdelay $0x3  }
0x36: {  	p1 =	seq.s32 s10, $0x1;
	s10 =	sld [smem:$0x3F98];
	_ =	sdelay $0x3  }
0x37: {  	[smem:$0x3F98] =	sst s10  }
0x38: {  	s10 =	sld [smem:$0x3F99]  }
0x39: {  	_ = 	snop;
	(pc) =	sbr.ind lr, $3  }
0x3a: {  	_ = 	snop  }
0x3b: {  	_ = 	snop  }
0x3c: {  	p2 =	seq.s32 s10, $0x1;
	s10 =	sld [smem:$0x3F98]  }
0x3d: {  	_ =	shalt  }
0x3e: {  	_ =	shalt  }
0x3f: {  	_ =	shalt  }
0x40: {  	_ =	shalt  }
0x41: {  	_ =	shalt  }
0x42: {  	_ =	shalt  }
0x43: {  	_ =	shalt  }
0x44: {  	_ =	shalt  }
0x45: {  	_ =	shalt  }
0x46: {  	_ =	shalt  }
0x47: {  	_ =	shalt  }
0x48: {  	_ =	shalt  }
0x49: {  	_ =	shalt  }
0x4a: {  	_ =	shalt  }
0x4b: {  	_ =	shalt  }
0x4c: {  	_ =	shalt  }
0x4d: {  	_ =	shalt  }
0x4e: {  	_ =	shalt  }
0x4f: {  	_ =	shalt  }
0x50: {  	_ =	shalt  }
0x51: {  	_ =	shalt  }
0x52: {  	_ =	shalt  }
0x53: {  	_ =	shalt  }
0x54: {  	_ =	shalt  }
0x55: {  	_ =	shalt  }
0x56: {  	_ =	shalt  }
0x57: {  	_ =	shalt  }
0x58: {  	_ =	shalt  }
0x59: {  	_ =	shalt  }
0x5a: {  	_ =	shalt  }
0x5b: {  	_ =	shalt  }
0x5c: {  	_ =	shalt  }
0x5d: {  	_ =	shalt  }
0x5e: {  	_ =	shalt  }
0x5f: {  	_ =	shalt  }
0x60: {  	_ =	shalt  }
0x61: {  	_ =	shalt  }
0x62: {  	_ =	shalt  }
0x63: {  	_ =	shalt  }
0x64: {  	_ =	shalt  }
0x65: {  	_ =	shalt  }
0x66: {  	_ =	shalt  }
0x67: {  	_ =	shalt  }
0x68: {  	_ =	shalt  }
0x69: {  	_ =	shalt  }
0x6a: {  	_ =	shalt  }
0x6b: {  	_ =	shalt  }
0x6c: {  	_ =	shalt  }
0x6d: {  	_ =	shalt  }
0x6e: {  	_ =	shalt  }
0x6f: {  	_ =	shalt  }
0x70: {  	_ =	shalt  }
0x71: {  	_ =	shalt  }
0x72: {  	_ =	shalt  }
0x73: {  	_ =	shalt  }
0x74: {  	_ =	shalt  }
0x75: {  	_ =	shalt  }
0x76: {  	_ =	shalt  }
0x77: {  	_ =	shalt  }
0x78: {  	_ =	shalt  }
0x79: {  	_ =	shalt  }
0x7a: {  	_ =	shalt  }
0x7b: {  	_ =	shalt  }
0x7c: {  	_ =	shalt  }
0x7d: {  	_ =	shalt  }
0x7e: {  	_ =	shalt  }
0x7f: {  	_ =	shalt  }
0x80: {  	_ =	shalt  }
0x81: {  	_ =	shalt  }
0x82: {  	_ =	shalt  }
0x83: {  	_ =	shalt  }
0x84: {  	_ =	shalt  }
0x85: {  	_ =	shalt  }
0x86: {  	_ =	shalt  }
0x87: {  	_ =	shalt  }
.Lfunc_end0:
.L_simem_size_0:
called_computation.3_lowered:
.L_overlay_start_0:
0x88: {  	s2 =	sld [smem:$0x3FD9]  }
0x89: {  	s3 =	sld [smem:$0x3FFE];
	_ =	sdelay $0x1  }
0x8a: {  	s1 =	srdreg.scid  }
0x8b: {  	s0 =	sand.u32 $0x1, s1  }
0x8c: {  	s16 =	sshll.u32 s0, $0xA;
	s2 =	sadd.s32 s3, s2  }
0x8d: {  	s2 =	sadd.s32 s2, s16  }
0x8e: {  	[smem:$0x3FA4] =	sst s2  }
0x8f: {  	_ = 	snop  }
0x90: {  	(tm) =	ssettm $0x1  }
0x91: {  	s17 =	sld [smem:$0x3FFB];
	_ =	sdelay $0x3  }
0x92: {  	_ =	strace s17  }
0x93: {  	s2 =	sld [smem:$0x3FFC];
	_ =	sdelay $0x3  }
0x94: {  	_ =	strace s2  }
0x95: {  	s2 =	sld [smem:$0x3FFD];
	_ =	sdelay $0x3  }
0x96: {  	_ =	strace s2  }
0x97: {  	_ =	strace $0x8FFFFFFF  }
0x98: {  	s18 =	sld [smem:$0x3FDB];
	_ =	sdelay $0x1  }
0x99: {  	s19 =	simm.s32 $_scs_section_size  }
0x9a: {  	s4 =	simm.s32 $_size__tile_overlayer_lowered;
	s5 =	simm.s32 $_tile_overlayer_lowered  }
0x9b: {  	s22 =	simm.s32 $0x1BFF;
	s21 =	sshll.u32 s5, $0x1;
	s2 =	sadd.s32 s19, s18  }
0x9c: {  	s6 =	simm.s32 $0x0;
	s20 =	sshll.u32 s4, $0x1;
	s4 =	sadd.s32 s21, s2  }
0x9d: {  	[timem:s6], [sflag:s22] =	dma.local [hbm:s4], s20  }
0x9e: {  	_ =	swait.ge [sflag:s22], s20  }
0x9f: {  	s3 =	ssub.s32 $0x0, s20;
	[sflag:s22] =	ssyncset.done $0x0  }
0xa0: {  	[sflag:s22] =	ssyncadd.s32 s3;
	_ =	sdelay $0x1  }
0xa1: {  	s23 =	simm.s32 $0x1B8B  }
0xa2: {  	_ =	swait.ge [sflag:s23], $0x1  }
0xa3: {  	[sflag:s23] =	ssyncset.done $0x0  }
0xa4: {  	s25 =	simm.s32 $0x1B8E;
	s24 =	sld [smem:$0x3FFE];
	[sflag:s23] =	ssyncadd.s32 $0xFFFFFFFF  }
0xa5: {  	s26 =	simm.s32 $execute0_lowered;
	[smem:$0x3FD2] =	sst s25  }
0xa6: {  	s4 =	sshll.u32 s26, $0x1;
	_ =	strace $0x8000004C;
	[dreg:$0x1] =	wrdreg $0xFFFFFFFF  }
0xa7: {  	s28 =	simm.s32 $_size_execute0_lowered;
	s2 =	sadd.s32 s2, s4;
	[dreg:$0x0] =	wrdreg $0x0  }
0xa8: {  	s4 =	sshll.u32 s28, $0x1;
	[dreg:$0x2] =	wrdreg s2  }
0xa9: {  	[dreg:$0x3] =	wrdreg s4  }
0xaa: {  	[dreg:$0x4] =	wrdreg $0xC0  }
0xab: {  	_ =	task [dreg:s6], $0x5FFFF  }
0xac: {  	[dreg:$0x1] =	wrdreg $0xFFFFFFFF  }
0xad: {  	[dreg:$0x0] =	wrdreg $0x60  }
0xae: {  	[dreg:$0x2] =	wrdreg s24  }
0xaf: {  	[dreg:$0x3] =	wrdreg $0x9  }
0xb0: {  	_ =	task.clear_ibuf [dreg:s6], $0x4FFFF;
	_ =	strace $0x9000004C  }
0xb1: {  	s29 =	simm.s32 $0x9;
	_ =	strace $0x8000004E  }
0xb2: {  	_ =	swait.ge [sflag:s29], $0x1  }
0xb3: {  	[sflag:s29] =	ssyncadd.s32 $0xFFFFFFFF  }
0xb4: {  	_ =	strace $0x9000004E  }
0xb5: {  	_ =	sfence  }
0xb6: {  	s30 =	sld [smem:$0x0];
	_ =	sdelay $0x2  }
0xb7: {  	s31 =	sshll.u32 s1, $0xD;
	s1 =	sshrl.u32 s1, $0x2  }
0xb8: {  	s3 =	sand.u32 $0x4000, s31;
	s1 =	sadd.s32 s1, s30  }
0xb9: {  	s0 =	sor.u32 s3, s0;
	s1 =	sshll.u32 s1, $0x11  }
0xba: {  	s0 =	sor.u32 s1, s0  }
0xbb: {  	s0 =	sadd.s32 $0x8F2B, s0  }
0xbc: {  	[sflag:s0] =	ssyncadd.remote.s32 $0x1  }
0xbd: {  	_ =	sfence.sel $0xFFFF  }
0xbe: {  	[dreg:$0x0] =	wrdreg $0xFFFFFFFF;
	(pc) =	sbr.abs _section_cstart, $3  }
0xbf: {  	[dreg:$0x1] =	wrdreg $0xFFFFFFFF  }
0xc0: {  	_ =	task.clear_ibuf [dreg:s6], $0x2FFFF;
	_ =	strace $0x9FFFFFFF  }
0xc1: {  	(tm) =	ssettm $0x7FFFFFFF  }
tec
execute0_lowered:
.L_overlay_start_1:
0x0: {  	(tag) =	ssettag $0x1  }
0x1: {  	s8 =	rddreg [dreg:$0x0]  }
0x2: {  	s0 =	rddreg [dreg:$0x1];
	_ =	strace $0x8000004D;
	s1 =	stileid.u32  }
0x3: {  	s3 =	srdreg.scid;
	s4 =	simm.s32 $0x1;
	s7 =	simm.s32 $0x1  }
0x4: {  	s9 =	simm.s32 $0x1;
	s10 =	simm.s32 $0x3;
	s13 =	simm.s32 $0x0  }
0x5: {  	s12 =	simm.s32 $0x0;
	s5 =	sand.u32 $0x1, s3;
	s6 =	sshll.u32 s1, $0x1  }
0x6: {  	s2 =	sadd.s32 $0xCF600, s8;
	s3 =	sadd.s32 $0x18A00, s8;
	s5 =	sor.u32 s6, s5  }
.Ltmp0:
0x7: {  	[sflag:s4] =	ssyncpa.u1 $0x0;
	p0 =	slt.u32 s5, $0x9;
	(pc) =	sbr.rel .LBB2_1-.Ltmp0, $4  }
0x8: {  	s6 =	simm.s32 $0x2;
	s7 =	simm.s32 @!p0 $0x0;
	p0 =	sne.s32 s5, $0x8  }
0x9: {  	[sflag:s6] =	ssyncpa.u1 $0x0;
	s5 =	smul.u32 $0x1F40, s5;
	s9 =	simm.s32 @!p0 $0x0  }
0xa: {  	s8 =	sadd.s32 $0x40600, s8;
	[sflag:s10] =	ssyncpa.u1 $0x0;
	s7 =	sadd.s32 s9, s7  }
0xb: {  	vm0 =	vmmov $0xffff;
	s10 =	simm.s32 $0x0;
	s11 =	smov.u32 s5;
	s9 =	sadd.s32 $0x1, s7  }
.LBB2_4:
0xc: {  	v2 =	vnsel vm1, $0x0, v2  }
0xd: {  	vm1 =	vgt.s32 v0, $0x0;
	v2 =	vmin.u32 v2, $0x4E1FF  }
0xe: {  	v0 =	vnsel vm1, $0x0, v0  }
0xf: {  	v0 =	vmin.u32 v0, $0x4E1FF  }
0x10: {  	[tilespmem:s18], [sflag:$0x1] =	stream.indirect_vreg.gather [hbm4b:s2+s10], $0x1, v1, vm0, $0x4038;
	[tilespmem:$0x7D00] =	vst v63  }
0x11: {  	(ifvalue) =	ssetifvalue $0x7FFFFFFF  }
0x12: {  	[tilespmem:s15], [sflag:$0x1] =	stream.indirect_vreg.gather [hbm4b:s2+s10], $0x1, v2, vm0, $0x4038;
	[tilespmem:$0x7D00] =	vst v63  }
0x13: {  	s29 =	sadd.s32 $0x10, s15;
	(ifvalue) =	ssetifvalue $0x7FFFFFFF  }
0x14: {  	[tilespmem:s29], [sflag:$0x1] =	stream.indirect_vreg.gather [hbm4b:s2+s10], $0x1, v0, vm0, $0x4038;
	[tilespmem:$0x7D00] =	vst v63  }
0x15: {  	_ =	swait.ge [sflag:s4], $0x1F40  }
0x16: {  	s30 =	sshrl.u32 s13, $0x3;
	[sflag:s4] =	ssyncset.done $0x0  }
0x17: {  	s31 =	sand.u32 $0x7, s13;
	s15 =	sadd.s32 s8, s30;
	[sflag:s4] =	ssyncadd.s32 $0xFFFFE0C0  }
0x18: {  	[hbm4b:s15+s31] =	stream.linear.scatter [tilespmem:s14], [sflag:$0x3], $0x1F40, $0x38;
	[tilespmem:$0x7D00] =	vst v63  }
.LBB2_5:
0x19: {  	s15 =	sadd.s32 $0x3E800, s11  }
0x1a: {  	p1 =	sgt.s32 s15, $0x4E1FF  }
0x1b: {  	s15 =	smov.u32 @p1 s5;
	p1 =	sne.s32 s12, s9  }
.Ltmp1:
0x1c: {  	p0 =	slt.u32 s12, $0x2;
	(pc) =	sbr.rel @!p1 .LBB2_6-.Ltmp1, $4  }
0x1d: {  	s14 =	simm.s32 @!p0 $0x3  }
0x1e: {  	_ =	swait.ge @!p0 [sflag:s14], $0x1F40  }
0x1f: {  	s16 =	sadd.s32 $0x1, s12;
	s13 =	smov.u32 s11;
	[sflag:s14] =	ssyncset.done @!p0 $0x0  }
0x20: {  	s12 =	smov.u32 s16;
	s11 =	smov.u32 s15;
	[sflag:s14] =	ssyncadd.s32 @!p0 $0xFFFFE0C0  }
.LBB2_1:
0x21: {  	p0 =	sge.u32 s12, s7  }
0x22: {  	s14 =	sxor.u32 @!p0 $0x1, s12  }
0x23: {  	s14 =	smul.u32 @!p0 $0x7D00, s14  }
0x24: {  	s31 =	sadd.s32 $0xFFFFFFFF, s12;
	s15 =	sshrl.u32 @!p0 s11, $0x3  }
0x25: {  	s16 =	sand.u32 @!p0 $0x7, s11;
	s15 =	sadd.s32 @!p0 s3, s15;
	s14 =	sshra.s32 @!p0 s14, $0x2  }
0x26: {  	[tilespmem:s14], [sflag:$0x2] =	stream.linear.gather @!p0 [hbm4b:s15+s16], $0x1F40, $0x38;
	[tilespmem:$0x7D00] =	vst v63  }
0x27: {  	p0 =	sge.u32 s31, s7  }
.Ltmp2:
0x28: {  	_ = 	snop;
	(pc) =	sbr.rel @p0 .LBB2_5-.Ltmp2, $1  }
0x29: {  	_ =	sdelay $0x3  }
0x2a: {  	s14 =	sand.u32 $0x1, s12  }
0x2b: {  	_ =	swait.ge [sflag:s6], $0x1F40;
	p0 =	seq.s32 s14, $0x1;
	s14 =	simm.s32 $0x1F40  }
0x2c: {  	[sflag:s6] =	ssyncset.done $0x0;
	s14 =	simm.s32 @!p0 $0x0  }
0x2d: {  	[sflag:s6] =	ssyncadd.s32 $0xFFFFE0C0;
	(ifvalue) =	ssetifvalue $0x7FFFFFFF;
	v0 =	vld.msk [tilespmem:s14+$0x0 ss:$0x1], $0xffff;
	_ =	sdelay $0x4  }
0x2e: {  	s15 =	sadd.s32 $0x10, s14;
	vm1 =	vgt.s32 v0, $0x0  }
0x2f: {  	v2 =	vld.msk [tilespmem:s15+$0x0 ss:$0x1], $0xffff;
	v1 =	vnsel vm1, $0x0, v0  }
0x30: {  	v1 =	vmin.u32 v1, $0x4E1FF;
	_ =	sdelay $0x2  }
0x31: {  	s17 =	simm.s32 $0x20;
	s14 =	sadd.s32 $0x3E80, s14;
	s16 =	sadd.s32 $0x10, s15  }
0x32: {  	s15 =	sadd.s32 $0x10, s14;
	s18 =	smov.u32 s14;
	v0 =	vld.msk [tilespmem:s16+$0x0 ss:$0x1], $0xffff;
	vm1 =	vgt.s32 v2, $0x0;
	(ifvalue) =	ssetifvalue $0x7FFFFFFF  }
.LBB2_3:
0x33: {  	[tilespmem:s18], [sflag:$0x1] =	stream.indirect_vreg.gather [hbm4b:s2+s10], $0x1, v1, vm0, $0x4038;
	[tilespmem:$0x7D00] =	vst v63  }
0x34: {  	s17 =	sadd.s32 $0x10, s17  }
0x35: {  	v2 =	vnsel vm1, $0x0, v2;
	p0 =	slt.u32 s17, $0x1F30  }
.Ltmp3:
0x36: {  	s18 =	smov.u32 s15;
	v1 =	vmin.u32 v2, $0x4E1FF;
	(pc) =	sbr.rel @p0 .LBB2_3-.Ltmp3, $3  }
0x37: {  	_ =	sdelay $0x1  }
0x38: {  	s16 =	sadd.s32 $0x10, s16  }
0x39: {  	vm1 =	vgt.s32 v0, $0x0;
	s15 =	sadd.s32 $0x10, s15;
	v2 =	vmov v0;
	(ifvalue) =	ssetifvalue $0x7FFFFFFF;
	v0 =	vld.msk [tilespmem:s16+$0x0 ss:$0x1], $0xffff  }
.Ltmp4:
0x3a: {  	_ = 	snop;
	(pc) =	sbr.rel .LBB2_4-.Ltmp4, $1  }
0x3b: {  	_ =	sdelay $0x3  }
.LBB2_6:
0x3c: {  	_ =	sfence.sel $0x180000  }
0x3d: {  	s2 =	simm.s32 $0x2;
	[bflag:$0x0] =	sbarrier.arrive $0xFFFF  }
0x3e: {  	s30 =	simm.s32 $0x3;
	[sflag:s2] =	ssyncpa.u1 $0x1  }
0x3f: {  	s31 =	simm.s32 $0x1;
	[sflag:s30] =	ssyncpa.u1 $0x1  }
0x40: {  	[sflag:s31] =	ssyncpa.u1 $0x1  }
0x41: {  	p0 =	sne.s32 s1, $0x0;
	_ =	strace $0x9000004D  }
0x42: {  	s0 =	sadd.s32 @!p0 $0x100000, s0;
	[bflag:$0x2] =	sbarrier.arrive $0xFFFF  }
0x43: {  	[sflag:s0] =	ssyncadd.tile.s32 @!p0 $0x1;
	_ =	shalt  }
.Lfunc_end2:
_tile_overlayer_lowered:
.L_overlay_start_2:
0x44: {  	(tag) =	ssettag $0x2  }
0x45: {  	s0 =	rddreg [dreg:$0x0];
	s2 =	stileid.u32  }
0x46: {  	s1 =	rddreg [dreg:$0x1];
	p0 =	sne.s32 s2, $0x0  }
0x47: {  	s3 =	rddreg [dreg:$0x2];
	[bflag:$0x3] =	sbarrier.arrive $0xFFFF;
	s2 =	simm.s32 @!p0 $0x1C01  }
0x48: {  	[timem:s3], [sflag:s2] =	dma.local @!p0 [hbm:s0], s1  }
0x49: {  	s0 =	simm.s32 @!p0 $0x1  }
0x4a: {  	_ =	swait.ge @!p0 [sflag:s0], s1  }
0x4b: {  	s1 =	ssub.s32 @!p0 $0x0, s1;
	[sflag:s0] =	ssyncset.done @!p0 $0x0  }
0x4c: {  	[sflag:s0] =	ssyncadd.s32 @!p0 s1  }
0x4d: {  	[bflag:$0x3] =	sbarrier.arrive $0xFFFF  }
0x4e: {  	_ =	shalt  }

// kernel: gather_offload_async_start.4
scs
__scs_entry_jumppad:
0x0: {  	(pc) =	sbr.rel $0x88, $3  }
0x1: {  	(tag) =	ssettag $0x0;
	lr =	simm.s32 $0x1  }
0x2: {  	[smem:$0x3F7D] =	sst lr;
	_ =	strace $0xD0000000  }
0x3: {  	_ = 	snop  }
0x4: {  	_ = 	snop  }
0x5: {  	_ = 	snop  }
0x6: {  	_ = 	snop  }
0x7: {  	_ = 	snop  }
__scs_overlays_trampoline_lowered:
0x8: {  	[smem:$0x3F8C] =	sst s0  }
0x9: {  	[smem:$0x3F8D] =	sst s1  }
0xa: {  	[smem:$0x3F8E] =	sst s2  }
0xb: {  	[smem:$0x3F8F] =	sst s3  }
0xc: {  	[smem:$0x3F90] =	sst s4  }
0xd: {  	[smem:$0x3F91] =	sst s5  }
0xe: {  	[smem:$0x3F92] =	sst s6  }
0xf: {  	[smem:$0x3F93] =	sst s7  }
0x10: {  	[smem:$0x3F94] =	sst s8  }
0x11: {  	[smem:$0x3F95] =	sst s9;
	s0 =	simm.s32 @!p0 $0x0  }
0x12: {  	s1 =	sld [smem:$0x3F7B];
	s0 =	simm.s32 @p0 $0x1  }
0x13: {  	[smem:$0x3F96] =	sst s0;
	s0 =	simm.s32 @!p1 $0x0  }
0x14: {  	s2 =	sld [smem:$0x3F7A];
	s0 =	simm.s32 @p1 $0x1  }
0x15: {  	[smem:$0x3F97] =	sst s0;
	s0 =	simm.s32 @!p2 $0x0  }
0x16: {  	s3 =	sld [smem:$0x3FDB];
	s0 =	simm.s32 @p2 $0x1  }
0x17: {  	s4 =	simm.s32 $0x1BF5;
	[smem:$0x3F99] =	sst s0  }
0x18: {  	s0 =	sld [smem:$0x3F7C];
	_ =	swait.ge [sflag:s4], $0x0  }
0x19: {  	s7 =	sld [smem:$0x3F7D]  }
0x1a: {  	s8 =	sadd.s32 $0xFFFFE003, lr  }
0x1b: {  	s9 =	sadd.s32 $0xFFFFFEF7, lr;
	s5 =	simm.s32 $0xFFFFFFFF;
	p2 =	slt.u32 s8, $0xFFFFF086  }
0x1c: {  	p1 =	slt.u32 s9, $0xF7A;
	s5 =	simm.s32 @!p2 $0x0  }
0x1d: {  	s5 =	simm.s32 @p1 $0x1;
	p0 =	seq.s32 s7, s2  }
0x1e: {  	s7 =	smul.u32 @!p0 $0xF7A, s2;
	p2 =	seq.s32 @!p0 s5, $0x0  }
0x1f: {  	s9 =	smul.u32 $0xF7A, s1;
	s8 =	simm.s32 @!p0 $0x1BF5;
	p2 =	por !p2, p0  }
0x20: {  	[sflag:s8] =	ssyncset.s32 @!p0 $0xFFFFF086;
	s6 =	sadd.s32 @!p0 s3, s7;
	s7 =	simm.s32 @!p0 $0x108  }
0x21: {  	s3 =	sadd.s32 s3, s9;
	s6 =	sadd.s32 @!p0 $0x88, s6;
	s7 =	simm.s32 @p2 $0x1082  }
0x22: {  	[simem:s7], [sflag:s8] =	dma.local @!p0 [hbm:s6], $0xF7A  }
0x23: {  	s9 =	sor.u32 $0xD0000000, s2;
	s6 =	simm.s32 $0x108;
	_ =	swait.ge @!p0 [sflag:s8], $0x0  }
0x24: {  	s3 =	sadd.s32 $0x88, s3;
	s6 =	simm.s32 @!p1 $0x1082;
	[sflag:s4] =	ssyncset.s32 $0xFFFFF086  }
0x25: {  	[simem:s6], [sflag:s4] =	dma.local [hbm:s3], $0xF7A  }
0x26: {  	[smem:$0x3F7D] =	sst s1;
	(tag) =	ssettag s2;
	_ =	strace s9  }
0x27: {  	s1 =	sld [smem:$0x3F8D]  }
0x28: {  	s2 =	sld [smem:$0x3F8E]  }
0x29: {  	s4 =	sld [smem:$0x3F90]  }
0x2a: {  	p0 =	seq.s32 s5, $0x0;
	s5 =	sld [smem:$0x3F91]  }
0x2b: {  	s6 =	sld [smem:$0x3F92]  }
0x2c: {  	s7 =	sld [smem:$0x3F93]  }
0x2d: {  	s3 =	simm.s32 $0x108;
	s8 =	sld [smem:$0x3F94]  }
0x2e: {  	s3 =	simm.s32 @!p0 $0x1082;
	s9 =	sld [smem:$0x3F95]  }
0x2f: {  	lr =	sadd.s32 s0, s3;
	s0 =	sld [smem:$0x3F8C]  }
0x30: {  	s3 =	sld [smem:$0x3F8F]  }
0x31: {  	[smem:$0x3F98] =	sst s10  }
0x32: {  	s10 =	sld [smem:$0x3F96];
	_ =	sdelay $0x3  }
0x33: {  	p0 =	seq.s32 s10, $0x1;
	s10 =	sld [smem:$0x3F98];
	_ =	sdelay $0x3  }
0x34: {  	[smem:$0x3F98] =	sst s10  }
0x35: {  	s10 =	sld [smem:$0x3F97];
	_ =	sdelay $0x3  }
0x36: {  	p1 =	seq.s32 s10, $0x1;
	s10 =	sld [smem:$0x3F98];
	_ =	sdelay $0x3  }
0x37: {  	[smem:$0x3F98] =	sst s10  }
0x38: {  	s10 =	sld [smem:$0x3F99]  }
0x39: {  	_ = 	snop;
	(pc) =	sbr.ind lr, $3  }
0x3a: {  	_ = 	snop  }
0x3b: {  	_ = 	snop  }
0x3c: {  	p2 =	seq.s32 s10, $0x1;
	s10 =	sld [smem:$0x3F98]  }
0x3d: {  	_ =	shalt  }
0x3e: {  	_ =	shalt  }
0x3f: {  	_ =	shalt  }
0x40: {  	_ =	shalt  }
0x41: {  	_ =	shalt  }
0x42: {  	_ =	shalt  }
0x43: {  	_ =	shalt  }
0x44: {  	_ =	shalt  }
0x45: {  	_ =	shalt  }
0x46: {  	_ =	shalt  }
0x47: {  	_ =	shalt  }
0x48: {  	_ =	shalt  }
0x49: {  	_ =	shalt  }
0x4a: {  	_ =	shalt  }
0x4b: {  	_ =	shalt  }
0x4c: {  	_ =	shalt  }
0x4d: {  	_ =	shalt  }
0x4e: {  	_ =	shalt  }
0x4f: {  	_ =	shalt  }
0x50: {  	_ =	shalt  }
0x51: {  	_ =	shalt  }
0x52: {  	_ =	shalt  }
0x53: {  	_ =	shalt  }
0x54: {  	_ =	shalt  }
0x55: {  	_ =	shalt  }
0x56: {  	_ =	shalt  }
0x57: {  	_ =	shalt  }
0x58: {  	_ =	shalt  }
0x59: {  	_ =	shalt  }
0x5a: {  	_ =	shalt  }
0x5b: {  	_ =	shalt  }
0x5c: {  	_ =	shalt  }
0x5d: {  	_ =	shalt  }
0x5e: {  	_ =	shalt  }
0x5f: {  	_ =	shalt  }
0x60: {  	_ =	shalt  }
0x61: {  	_ =	shalt  }
0x62: {  	_ =	shalt  }
0x63: {  	_ =	shalt  }
0x64: {  	_ =	shalt  }
0x65: {  	_ =	shalt  }
0x66: {  	_ =	shalt  }
0x67: {  	_ =	shalt  }
0x68: {  	_ =	shalt  }
0x69: {  	_ =	shalt  }
0x6a: {  	_ =	shalt  }
0x6b: {  	_ =	shalt  }
0x6c: {  	_ =	shalt  }
0x6d: {  	_ =	shalt  }
0x6e: {  	_ =	shalt  }
0x6f: {  	_ =	shalt  }
0x70: {  	_ =	shalt  }
0x71: {  	_ =	shalt  }
0x72: {  	_ =	shalt  }
0x73: {  	_ =	shalt  }
0x74: {  	_ =	shalt  }
0x75: {  	_ =	shalt  }
0x76: {  	_ =	shalt  }
0x77: {  	_ =	shalt  }
0x78: {  	_ =	shalt  }
0x79: {  	_ =	shalt  }
0x7a: {  	_ =	shalt  }
0x7b: {  	_ =	shalt  }
0x7c: {  	_ =	shalt  }
0x7d: {  	_ =	shalt  }
0x7e: {  	_ =	shalt  }
0x7f: {  	_ =	shalt  }
0x80: {  	_ =	shalt  }
0x81: {  	_ =	shalt  }
0x82: {  	_ =	shalt  }
0x83: {  	_ =	shalt  }
0x84: {  	_ =	shalt  }
0x85: {  	_ =	shalt  }
0x86: {  	_ =	shalt  }
0x87: {  	_ =	shalt  }
.Lfunc_end0:
.L_simem_size_0:
called_computation.4_lowered:
.L_overlay_start_0:
0x88: {  	s2 =	sld [smem:$0x3FD9]  }
0x89: {  	s3 =	sld [smem:$0x3FFE];
	_ =	sdelay $0x1  }
0x8a: {  	s1 =	srdreg.scid  }
0x8b: {  	s0 =	sand.u32 $0x1, s1  }
0x8c: {  	s16 =	sshll.u32 s0, $0xA;
	s2 =	sadd.s32 s3, s2  }
0x8d: {  	s2 =	sadd.s32 s2, s16  }
0x8e: {  	[smem:$0x3FA4] =	sst s2  }
0x8f: {  	_ = 	snop  }
0x90: {  	(tm) =	ssettm $0x1  }
0x91: {  	s17 =	sld [smem:$0x3FFB];
	_ =	sdelay $0x3  }
0x92: {  	_ =	strace s17  }
0x93: {  	s2 =	sld [smem:$0x3FFC];
	_ =	sdelay $0x3  }
0x94: {  	_ =	strace s2  }
0x95: {  	s2 =	sld [smem:$0x3FFD];
	_ =	sdelay $0x3  }
0x96: {  	_ =	strace s2  }
0x97: {  	_ =	strace $0x8FFFFFFF  }
0x98: {  	s18 =	sld [smem:$0x3FDB];
	_ =	sdelay $0x1  }
0x99: {  	s19 =	simm.s32 $_scs_section_size  }
0x9a: {  	s4 =	simm.s32 $_size__tile_overlayer_lowered;
	s5 =	simm.s32 $_tile_overlayer_lowered  }
0x9b: {  	s22 =	simm.s32 $0x1BFF;
	s21 =	sshll.u32 s5, $0x1;
	s2 =	sadd.s32 s19, s18  }
0x9c: {  	s6 =	simm.s32 $0x0;
	s20 =	sshll.u32 s4, $0x1;
	s4 =	sadd.s32 s21, s2  }
0x9d: {  	[timem:s6], [sflag:s22] =	dma.local [hbm:s4], s20  }
0x9e: {  	_ =	swait.ge [sflag:s22], s20  }
0x9f: {  	s3 =	ssub.s32 $0x0, s20;
	[sflag:s22] =	ssyncset.done $0x0  }
0xa0: {  	[sflag:s22] =	ssyncadd.s32 s3;
	_ =	sdelay $0x1  }
0xa1: {  	s23 =	simm.s32 $0x1B8B  }
0xa2: {  	_ =	swait.ge [sflag:s23], $0x1  }
0xa3: {  	[sflag:s23] =	ssyncset.done $0x0  }
0xa4: {  	s25 =	simm.s32 $0x1B8E;
	s24 =	sld [smem:$0x3FFE];
	[sflag:s23] =	ssyncadd.s32 $0xFFFFFFFF  }
0xa5: {  	s26 =	simm.s32 $execute0_lowered;
	[smem:$0x3FD2] =	sst s25  }
0xa6: {  	s4 =	sshll.u32 s26, $0x1;
	_ =	strace $0x80000052;
	[dreg:$0x1] =	wrdreg $0xFFFFFFFF  }
0xa7: {  	s28 =	simm.s32 $_size_execute0_lowered;
	s2 =	sadd.s32 s2, s4;
	[dreg:$0x0] =	wrdreg $0x0  }
0xa8: {  	s4 =	sshll.u32 s28, $0x1;
	[dreg:$0x2] =	wrdreg s2  }
0xa9: {  	[dreg:$0x3] =	wrdreg s4  }
0xaa: {  	[dreg:$0x4] =	wrdreg $0xC0  }
0xab: {  	_ =	task [dreg:s6], $0x5FFFF  }
0xac: {  	[dreg:$0x1] =	wrdreg $0xFFFFFFFF  }
0xad: {  	[dreg:$0x0] =	wrdreg $0x60  }
0xae: {  	[dreg:$0x2] =	wrdreg s24  }
0xaf: {  	[dreg:$0x3] =	wrdreg $0x9  }
0xb0: {  	_ =	task.clear_ibuf [dreg:s6], $0x4FFFF;
	_ =	strace $0x90000052  }
0xb1: {  	s29 =	simm.s32 $0x9;
	_ =	strace $0x80000054  }
0xb2: {  	_ =	swait.ge [sflag:s29], $0x1  }
0xb3: {  	[sflag:s29] =	ssyncadd.s32 $0xFFFFFFFF  }
0xb4: {  	_ =	strace $0x90000054  }
0xb5: {  	_ =	sfence  }
0xb6: {  	s30 =	sld [smem:$0x0];
	_ =	sdelay $0x2  }
0xb7: {  	s31 =	sshll.u32 s1, $0xD;
	s1 =	sshrl.u32 s1, $0x2  }
0xb8: {  	s3 =	sand.u32 $0x4000, s31;
	s1 =	sadd.s32 s1, s30  }
0xb9: {  	s0 =	sor.u32 s3, s0;
	s1 =	sshll.u32 s1, $0x11  }
0xba: {  	s0 =	sor.u32 s1, s0  }
0xbb: {  	s0 =	sadd.s32 $0x8F2B, s0  }
0xbc: {  	[sflag:s0] =	ssyncadd.remote.s32 $0x1  }
0xbd: {  	_ =	sfence.sel $0xFFFF  }
0xbe: {  	[dreg:$0x0] =	wrdreg $0xFFFFFFFF;
	(pc) =	sbr.abs _section_cstart, $3  }
0xbf: {  	[dreg:$0x1] =	wrdreg $0xFFFFFFFF  }
0xc0: {  	_ =	task.clear_ibuf [dreg:s6], $0x2FFFF;
	_ =	strace $0x9FFFFFFF  }
0xc1: {  	(tm) =	ssettm $0x7FFFFFFF  }
tec
execute0_lowered:
.L_overlay_start_1:
0x0: {  	(tag) =	ssettag $0x1  }
0x1: {  	s0 =	srdreg.scid  }
0x2: {  	s1 =	sshll.u32 s0, $0x4  }
0x3: {  	s0 =	stileid.u32;
	s1 =	sand.u32 $0x10, s1  }
0x4: {  	s1 =	sor.u32 s0, s1  }
0x5: {  	s2 =	smul.u32 $0x1F, s1  }
0x6: {  	s3 =	smin.u32 s1, $0x8  }
0x7: {  	s2 =	sadd.s32 s3, s2  }
0x8: {  	p0 =	slt.u32 s1, $0x8;
	s1 =	simm.s32 $0x2800;
	s2 =	smul.u32 $0x140, s2  }
0x9: {  	s1 =	simm.s32 @!p0 $0x26C0  }
0xa: {  	s1 =	sadd.s32 s1, s2  }
0xb: {  	s3 =	smin.u32 s1, $0x4E200  }
0xc: {  	s7 =	ssub.s32 s3, s2  }
0xd: {  	p0 =	sgt.s32 s7, $0x0  }
0xe: {  	s7 =	simm.s32 @!p0 $0x0  }
0xf: {  	s4 =	smulhi.u32 $0x66666667, s7  }
0x10: {  	s9 =	rddreg [dreg:$0x0];
	s6 =	simm.s32 $0x1;
	s11 =	simm.s32 $0x3  }
0x11: {  	s13 =	simm.s32 $0x0;
	s12 =	simm.s32 $0x0;
	s8 =	sshrl.u32 s4, $0x7  }
0x12: {  	s1 =	rddreg [dreg:$0x1];
	_ =	strace $0x80000053;
	s10 =	smul.u32 $0x140, s8  }
.Ltmp0:
0x13: {  	s5 =	sadd.s32 $0x18A00, s9;
	[sflag:s6] =	ssyncpa.u1 $0x0;
	(pc) =	sbr.rel .LBB2_1-.Ltmp0, $4  }
0x14: {  	s4 =	sadd.s32 $0x1462C00, s9;
	p0 =	sne.s32 s7, s10;
	s10 =	simm.s32 $0x1  }
0x15: {  	s9 =	sadd.s32 $0xF80C00, s9;
	s7 =	simm.s32 $0x2;
	s10 =	simm.s32 @!p0 $0x0  }
0x16: {  	[sflag:s7] =	ssyncpa.u1 $0x0;
	p0 =	por $0x0, $0x0;
	s8 =	sadd.s32 s10, s8  }
0x17: {  	vm0 =	vmmov $0xff;
	vm1 =	vcmask $0x3F20;
	[sflag:s11] =	ssyncpa.u1 $0x0;
	s11 =	smov.u32 s2;
	s10 =	sadd.s32 $0x1, s8  }
.LBB2_6:
0x18: {  	[hbm:s17] =	stream.linear.scatter [tilespmem:s14], [sflag:$0x3], $0x400, $0x38;
	[tilespmem:$0x14280] =	vst v63  }
.LBB2_7:
0x19: {  	s13 =	sadd.s32 $0x140, s11  }
0x1a: {  	s15 =	smov.u32 s2;
	p2 =	slt.s32 s13, s3  }
0x1b: {  	s15 =	smov.u32 @p2 s13;
	p2 =	sne.s32 s12, s10  }
.Ltmp1:
0x1c: {  	p1 =	slt.u32 s12, $0x2;
	(pc) =	sbr.rel @!p2 .LBB2_8-.Ltmp1, $4  }
0x1d: {  	s14 =	simm.s32 @!p1 $0x3  }
0x1e: {  	s16 =	sadd.s32 $0x1, s12;
	_ =	swait.ge @!p1 [sflag:s14], $0xA000  }
0x1f: {  	p0 =	por !p0, !p0;
	s13 =	smov.u32 s11;
	[sflag:s14] =	ssyncset.done @!p1 $0x0  }
0x20: {  	s12 =	smov.u32 s16;
	s11 =	smov.u32 s15;
	[sflag:s14] =	ssyncadd.s32 @!p1 $0xFFFF6000  }
.LBB2_1:
0x21: {  	p1 =	sge.u32 s12, s8  }
0x22: {  	s14 =	sxor.u32 @!p1 $0xFFFFFFFF, s12  }
0x23: {  	s14 =	sand.u32 @!p1 $0x1, s14  }
0x24: {  	s14 =	smul.u32 @!p1 $0x500, s14  }
0x25: {  	s31 =	sadd.s32 $0xFFFFFFFF, s12;
	s15 =	sshrl.u32 @!p1 s11, $0x3  }
0x26: {  	s16 =	sand.u32 @!p1 $0x7, s11;
	s15 =	sadd.s32 @!p1 s5, s15;
	s14 =	sshrl.u32 @!p1 s14, $0x2  }
0x27: {  	[tilespmem:s14], [sflag:$0x2] =	stream.linear.gather @!p1 [hbm4b:s15+s16], $0x140, $0x38;
	[tilespmem:$0x14280] =	vst v63  }
0x28: {  	p1 =	sge.u32 s31, s8  }
.Ltmp2:
0x29: {  	_ = 	snop;
	(pc) =	sbr.rel @p1 .LBB2_7-.Ltmp2, $1  }
0x2a: {  	_ =	sdelay $0x3  }
0x2b: {  	s14 =	simm.s32 $0x1  }
0x2c: {  	s14 =	simm.s32 @!p0 $0x0  }
0x2d: {  	s15 =	smul.u32 $0x500, s14  }
0x2e: {  	_ =	swait.ge [sflag:s7], $0x140  }
0x2f: {  	[sflag:s7] =	ssyncset.done $0x0;
	s16 =	sshrl.u32 s15, $0x2  }
0x30: {  	[sflag:s7] =	ssyncadd.s32 $0xFFFFFEC0;
	s15 =	sadd.s32 $0x0, s16  }
0x31: {  	v0 =	vld.msk [tilespmem:s15+$0x0 ss:$0x1], $0xffff;
	_ =	sdelay $0x4  }
0x32: {  	vm2 =	vgt.s32 v0, $0x0  }
0x33: {  	v0 =	vnsel vm2, $0x0, v0  }
0x34: {  	v0 =	vmin.u32 v0, $0x4E1FF  }
0x35: {  	v0 =	vshll.u32 v0, $0x4  }
0x36: {  	s14 =	smul.u32 $0x28000, s14;
	_ =	sdelay $0x1  }
0x37: {  	s14 =	sshrl.u32 s14, $0x2  }
0x38: {  	s14 =	sor.u32 $0x280, s14  }
0x39: {  	[tilespmem:s14], [sflag:$0x1] =	stream.indirect_vreg.gather [hbm:s4], $0x80, v0, vm0, $0x38;
	[tilespmem:$0x14280] =	vst v63  }
0x3a: {  	s17 =	sadd.s32 $0x10, s16;
	s15 =	sadd.s32 $0x400, s14  }
0x3b: {  	[tilespmem:s15], [sflag:$0x1] =	stream.indirect_vreg.gather [hbm:s4], $0x80, v0, vm1, $0x38;
	[tilespmem:$0x14280] =	vst v63  }
0x3c: {  	s18 =	simm.s32 $0x80;
	v0 =	vld.msk [tilespmem:s17+$0x0 ss:$0x1], $0xffff;
	s17 =	smov.u32 s14  }
.LBB2_3:
0x3d: {  	p1 =	sne.s32 s18, $0x4C0;
	_ =	sdelay $0x4  }
0x3e: {  	vm2 =	vgt.s32 v0, $0x0  }
0x3f: {  	v0 =	vnsel vm2, $0x0, v0  }
0x40: {  	v0 =	vmin.u32 v0, $0x4E1FF  }
0x41: {  	v0 =	vshll.u32 v0, $0x4;
	_ =	sdelay $0x3  }
.Ltmp3:
0x42: {  	s19 =	sshra.s32 s18, $0x2;
	s17 =	sadd.s32 $0x800, s17;
	(pc) =	sbr.rel @p1 .LBB2_3-.Ltmp3, $4  }
0x43: {  	[tilespmem:s17], [sflag:$0x1] =	stream.indirect_vreg.gather [hbm:s4], $0x80, v0, vm0, $0x38;
	[tilespmem:$0x14280] =	vst v63  }
0x44: {  	s19 =	sadd.s32 s19, s16;
	s20 =	sadd.s32 $0x400, s17  }
0x45: {  	[tilespmem:s20], [sflag:$0x1] =	stream.indirect_vreg.gather [hbm:s4], $0x80, v0, vm1, $0x38;
	[tilespmem:$0x14280] =	vst v63  }
0x46: {  	s18 =	sadd.s32 $0x40, s18;
	v0 =	vld.msk [tilespmem:s19+$0x0 ss:$0x1], $0xffff  }
0x47: {  	_ =	sdelay $0x3  }
0x48: {  	vm2 =	vgt.s32 v0, $0x0  }
0x49: {  	v0 =	vnsel vm2, $0x0, v0  }
0x4a: {  	v0 =	vmin.u32 v0, $0x4E1FF  }
0x4b: {  	v0 =	vshll.u32 v0, $0x4;
	_ =	sdelay $0x3  }
0x4c: {  	s16 =	sadd.s32 $0x800, s17  }
0x4d: {  	[tilespmem:s16], [sflag:$0x1] =	stream.indirect_vreg.gather [hbm:s4], $0x80, v0, vm0, $0x38;
	[tilespmem:$0x14280] =	vst v63  }
0x4e: {  	s16 =	sadd.s32 $0x400, s16  }
0x4f: {  	[tilespmem:s16], [sflag:$0x1] =	stream.indirect_vreg.gather [hbm:s4], $0x80, v0, vm1, $0x38;
	[tilespmem:$0x14280] =	vst v63  }
0x50: {  	s13 =	sshll.u32 s13, $0x4;
	_ =	swait.ge [sflag:s6], $0xA000  }
0x51: {  	s13 =	sadd.s32 s13, s9;
	[sflag:s6] =	ssyncset.done $0x0  }
0x52: {  	s17 =	sadd.s32 $0x0, s13;
	s16 =	simm.s32 $0x80;
	[sflag:s6] =	ssyncadd.s32 $0xFFFF6000  }
.LBB2_5:
0x53: {  	[hbm:s17] =	stream.linear.scatter [tilespmem:s14], [sflag:$0x3], $0x400, $0x38;
	[tilespmem:$0x14280] =	vst v63  }
0x54: {  	s17 =	smov.u32 s16;
	s14 =	smov.u32 s15;
	p1 =	sne.s32 s16, $0x1380  }
.Ltmp4:
0x55: {  	s16 =	sadd.s32 $0x80, s16;
	(pc) =	sbr.rel @p1 .LBB2_5-.Ltmp4, $2  }
0x56: {  	_ =	sdelay $0x2  }
0x57: {  	s15 =	sadd.s32 $0x400, s15;
	s17 =	sadd.s32 s17, s13  }
.Ltmp5:
0x58: {  	_ = 	snop;
	(pc) =	sbr.rel .LBB2_6-.Ltmp5, $1  }
0x59: {  	_ =	sdelay $0x3  }
.LBB2_8:
0x5a: {  	_ =	sfence.sel $0x180000  }
0x5b: {  	s2 =	simm.s32 $0x2;
	[bflag:$0x0] =	sbarrier.arrive $0xFFFF  }
0x5c: {  	s30 =	simm.s32 $0x3;
	[sflag:s2] =	ssyncpa.u1 $0x1  }
0x5d: {  	s31 =	simm.s32 $0x1;
	[sflag:s30] =	ssyncpa.u1 $0x1  }
0x5e: {  	[sflag:s31] =	ssyncpa.u1 $0x1  }
0x5f: {  	p0 =	sne.s32 s0, $0x0;
	_ =	strace $0x90000053  }
0x60: {  	s0 =	sadd.s32 @!p0 $0x100000, s1;
	[bflag:$0x2] =	sbarrier.arrive $0xFFFF  }
0x61: {  	[sflag:s0] =	ssyncadd.tile.s32 @!p0 $0x1;
	_ =	shalt  }
.Lfunc_end2:
_tile_overlayer_lowered:
.L_overlay_start_2:
0x62: {  	(tag) =	ssettag $0x2  }
0x63: {  	s0 =	rddreg [dreg:$0x0];
	s2 =	stileid.u32  }
0x64: {  	s1 =	rddreg [dreg:$0x1];
	p0 =	sne.s32 s2, $0x0  }
0x65: {  	s3 =	rddreg [dreg:$0x2];
	[bflag:$0x3] =	sbarrier.arrive $0xFFFF;
	s2 =	simm.s32 @!p0 $0x1C01  }
0x66: {  	[timem:s3], [sflag:s2] =	dma.local @!p0 [hbm:s0], s1  }
0x67: {  	s0 =	simm.s32 @!p0 $0x1  }
0x68: {  	_ =	swait.ge @!p0 [sflag:s0], s1  }
0x69: {  	s1 =	ssub.s32 @!p0 $0x0, s1;
	[sflag:s0] =	ssyncset.done @!p0 $0x0  }
0x6a: {  	[sflag:s0] =	ssyncadd.s32 @!p0 s1  }
0x6b: {  	[bflag:$0x3] =	sbarrier.arrive $0xFFFF  }
0x6c: {  	_ =	shalt  }

// kernel: gather_offload_async_start.5
scs
__scs_entry_jumppad:
0x0: {  	(pc) =	sbr.rel $0x88, $3  }
0x1: {  	(tag) =	ssettag $0x0;
	lr =	simm.s32 $0x1  }
0x2: {  	[smem:$0x3F7D] =	sst lr;
	_ =	strace $0xD0000000  }
0x3: {  	_ = 	snop  }
0x4: {  	_ = 	snop  }
0x5: {  	_ = 	snop  }
0x6: {  	_ = 	snop  }
0x7: {  	_ = 	snop  }
__scs_overlays_trampoline_lowered:
0x8: {  	[smem:$0x3F8C] =	sst s0  }
0x9: {  	[smem:$0x3F8D] =	sst s1  }
0xa: {  	[smem:$0x3F8E] =	sst s2  }
0xb: {  	[smem:$0x3F8F] =	sst s3  }
0xc: {  	[smem:$0x3F90] =	sst s4  }
0xd: {  	[smem:$0x3F91] =	sst s5  }
0xe: {  	[smem:$0x3F92] =	sst s6  }
0xf: {  	[smem:$0x3F93] =	sst s7  }
0x10: {  	[smem:$0x3F94] =	sst s8  }
0x11: {  	[smem:$0x3F95] =	sst s9;
	s0 =	simm.s32 @!p0 $0x0  }
0x12: {  	s1 =	sld [smem:$0x3F7B];
	s0 =	simm.s32 @p0 $0x1  }
0x13: {  	[smem:$0x3F96] =	sst s0;
	s0 =	simm.s32 @!p1 $0x0  }
0x14: {  	s2 =	sld [smem:$0x3F7A];
	s0 =	simm.s32 @p1 $0x1  }
0x15: {  	[smem:$0x3F97] =	sst s0;
	s0 =	simm.s32 @!p2 $0x0  }
0x16: {  	s3 =	sld [smem:$0x3FDB];
	s0 =	simm.s32 @p2 $0x1  }
0x17: {  	s4 =	simm.s32 $0x1BF5;
	[smem:$0x3F99] =	sst s0  }
0x18: {  	s0 =	sld [smem:$0x3F7C];
	_ =	swait.ge [sflag:s4], $0x0  }
0x19: {  	s7 =	sld [smem:$0x3F7D]  }
0x1a: {  	s8 =	sadd.s32 $0xFFFFE003, lr  }
0x1b: {  	s9 =	sadd.s32 $0xFFFFFEF7, lr;
	s5 =	simm.s32 $0xFFFFFFFF;
	p2 =	slt.u32 s8, $0xFFFFF086  }
0x1c: {  	p1 =	slt.u32 s9, $0xF7A;
	s5 =	simm.s32 @!p2 $0x0  }
0x1d: {  	s5 =	simm.s32 @p1 $0x1;
	p0 =	seq.s32 s7, s2  }
0x1e: {  	s7 =	smul.u32 @!p0 $0xF7A, s2;
	p2 =	seq.s32 @!p0 s5, $0x0  }
0x1f: {  	s9 =	smul.u32 $0xF7A, s1;
	s8 =	simm.s32 @!p0 $0x1BF5;
	p2 =	por !p2, p0  }
0x20: {  	[sflag:s8] =	ssyncset.s32 @!p0 $0xFFFFF086;
	s6 =	sadd.s32 @!p0 s3, s7;
	s7 =	simm.s32 @!p0 $0x108  }
0x21: {  	s3 =	sadd.s32 s3, s9;
	s6 =	sadd.s32 @!p0 $0x88, s6;
	s7 =	simm.s32 @p2 $0x1082  }
0x22: {  	[simem:s7], [sflag:s8] =	dma.local @!p0 [hbm:s6], $0xF7A  }
0x23: {  	s9 =	sor.u32 $0xD0000000, s2;
	s6 =	simm.s32 $0x108;
	_ =	swait.ge @!p0 [sflag:s8], $0x0  }
0x24: {  	s3 =	sadd.s32 $0x88, s3;
	s6 =	simm.s32 @!p1 $0x1082;
	[sflag:s4] =	ssyncset.s32 $0xFFFFF086  }
0x25: {  	[simem:s6], [sflag:s4] =	dma.local [hbm:s3], $0xF7A  }
0x26: {  	[smem:$0x3F7D] =	sst s1;
	(tag) =	ssettag s2;
	_ =	strace s9  }
0x27: {  	s1 =	sld [smem:$0x3F8D]  }
0x28: {  	s2 =	sld [smem:$0x3F8E]  }
0x29: {  	s4 =	sld [smem:$0x3F90]  }
0x2a: {  	p0 =	seq.s32 s5, $0x0;
	s5 =	sld [smem:$0x3F91]  }
0x2b: {  	s6 =	sld [smem:$0x3F92]  }
0x2c: {  	s7 =	sld [smem:$0x3F93]  }
0x2d: {  	s3 =	simm.s32 $0x108;
	s8 =	sld [smem:$0x3F94]  }
0x2e: {  	s3 =	simm.s32 @!p0 $0x1082;
	s9 =	sld [smem:$0x3F95]  }
0x2f: {  	lr =	sadd.s32 s0, s3;
	s0 =	sld [smem:$0x3F8C]  }
0x30: {  	s3 =	sld [smem:$0x3F8F]  }
0x31: {  	[smem:$0x3F98] =	sst s10  }
0x32: {  	s10 =	sld [smem:$0x3F96];
	_ =	sdelay $0x3  }
0x33: {  	p0 =	seq.s32 s10, $0x1;
	s10 =	sld [smem:$0x3F98];
	_ =	sdelay $0x3  }
0x34: {  	[smem:$0x3F98] =	sst s10  }
0x35: {  	s10 =	sld [smem:$0x3F97];
	_ =	sdelay $0x3  }
0x36: {  	p1 =	seq.s32 s10, $0x1;
	s10 =	sld [smem:$0x3F98];
	_ =	sdelay $0x3  }
0x37: {  	[smem:$0x3F98] =	sst s10  }
0x38: {  	s10 =	sld [smem:$0x3F99]  }
0x39: {  	_ = 	snop;
	(pc) =	sbr.ind lr, $3  }
0x3a: {  	_ = 	snop  }
0x3b: {  	_ = 	snop  }
0x3c: {  	p2 =	seq.s32 s10, $0x1;
	s10 =	sld [smem:$0x3F98]  }
0x3d: {  	_ =	shalt  }
0x3e: {  	_ =	shalt  }
0x3f: {  	_ =	shalt  }
0x40: {  	_ =	shalt  }
0x41: {  	_ =	shalt  }
0x42: {  	_ =	shalt  }
0x43: {  	_ =	shalt  }
0x44: {  	_ =	shalt  }
0x45: {  	_ =	shalt  }
0x46: {  	_ =	shalt  }
0x47: {  	_ =	shalt  }
0x48: {  	_ =	shalt  }
0x49: {  	_ =	shalt  }
0x4a: {  	_ =	shalt  }
0x4b: {  	_ =	shalt  }
0x4c: {  	_ =	shalt  }
0x4d: {  	_ =	shalt  }
0x4e: {  	_ =	shalt  }
0x4f: {  	_ =	shalt  }
0x50: {  	_ =	shalt  }
0x51: {  	_ =	shalt  }
0x52: {  	_ =	shalt  }
0x53: {  	_ =	shalt  }
0x54: {  	_ =	shalt  }
0x55: {  	_ =	shalt  }
0x56: {  	_ =	shalt  }
0x57: {  	_ =	shalt  }
0x58: {  	_ =	shalt  }
0x59: {  	_ =	shalt  }
0x5a: {  	_ =	shalt  }
0x5b: {  	_ =	shalt  }
0x5c: {  	_ =	shalt  }
0x5d: {  	_ =	shalt  }
0x5e: {  	_ =	shalt  }
0x5f: {  	_ =	shalt  }
0x60: {  	_ =	shalt  }
0x61: {  	_ =	shalt  }
0x62: {  	_ =	shalt  }
0x63: {  	_ =	shalt  }
0x64: {  	_ =	shalt  }
0x65: {  	_ =	shalt  }
0x66: {  	_ =	shalt  }
0x67: {  	_ =	shalt  }
0x68: {  	_ =	shalt  }
0x69: {  	_ =	shalt  }
0x6a: {  	_ =	shalt  }
0x6b: {  	_ =	shalt  }
0x6c: {  	_ =	shalt  }
0x6d: {  	_ =	shalt  }
0x6e: {  	_ =	shalt  }
0x6f: {  	_ =	shalt  }
0x70: {  	_ =	shalt  }
0x71: {  	_ =	shalt  }
0x72: {  	_ =	shalt  }
0x73: {  	_ =	shalt  }
0x74: {  	_ =	shalt  }
0x75: {  	_ =	shalt  }
0x76: {  	_ =	shalt  }
0x77: {  	_ =	shalt  }
0x78: {  	_ =	shalt  }
0x79: {  	_ =	shalt  }
0x7a: {  	_ =	shalt  }
0x7b: {  	_ =	shalt  }
0x7c: {  	_ =	shalt  }
0x7d: {  	_ =	shalt  }
0x7e: {  	_ =	shalt  }
0x7f: {  	_ =	shalt  }
0x80: {  	_ =	shalt  }
0x81: {  	_ =	shalt  }
0x82: {  	_ =	shalt  }
0x83: {  	_ =	shalt  }
0x84: {  	_ =	shalt  }
0x85: {  	_ =	shalt  }
0x86: {  	_ =	shalt  }
0x87: {  	_ =	shalt  }
.Lfunc_end0:
.L_simem_size_0:
called_computation.5_lowered:
.L_overlay_start_0:
0x88: {  	s2 =	sld [smem:$0x3FD9]  }
0x89: {  	s3 =	sld [smem:$0x3FFE];
	_ =	sdelay $0x1  }
0x8a: {  	s1 =	srdreg.scid  }
0x8b: {  	s0 =	sand.u32 $0x1, s1  }
0x8c: {  	s16 =	sshll.u32 s0, $0xA;
	s2 =	sadd.s32 s3, s2  }
0x8d: {  	s2 =	sadd.s32 s2, s16  }
0x8e: {  	[smem:$0x3FA4] =	sst s2  }
0x8f: {  	_ = 	snop  }
0x90: {  	(tm) =	ssettm $0x1  }
0x91: {  	s17 =	sld [smem:$0x3FFB];
	_ =	sdelay $0x3  }
0x92: {  	_ =	strace s17  }
0x93: {  	s2 =	sld [smem:$0x3FFC];
	_ =	sdelay $0x3  }
0x94: {  	_ =	strace s2  }
0x95: {  	s2 =	sld [smem:$0x3FFD];
	_ =	sdelay $0x3  }
0x96: {  	_ =	strace s2  }
0x97: {  	_ =	strace $0x8FFFFFFF  }
0x98: {  	s18 =	sld [smem:$0x3FDB];
	_ =	sdelay $0x1  }
0x99: {  	s19 =	simm.s32 $_scs_section_size  }
0x9a: {  	s4 =	simm.s32 $_size__tile_overlayer_lowered;
	s5 =	simm.s32 $_tile_overlayer_lowered  }
0x9b: {  	s22 =	simm.s32 $0x1BFF;
	s21 =	sshll.u32 s5, $0x1;
	s2 =	sadd.s32 s19, s18  }
0x9c: {  	s6 =	simm.s32 $0x0;
	s20 =	sshll.u32 s4, $0x1;
	s4 =	sadd.s32 s21, s2  }
0x9d: {  	[timem:s6], [sflag:s22] =	dma.local [hbm:s4], s20  }
0x9e: {  	_ =	swait.ge [sflag:s22], s20  }
0x9f: {  	s3 =	ssub.s32 $0x0, s20;
	[sflag:s22] =	ssyncset.done $0x0  }
0xa0: {  	[sflag:s22] =	ssyncadd.s32 s3;
	_ =	sdelay $0x1  }
0xa1: {  	s23 =	simm.s32 $0x1B8B  }
0xa2: {  	_ =	swait.ge [sflag:s23], $0x1  }
0xa3: {  	[sflag:s23] =	ssyncset.done $0x0  }
0xa4: {  	s25 =	simm.s32 $0x1B8E;
	s24 =	sld [smem:$0x3FFE];
	[sflag:s23] =	ssyncadd.s32 $0xFFFFFFFF  }
0xa5: {  	s26 =	simm.s32 $execute0_lowered;
	[smem:$0x3FD2] =	sst s25  }
0xa6: {  	s4 =	sshll.u32 s26, $0x1;
	_ =	strace $0x80000055;
	[dreg:$0x1] =	wrdreg $0xFFFFFFFF  }
0xa7: {  	s28 =	simm.s32 $_size_execute0_lowered;
	s2 =	sadd.s32 s2, s4;
	[dreg:$0x0] =	wrdreg $0x0  }
0xa8: {  	s4 =	sshll.u32 s28, $0x1;
	[dreg:$0x2] =	wrdreg s2  }
0xa9: {  	[dreg:$0x3] =	wrdreg s4  }
0xaa: {  	[dreg:$0x4] =	wrdreg $0xC0  }
0xab: {  	_ =	task [dreg:s6], $0x5FFFF  }
0xac: {  	[dreg:$0x1] =	wrdreg $0xFFFFFFFF  }
0xad: {  	[dreg:$0x0] =	wrdreg $0x60  }
0xae: {  	[dreg:$0x2] =	wrdreg s24  }
0xaf: {  	[dreg:$0x3] =	wrdreg $0x9  }
0xb0: {  	_ =	task.clear_ibuf [dreg:s6], $0x4FFFF;
	_ =	strace $0x90000055  }
0xb1: {  	s29 =	simm.s32 $0x9;
	_ =	strace $0x80000057  }
0xb2: {  	_ =	swait.ge [sflag:s29], $0x1  }
0xb3: {  	[sflag:s29] =	ssyncadd.s32 $0xFFFFFFFF  }
0xb4: {  	_ =	strace $0x90000057  }
0xb5: {  	_ =	sfence  }
0xb6: {  	s30 =	sld [smem:$0x0];
	_ =	sdelay $0x2  }
0xb7: {  	s31 =	sshll.u32 s1, $0xD;
	s1 =	sshrl.u32 s1, $0x2  }
0xb8: {  	s3 =	sand.u32 $0x4000, s31;
	s1 =	sadd.s32 s1, s30  }
0xb9: {  	s0 =	sor.u32 s3, s0;
	s1 =	sshll.u32 s1, $0x11  }
0xba: {  	s0 =	sor.u32 s1, s0  }
0xbb: {  	s0 =	sadd.s32 $0x8F2B, s0  }
0xbc: {  	[sflag:s0] =	ssyncadd.remote.s32 $0x1  }
0xbd: {  	_ =	sfence.sel $0xFFFF  }
0xbe: {  	[dreg:$0x0] =	wrdreg $0xFFFFFFFF;
	(pc) =	sbr.abs _section_cstart, $3  }
0xbf: {  	[dreg:$0x1] =	wrdreg $0xFFFFFFFF  }
0xc0: {  	_ =	task.clear_ibuf [dreg:s6], $0x2FFFF;
	_ =	strace $0x9FFFFFFF  }
0xc1: {  	(tm) =	ssettm $0x7FFFFFFF  }
tec
execute0_lowered:
.L_overlay_start_1:
0x0: {  	(tag) =	ssettag $0x1  }
0x1: {  	s8 =	rddreg [dreg:$0x0]  }
0x2: {  	s0 =	rddreg [dreg:$0x1];
	_ =	strace $0x80000056;
	s1 =	stileid.u32  }
0x3: {  	s3 =	srdreg.scid;
	s4 =	simm.s32 $0x1;
	s7 =	simm.s32 $0x1  }
0x4: {  	s9 =	simm.s32 $0x1;
	s10 =	simm.s32 $0x3;
	s13 =	simm.s32 $0x0  }
0x5: {  	s12 =	simm.s32 $0x0;
	s5 =	sand.u32 $0x1, s3;
	s6 =	sshll.u32 s1, $0x1  }
0x6: {  	s2 =	sadd.s32 $0x22800, s8;
	s3 =	sadd.s32 $0x18A00, s8;
	s5 =	sor.u32 s6, s5  }
.Ltmp0:
0x7: {  	[sflag:s4] =	ssyncpa.u1 $0x0;
	p0 =	slt.u32 s5, $0x13;
	(pc) =	sbr.rel .LBB2_1-.Ltmp0, $4  }
0x8: {  	s6 =	simm.s32 $0x2;
	s7 =	simm.s32 @!p0 $0x0;
	p0 =	sne.s32 s5, $0x12  }
0x9: {  	[sflag:s6] =	ssyncpa.u1 $0x0;
	s5 =	smul.u32 $0x1900, s5;
	s9 =	simm.s32 @!p0 $0x0  }
0xa: {  	s8 =	sadd.s32 $0x49A00, s8;
	[sflag:s10] =	ssyncpa.u1 $0x0;
	s7 =	sadd.s32 s9, s7  }
0xb: {  	vm0 =	vmmov $0xffff;
	v0 =	vlaneseq.u32;
	s10 =	simm.s32 $0x0;
	s11 =	smov.u32 s5;
	s9 =	sadd.s32 $0x1, s7  }
.LBB2_4:
0xc: {  	_ =	sdelay $0x3  }
0xd: {  	[tilespmem:s22], [sflag:$0x1] =	stream.indirect_vreg.gather [hbm4b:s2+s10], $0x1, v1, vm0, $0x4038;
	[tilespmem:$0xFA00] =	vst v63  }
0xe: {  	s15 =	sadd.s32 s19, s15  }
0xf: {  	v1 =	vld.msk [tilespmem:s15+$0x0 ss:$0x1], $0xffff;
	_ =	sdelay $0x4  }
0x10: {  	vm1 =	vgt.s32 v1, $0x0  }
0x11: {  	p0 =	sgt.s32 s18, $0x0;
	v1 =	vnsel vm1, $0x0, v1  }
0x12: {  	s18 =	simm.s32 @!p0 $0x0;
	v1 =	vmin.u32 v1, $0x4E1FF  }
0x13: {  	s25 =	smin.u32 s18, $0x10;
	v2 =	vshll.u32 v1, $0x2  }
0x14: {  	v3 =	vmov s25;
	v1 =	vand.u32 $0x7F, v1;
	v2 =	vand.u32 $0x1FFE00, v2  }
0x15: {  	vm1 =	vgt.u32 v3, v0;
	v1 =	vor.u32 v1, v2  }
0x16: {  	v2 =	vnsel vm1, $0x7FFFFFFF, v1;
	_ =	sdelay $0x1  }
0x17: {  	s26 =	sand.u32 $0x7E00, s16;
	v3 =	vor.u32 $0x80, v1  }
0x18: {  	s28 =	sand.u32 $0x70, s17;
	(ifvalue) =	ssetifvalue $0x7FFFFFFF;
	s15 =	sadd.s32 s26, s14;
	v3 =	vnsel vm1, $0x7FFFFFFF, v3  }
0x19: {  	s15 =	sadd.s32 s28, s15;
	(ifvalue) =	ssetifvalue $0x7FFFFFFF  }
0x1a: {  	v4 =	vor.u32 $0x100, v1;
	[tilespmem:s15], [sflag:$0x1] =	stream.indirect_vreg.gather [hbm4b:s2+s10], $0x1, v2, vm0, $0x4038;
	[tilespmem:$0xFA00] =	vst v63  }
0x1b: {  	(ifvalue) =	ssetifvalue $0x7FFFFFFF;
	v2 =	vnsel vm1, $0x7FFFFFFF, v4  }
0x1c: {  	s16 =	sadd.s32 $0x80, s15;
	(ifvalue) =	ssetifvalue $0x7FFFFFFF  }
0x1d: {  	v1 =	vor.u32 $0x180, v1;
	[tilespmem:s16], [sflag:$0x1] =	stream.indirect_vreg.gather [hbm4b:s2+s10], $0x1, v3, vm0, $0x4038;
	[tilespmem:$0xFA00] =	vst v63  }
0x1e: {  	v1 =	vnsel vm1, $0x7FFFFFFF, v1;
	(ifvalue) =	ssetifvalue $0x7FFFFFFF  }
0x1f: {  	s29 =	sadd.s32 $0x100, s15;
	(ifvalue) =	ssetifvalue $0x7FFFFFFF  }
0x20: {  	[tilespmem:s29], [sflag:$0x1] =	stream.indirect_vreg.gather [hbm4b:s2+s10], $0x1, v2, vm0, $0x4038;
	[tilespmem:$0xFA00] =	vst v63  }
0x21: {  	(ifvalue) =	ssetifvalue $0x7FFFFFFF  }
0x22: {  	s30 =	sshll.u32 s13, $0x2;
	s15 =	sadd.s32 $0x180, s15;
	(ifvalue) =	ssetifvalue $0x7FFFFFFF  }
0x23: {  	[tilespmem:s15], [sflag:$0x1] =	stream.indirect_vreg.gather [hbm4b:s2+s10], $0x1, v1, vm0, $0x4038;
	[tilespmem:$0xFA00] =	vst v63  }
0x24: {  	s31 =	sand.u32 $0x78, s13;
	s15 =	sand.u32 $0xFFFFFE00, s30  }
0x25: {  	_ =	swait.ge [sflag:s4], $0x6400;
	s13 =	sor.u32 s31, s15  }
0x26: {  	[sflag:s4] =	ssyncset.done $0x0;
	s13 =	sshrl.u32 s13, $0x3  }
0x27: {  	[sflag:s4] =	ssyncadd.s32 $0xFFFF9C00;
	s13 =	sadd.s32 s8, s13  }
0x28: {  	[hbm:s13] =	stream.linear.scatter [tilespmem:s14], [sflag:$0x3], $0x6400, $0x38;
	[tilespmem:$0xFA00] =	vst v63  }
.LBB2_5:
0x29: {  	s15 =	sadd.s32 $0x32000, s11  }
0x2a: {  	p1 =	sgt.s32 s15, $0x4E1FF  }
0x2b: {  	s15 =	smov.u32 @p1 s5;
	p1 =	sne.s32 s12, s9  }
.Ltmp1:
0x2c: {  	p0 =	slt.u32 s12, $0x2;
	(pc) =	sbr.rel @!p1 .LBB2_6-.Ltmp1, $4  }
0x2d: {  	s14 =	simm.s32 @!p0 $0x3  }
0x2e: {  	_ =	swait.ge @!p0 [sflag:s14], $0x6400  }
0x2f: {  	s16 =	sadd.s32 $0x1, s12;
	s13 =	smov.u32 s11;
	[sflag:s14] =	ssyncset.done @!p0 $0x0  }
0x30: {  	s12 =	smov.u32 s16;
	s11 =	smov.u32 s15;
	[sflag:s14] =	ssyncadd.s32 @!p0 $0xFFFF9C00  }
.LBB2_1:
0x31: {  	p0 =	sge.u32 s12, s7  }
0x32: {  	s14 =	sxor.u32 @!p0 $0x1, s12  }
0x33: {  	s14 =	smul.u32 @!p0 $0x6400, s14  }
0x34: {  	s31 =	sadd.s32 $0xFFFFFFFF, s12;
	s15 =	sshrl.u32 @!p0 s11, $0x3  }
0x35: {  	s16 =	sand.u32 @!p0 $0x7, s11;
	s15 =	sadd.s32 @!p0 s3, s15;
	s14 =	sshra.s32 @!p0 s14, $0x2  }
0x36: {  	[tilespmem:s14], [sflag:$0x2] =	stream.linear.gather @!p0 [hbm4b:s15+s16], $0x1900, $0x38;
	[tilespmem:$0xFA00] =	vst v63  }
0x37: {  	p0 =	sge.u32 s31, s7  }
.Ltmp2:
0x38: {  	_ = 	snop;
	(pc) =	sbr.rel @p0 .LBB2_5-.Ltmp2, $1  }
0x39: {  	_ =	sdelay $0x3  }
0x3a: {  	s14 =	sand.u32 $0x1, s12  }
0x3b: {  	p0 =	seq.s32 s14, $0x1;
	s14 =	simm.s32 $0x6400  }
0x3c: {  	_ =	swait.ge [sflag:s6], $0x1900;
	s14 =	simm.s32 @!p0 $0x0  }
0x3d: {  	[sflag:s6] =	ssyncset.done $0x0;
	s15 =	sshrl.u32 s14, $0x2  }
0x3e: {  	[sflag:s6] =	ssyncadd.s32 $0xFFFFE700;
	s16 =	sadd.s32 $0x0, s15  }
0x3f: {  	v1 =	vld.msk [tilespmem:s16+$0x0 ss:$0x1], $0xffff;
	_ =	sdelay $0x2  }
0x40: {  	s17 =	ssub.s32 $0x4E200, s13  }
0x41: {  	p0 =	slt.s32 s17, $0x1900  }
0x42: {  	s17 =	simm.s32 @!p0 $0x1900;
	vm1 =	vgt.s32 v1, $0x0  }
0x43: {  	p0 =	sgt.s32 s17, $0x0;
	s16 =	smov.u32 s17;
	v1 =	vnsel vm1, $0x0, v1  }
0x44: {  	s16 =	simm.s32 @!p0 $0x0;
	v1 =	vmin.u32 v1, $0x4E1FF  }
0x45: {  	s16 =	smin.u32 s16, $0x10;
	v2 =	vshll.u32 v1, $0x2  }
0x46: {  	v3 =	vmov s16;
	v1 =	vand.u32 $0x7F, v1;
	v2 =	vand.u32 $0x1FFE00, v2  }
0x47: {  	vm1 =	vgt.u32 v3, v0;
	v1 =	vor.u32 v1, v2  }
0x48: {  	v2 =	vnsel vm1, $0x7FFFFFFF, v1  }
0x49: {  	s31 =	simm.s32 $0x0  }
0x4a: {  	s18 =	sand.u32 $0x7E00, s31;
	s14 =	sadd.s32 $0x3200, s14;
	v3 =	vor.u32 $0x80, v1  }
0x4b: {  	s18 =	sadd.s32 s18, s14;
	(ifvalue) =	ssetifvalue $0x7FFFFFFF;
	s16 =	sand.u32 $0x70, s31;
	v3 =	vnsel vm1, $0x7FFFFFFF, v3  }
0x4c: {  	(ifvalue) =	ssetifvalue $0x7FFFFFFF;
	s20 =	sadd.s32 s16, s18  }
0x4d: {  	v4 =	vor.u32 $0x100, v1;
	[tilespmem:s20], [sflag:$0x1] =	stream.indirect_vreg.gather [hbm4b:s2+s10], $0x1, v2, vm0, $0x4038;
	[tilespmem:$0xFA00] =	vst v63  }
0x4e: {  	(ifvalue) =	ssetifvalue $0x7FFFFFFF;
	v2 =	vnsel vm1, $0x7FFFFFFF, v4  }
0x4f: {  	s16 =	sadd.s32 $0x80, s20;
	(ifvalue) =	ssetifvalue $0x7FFFFFFF  }
0x50: {  	v1 =	vor.u32 $0x180, v1;
	[tilespmem:s16], [sflag:$0x1] =	stream.indirect_vreg.gather [hbm4b:s2+s10], $0x1, v3, vm0, $0x4038;
	[tilespmem:$0xFA00] =	vst v63  }
0x51: {  	s19 =	simm.s32 $0x10;
	v1 =	vnsel vm1, $0x7FFFFFFF, v1;
	(ifvalue) =	ssetifvalue $0x7FFFFFFF  }
0x52: {  	s21 =	simm.s32 $0x80;
	s18 =	sadd.s32 $0x100, s20;
	(ifvalue) =	ssetifvalue $0x7FFFFFFF  }
0x53: {  	[tilespmem:s18], [sflag:$0x1] =	stream.indirect_vreg.gather [hbm4b:s2+s10], $0x1, v2, vm0, $0x4038;
	[tilespmem:$0xFA00] =	vst v63  }
0x54: {  	s22 =	sadd.s32 $0x180, s20;
	s16 =	simm.s32 $0x40;
	(ifvalue) =	ssetifvalue $0x7FFFFFFF  }
0x55: {  	s18 =	sadd.s32 $0xFFFFFFF0, s17;
	s17 =	simm.s32 $0x10;
	(ifvalue) =	ssetifvalue $0x7FFFFFFF  }
.LBB2_3:
0x56: {  	[tilespmem:s22], [sflag:$0x1] =	stream.indirect_vreg.gather [hbm4b:s2+s10], $0x1, v1, vm0, $0x4038;
	[tilespmem:$0xFA00] =	vst v63  }
0x57: {  	s22 =	smov.u32 s21  }
0x58: {  	s20 =	sadd.s32 $0x40, s21;
	s23 =	sadd.s32 s19, s15;
	s19 =	sshra.s32 s22, $0x2  }
0x59: {  	p0 =	sne.s32 s21, $0x63C0;
	v1 =	vld.msk [tilespmem:s23+$0x0 ss:$0x1], $0xffff  }
0x5a: {  	(ifvalue) =	ssetifvalue $0x7FFFFFFF;
	_ =	sdelay $0x4  }
0x5b: {  	vm1 =	vgt.s32 v1, $0x0  }
0x5c: {  	p1 =	sgt.s32 s18, $0x0;
	s21 =	smov.u32 s18;
	v1 =	vnsel vm1, $0x0, v1  }
0x5d: {  	s21 =	simm.s32 @!p1 $0x0;
	v1 =	vmin.u32 v1, $0x4E1FF  }
0x5e: {  	s21 =	smin.u32 s21, $0x10;
	v2 =	vshll.u32 v1, $0x2  }
0x5f: {  	v3 =	vmov s21;
	v1 =	vand.u32 $0x7F, v1;
	v2 =	vand.u32 $0x1FFE00, v2  }
0x60: {  	vm1 =	vgt.u32 v3, v0;
	v1 =	vor.u32 v1, v2  }
0x61: {  	v2 =	vnsel vm1, $0x7FFFFFFF, v1;
	v3 =	vor.u32 $0x80, v1;
	v4 =	vor.u32 $0x100, v1  }
0x62: {  	v1 =	vor.u32 $0x180, v1  }
0x63: {  	s21 =	sand.u32 $0x7E00, s16;
	s16 =	smov.u32 s22  }
0x64: {  	s22 =	sand.u32 $0x70, s17;
	s21 =	sadd.s32 s21, s14;
	v3 =	vnsel vm1, $0x7FFFFFFF, v3  }
0x65: {  	s21 =	sadd.s32 s22, s21;
	(ifvalue) =	ssetifvalue $0x7FFFFFFF  }
0x66: {  	[tilespmem:s21], [sflag:$0x1] =	stream.indirect_vreg.gather [hbm4b:s2+s10], $0x1, v2, vm0, $0x4038;
	[tilespmem:$0xFA00] =	vst v63  }
0x67: {  	v2 =	vnsel vm1, $0x7FFFFFFF, v4;
	(ifvalue) =	ssetifvalue $0x7FFFFFFF  }
0x68: {  	s22 =	sadd.s32 $0x80, s21;
	(ifvalue) =	ssetifvalue $0x7FFFFFFF  }
0x69: {  	[tilespmem:s22], [sflag:$0x1] =	stream.indirect_vreg.gather [hbm4b:s2+s10], $0x1, v3, vm0, $0x4038;
	[tilespmem:$0xFA00] =	vst v63  }
.Ltmp3:
0x6a: {  	v1 =	vnsel vm1, $0x7FFFFFFF, v1;
	(ifvalue) =	ssetifvalue $0x7FFFFFFF;
	(pc) =	sbr.rel @p0 .LBB2_3-.Ltmp3, $4  }
0x6b: {  	s22 =	sadd.s32 $0x100, s21;
	(ifvalue) =	ssetifvalue $0x7FFFFFFF  }
0x6c: {  	[tilespmem:s22], [sflag:$0x1] =	stream.indirect_vreg.gather [hbm4b:s2+s10], $0x1, v2, vm0, $0x4038;
	[tilespmem:$0xFA00] =	vst v63  }
0x6d: {  	s18 =	sadd.s32 $0xFFFFFFF0, s18;
	s17 =	sadd.s32 $0x10, s17;
	(ifvalue) =	ssetifvalue $0x7FFFFFFF  }
0x6e: {  	s22 =	sadd.s32 $0x180, s21;
	s21 =	smov.u32 s20;
	(ifvalue) =	ssetifvalue $0x7FFFFFFF  }
.Ltmp4:
0x6f: {  	_ = 	snop;
	(pc) =	sbr.rel .LBB2_4-.Ltmp4, $1  }
0x70: {  	_ =	sdelay $0x3  }
.LBB2_6:
0x71: {  	_ =	sfence.sel $0x180000  }
0x72: {  	s2 =	simm.s32 $0x2;
	[bflag:$0x0] =	sbarrier.arrive $0xFFFF  }
0x73: {  	s30 =	simm.s32 $0x3;
	[sflag:s2] =	ssyncpa.u1 $0x1  }
0x74: {  	s31 =	simm.s32 $0x1;
	[sflag:s30] =	ssyncpa.u1 $0x1  }
0x75: {  	[sflag:s31] =	ssyncpa.u1 $0x1  }
0x76: {  	p0 =	sne.s32 s1, $0x0;
	_ =	strace $0x90000056  }
0x77: {  	s0 =	sadd.s32 @!p0 $0x100000, s0;
	[bflag:$0x2] =	sbarrier.arrive $0xFFFF  }
0x78: {  	[sflag:s0] =	ssyncadd.tile.s32 @!p0 $0x1;
	_ =	shalt  }
.Lfunc_end2:
_tile_overlayer_lowered:
.L_overlay_start_2:
0x79: {  	(tag) =	ssettag $0x2  }
0x7a: {  	s0 =	rddreg [dreg:$0x0];
	s2 =	stileid.u32  }
0x7b: {  	s1 =	rddreg [dreg:$0x1];
	p0 =	sne.s32 s2, $0x0  }
0x7c: {  	s3 =	rddreg [dreg:$0x2];
	[bflag:$0x3] =	sbarrier.arrive $0xFFFF;
	s2 =	simm.s32 @!p0 $0x1C01  }
0x7d: {  	[timem:s3], [sflag:s2] =	dma.local @!p0 [hbm:s0], s1  }
0x7e: {  	s0 =	simm.s32 @!p0 $0x1  }
0x7f: {  	_ =	swait.ge @!p0 [sflag:s0], s1  }
0x80: {  	s1 =	ssub.s32 @!p0 $0x0, s1;
	[sflag:s0] =	ssyncset.done @!p0 $0x0  }
0x81: {  	[sflag:s0] =	ssyncadd.s32 @!p0 s1  }
0x82: {  	[bflag:$0x3] =	sbarrier.arrive $0xFFFF  }
0x83: {  	_ =	shalt  }

// kernel: gather_offload_async_start
scs
__scs_entry_jumppad:
0x0: {  	(pc) =	sbr.rel $0x88, $3  }
0x1: {  	(tag) =	ssettag $0x0;
	lr =	simm.s32 $0x1  }
0x2: {  	[smem:$0x3F7D] =	sst lr;
	_ =	strace $0xD0000000  }
0x3: {  	_ = 	snop  }
0x4: {  	_ = 	snop  }
0x5: {  	_ = 	snop  }
0x6: {  	_ = 	snop  }
0x7: {  	_ = 	snop  }
__scs_overlays_trampoline_lowered:
0x8: {  	[smem:$0x3F8C] =	sst s0  }
0x9: {  	[smem:$0x3F8D] =	sst s1  }
0xa: {  	[smem:$0x3F8E] =	sst s2  }
0xb: {  	[smem:$0x3F8F] =	sst s3  }
0xc: {  	[smem:$0x3F90] =	sst s4  }
0xd: {  	[smem:$0x3F91] =	sst s5  }
0xe: {  	[smem:$0x3F92] =	sst s6  }
0xf: {  	[smem:$0x3F93] =	sst s7  }
0x10: {  	[smem:$0x3F94] =	sst s8  }
0x11: {  	[smem:$0x3F95] =	sst s9;
	s0 =	simm.s32 @!p0 $0x0  }
0x12: {  	s1 =	sld [smem:$0x3F7B];
	s0 =	simm.s32 @p0 $0x1  }
0x13: {  	[smem:$0x3F96] =	sst s0;
	s0 =	simm.s32 @!p1 $0x0  }
0x14: {  	s2 =	sld [smem:$0x3F7A];
	s0 =	simm.s32 @p1 $0x1  }
0x15: {  	[smem:$0x3F97] =	sst s0;
	s0 =	simm.s32 @!p2 $0x0  }
0x16: {  	s3 =	sld [smem:$0x3FDB];
	s0 =	simm.s32 @p2 $0x1  }
0x17: {  	s4 =	simm.s32 $0x1BF5;
	[smem:$0x3F99] =	sst s0  }
0x18: {  	s0 =	sld [smem:$0x3F7C];
	_ =	swait.ge [sflag:s4], $0x0  }
0x19: {  	s7 =	sld [smem:$0x3F7D]  }
0x1a: {  	s8 =	sadd.s32 $0xFFFFE003, lr  }
0x1b: {  	s9 =	sadd.s32 $0xFFFFFEF7, lr;
	s5 =	simm.s32 $0xFFFFFFFF;
	p2 =	slt.u32 s8, $0xFFFFF086  }
0x1c: {  	p1 =	slt.u32 s9, $0xF7A;
	s5 =	simm.s32 @!p2 $0x0  }
0x1d: {  	s5 =	simm.s32 @p1 $0x1;
	p0 =	seq.s32 s7, s2  }
0x1e: {  	s7 =	smul.u32 @!p0 $0xF7A, s2;
	p2 =	seq.s32 @!p0 s5, $0x0  }
0x1f: {  	s9 =	smul.u32 $0xF7A, s1;
	s8 =	simm.s32 @!p0 $0x1BF5;
	p2 =	por !p2, p0  }
0x20: {  	[sflag:s8] =	ssyncset.s32 @!p0 $0xFFFFF086;
	s6 =	sadd.s32 @!p0 s3, s7;
	s7 =	simm.s32 @!p0 $0x108  }
0x21: {  	s3 =	sadd.s32 s3, s9;
	s6 =	sadd.s32 @!p0 $0x88, s6;
	s7 =	simm.s32 @p2 $0x1082  }
0x22: {  	[simem:s7], [sflag:s8] =	dma.local @!p0 [hbm:s6], $0xF7A  }
0x23: {  	s9 =	sor.u32 $0xD0000000, s2;
	s6 =	simm.s32 $0x108;
	_ =	swait.ge @!p0 [sflag:s8], $0x0  }
0x24: {  	s3 =	sadd.s32 $0x88, s3;
	s6 =	simm.s32 @!p1 $0x1082;
	[sflag:s4] =	ssyncset.s32 $0xFFFFF086  }
0x25: {  	[simem:s6], [sflag:s4] =	dma.local [hbm:s3], $0xF7A  }
0x26: {  	[smem:$0x3F7D] =	sst s1;
	(tag) =	ssettag s2;
	_ =	strace s9  }
0x27: {  	s1 =	sld [smem:$0x3F8D]  }
0x28: {  	s2 =	sld [smem:$0x3F8E]  }
0x29: {  	s4 =	sld [smem:$0x3F90]  }
0x2a: {  	p0 =	seq.s32 s5, $0x0;
	s5 =	sld [smem:$0x3F91]  }
0x2b: {  	s6 =	sld [smem:$0x3F92]  }
0x2c: {  	s7 =	sld [smem:$0x3F93]  }
0x2d: {  	s3 =	simm.s32 $0x108;
	s8 =	sld [smem:$0x3F94]  }
0x2e: {  	s3 =	simm.s32 @!p0 $0x1082;
	s9 =	sld [smem:$0x3F95]  }
0x2f: {  	lr =	sadd.s32 s0, s3;
	s0 =	sld [smem:$0x3F8C]  }
0x30: {  	s3 =	sld [smem:$0x3F8F]  }
0x31: {  	[smem:$0x3F98] =	sst s10  }
0x32: {  	s10 =	sld [smem:$0x3F96];
	_ =	sdelay $0x3  }
0x33: {  	p0 =	seq.s32 s10, $0x1;
	s10 =	sld [smem:$0x3F98];
	_ =	sdelay $0x3  }
0x34: {  	[smem:$0x3F98] =	sst s10  }
0x35: {  	s10 =	sld [smem:$0x3F97];
	_ =	sdelay $0x3  }
0x36: {  	p1 =	seq.s32 s10, $0x1;
	s10 =	sld [smem:$0x3F98];
	_ =	sdelay $0x3  }
0x37: {  	[smem:$0x3F98] =	sst s10  }
0x38: {  	s10 =	sld [smem:$0x3F99]  }
0x39: {  	_ = 	snop;
	(pc) =	sbr.ind lr, $3  }
0x3a: {  	_ = 	snop  }
0x3b: {  	_ = 	snop  }
0x3c: {  	p2 =	seq.s32 s10, $0x1;
	s10 =	sld [smem:$0x3F98]  }
0x3d: {  	_ =	shalt  }
0x3e: {  	_ =	shalt  }
0x3f: {  	_ =	shalt  }
0x40: {  	_ =	shalt  }
0x41: {  	_ =	shalt  }
0x42: {  	_ =	shalt  }
0x43: {  	_ =	shalt  }
0x44: {  	_ =	shalt  }
0x45: {  	_ =	shalt  }
0x46: {  	_ =	shalt  }
0x47: {  	_ =	shalt  }
0x48: {  	_ =	shalt  }
0x49: {  	_ =	shalt  }
0x4a: {  	_ =	shalt  }
0x4b: {  	_ =	shalt  }
0x4c: {  	_ =	shalt  }
0x4d: {  	_ =	shalt  }
0x4e: {  	_ =	shalt  }
0x4f: {  	_ =	shalt  }
0x50: {  	_ =	shalt  }
0x51: {  	_ =	shalt  }
0x52: {  	_ =	shalt  }
0x53: {  	_ =	shalt  }
0x54: {  	_ =	shalt  }
0x55: {  	_ =	shalt  }
0x56: {  	_ =	shalt  }
0x57: {  	_ =	shalt  }
0x58: {  	_ =	shalt  }
0x59: {  	_ =	shalt  }
0x5a: {  	_ =	shalt  }
0x5b: {  	_ =	shalt  }
0x5c: {  	_ =	shalt  }
0x5d: {  	_ =	shalt  }
0x5e: {  	_ =	shalt  }
0x5f: {  	_ =	shalt  }
0x60: {  	_ =	shalt  }
0x61: {  	_ =	shalt  }
0x62: {  	_ =	shalt  }
0x63: {  	_ =	shalt  }
0x64: {  	_ =	shalt  }
0x65: {  	_ =	shalt  }
0x66: {  	_ =	shalt  }
0x67: {  	_ =	shalt  }
0x68: {  	_ =	shalt  }
0x69: {  	_ =	shalt  }
0x6a: {  	_ =	shalt  }
0x6b: {  	_ =	shalt  }
0x6c: {  	_ =	shalt  }
0x6d: {  	_ =	shalt  }
0x6e: {  	_ =	shalt  }
0x6f: {  	_ =	shalt  }
0x70: {  	_ =	shalt  }
0x71: {  	_ =	shalt  }
0x72: {  	_ =	shalt  }
0x73: {  	_ =	shalt  }
0x74: {  	_ =	shalt  }
0x75: {  	_ =	shalt  }
0x76: {  	_ =	shalt  }
0x77: {  	_ =	shalt  }
0x78: {  	_ =	shalt  }
0x79: {  	_ =	shalt  }
0x7a: {  	_ =	shalt  }
0x7b: {  	_ =	shalt  }
0x7c: {  	_ =	shalt  }
0x7d: {  	_ =	shalt  }
0x7e: {  	_ =	shalt  }
0x7f: {  	_ =	shalt  }
0x80: {  	_ =	shalt  }
0x81: {  	_ =	shalt  }
0x82: {  	_ =	shalt  }
0x83: {  	_ =	shalt  }
0x84: {  	_ =	shalt  }
0x85: {  	_ =	shalt  }
0x86: {  	_ =	shalt  }
0x87: {  	_ =	shalt  }
.Lfunc_end0:
.L_simem_size_0:
called_computation_lowered:
.L_overlay_start_0:
0x88: {  	s2 =	sld [smem:$0x3FD9]  }
0x89: {  	s3 =	sld [smem:$0x3FFE];
	_ =	sdelay $0x1  }
0x8a: {  	s1 =	srdreg.scid  }
0x8b: {  	s0 =	sand.u32 $0x1, s1  }
0x8c: {  	s16 =	sshll.u32 s0, $0xA;
	s2 =	sadd.s32 s3, s2  }
0x8d: {  	s2 =	sadd.s32 s2, s16  }
0x8e: {  	[smem:$0x3FA4] =	sst s2  }
0x8f: {  	_ = 	snop  }
0x90: {  	(tm) =	ssettm $0x1  }
0x91: {  	s17 =	sld [smem:$0x3FFB];
	_ =	sdelay $0x3  }
0x92: {  	_ =	strace s17  }
0x93: {  	s2 =	sld [smem:$0x3FFC];
	_ =	sdelay $0x3  }
0x94: {  	_ =	strace s2  }
0x95: {  	s2 =	sld [smem:$0x3FFD];
	_ =	sdelay $0x3  }
0x96: {  	_ =	strace s2  }
0x97: {  	_ =	strace $0x8FFFFFFF  }
0x98: {  	s18 =	sld [smem:$0x3FDB];
	_ =	sdelay $0x1  }
0x99: {  	s19 =	simm.s32 $_scs_section_size  }
0x9a: {  	s4 =	simm.s32 $_size__tile_overlayer_lowered;
	s5 =	simm.s32 $_tile_overlayer_lowered  }
0x9b: {  	s22 =	simm.s32 $0x1BFF;
	s21 =	sshll.u32 s5, $0x1;
	s2 =	sadd.s32 s19, s18  }
0x9c: {  	s6 =	simm.s32 $0x0;
	s20 =	sshll.u32 s4, $0x1;
	s4 =	sadd.s32 s21, s2  }
0x9d: {  	[timem:s6], [sflag:s22] =	dma.local [hbm:s4], s20  }
0x9e: {  	_ =	swait.ge [sflag:s22], s20  }
0x9f: {  	s3 =	ssub.s32 $0x0, s20;
	[sflag:s22] =	ssyncset.done $0x0  }
0xa0: {  	[sflag:s22] =	ssyncadd.s32 s3;
	_ =	sdelay $0x1  }
0xa1: {  	s23 =	simm.s32 $0x1B8B  }
0xa2: {  	_ =	swait.ge [sflag:s23], $0x1  }
0xa3: {  	[sflag:s23] =	ssyncset.done $0x0  }
0xa4: {  	s25 =	simm.s32 $0x1B8E;
	s24 =	sld [smem:$0x3FFE];
	[sflag:s23] =	ssyncadd.s32 $0xFFFFFFFF  }
0xa5: {  	s26 =	simm.s32 $execute0_lowered;
	[smem:$0x3FD2] =	sst s25  }
0xa6: {  	s4 =	sshll.u32 s26, $0x1;
	_ =	strace $0x80000049;
	[dreg:$0x1] =	wrdreg $0xFFFFFFFF  }
0xa7: {  	s28 =	simm.s32 $_size_execute0_lowered;
	s2 =	sadd.s32 s2, s4;
	[dreg:$0x0] =	wrdreg $0x0  }
0xa8: {  	s4 =	sshll.u32 s28, $0x1;
	[dreg:$0x2] =	wrdreg s2  }
0xa9: {  	[dreg:$0x3] =	wrdreg s4  }
0xaa: {  	[dreg:$0x4] =	wrdreg $0xC0  }
0xab: {  	_ =	task [dreg:s6], $0x5FFFF  }
0xac: {  	[dreg:$0x1] =	wrdreg $0xFFFFFFFF  }
0xad: {  	[dreg:$0x0] =	wrdreg $0x60  }
0xae: {  	[dreg:$0x2] =	wrdreg s24  }
0xaf: {  	[dreg:$0x3] =	wrdreg $0x9  }
0xb0: {  	_ =	task.clear_ibuf [dreg:s6], $0x4FFFF;
	_ =	strace $0x90000049  }
0xb1: {  	s29 =	simm.s32 $0x9;
	_ =	strace $0x8000004B  }
0xb2: {  	_ =	swait.ge [sflag:s29], $0x1  }
0xb3: {  	[sflag:s29] =	ssyncadd.s32 $0xFFFFFFFF  }
0xb4: {  	_ =	strace $0x9000004B  }
0xb5: {  	_ =	sfence  }
0xb6: {  	s30 =	sld [smem:$0x0];
	_ =	sdelay $0x2  }
0xb7: {  	s31 =	sshll.u32 s1, $0xD;
	s1 =	sshrl.u32 s1, $0x2  }
0xb8: {  	s3 =	sand.u32 $0x4000, s31;
	s1 =	sadd.s32 s1, s30  }
0xb9: {  	s0 =	sor.u32 s3, s0;
	s1 =	sshll.u32 s1, $0x11  }
0xba: {  	s0 =	sor.u32 s1, s0  }
0xbb: {  	s0 =	sadd.s32 $0x8F2B, s0  }
0xbc: {  	[sflag:s0] =	ssyncadd.remote.s32 $0x1  }
0xbd: {  	_ =	sfence.sel $0xFFFF  }
0xbe: {  	[dreg:$0x0] =	wrdreg $0xFFFFFFFF;
	(pc) =	sbr.abs _section_cstart, $3  }
0xbf: {  	[dreg:$0x1] =	wrdreg $0xFFFFFFFF  }
0xc0: {  	_ =	task.clear_ibuf [dreg:s6], $0x2FFFF;
	_ =	strace $0x9FFFFFFF  }
0xc1: {  	(tm) =	ssettm $0x7FFFFFFF  }
tec
execute0_lowered:
.L_overlay_start_1:
0x0: {  	(tag) =	ssettag $0x1  }
0x1: {  	s8 =	rddreg [dreg:$0x0]  }
0x2: {  	s0 =	rddreg [dreg:$0x1];
	_ =	strace $0x8000004A;
	s1 =	stileid.u32  }
0x3: {  	s3 =	srdreg.scid;
	s4 =	simm.s32 $0x1;
	s7 =	simm.s32 $0x1  }
0x4: {  	s9 =	simm.s32 $0x1;
	s10 =	simm.s32 $0x3;
	s13 =	simm.s32 $0x0  }
0x5: {  	s12 =	simm.s32 $0x0;
	s5 =	sand.u32 $0x1, s3;
	s6 =	sshll.u32 s1, $0x1  }
0x6: {  	s2 =	sadd.s32 $0x18A00, s8;
	s3 =	sadd.s32 $0x36400, s8;
	s5 =	sor.u32 s6, s5  }
.Ltmp0:
0x7: {  	[sflag:s4] =	ssyncpa.u1 $0x0;
	p0 =	slt.u32 s5, $0x9;
	(pc) =	sbr.rel .LBB2_1-.Ltmp0, $4  }
0x8: {  	s6 =	simm.s32 $0x2;
	s7 =	simm.s32 @!p0 $0x0;
	p0 =	sne.s32 s5, $0x8  }
0x9: {  	[sflag:s6] =	ssyncpa.u1 $0x0;
	s5 =	smul.u32 $0x1F40, s5;
	s9 =	simm.s32 @!p0 $0x0  }
0xa: {  	s8 =	sadd.s32 $0xCF600, s8;
	[sflag:s10] =	ssyncpa.u1 $0x0;
	s7 =	sadd.s32 s9, s7  }
0xb: {  	vm0 =	vmmov $0xffff;
	s10 =	simm.s32 $0x0;
	s11 =	smov.u32 s5;
	s9 =	sadd.s32 $0x1, s7  }
.LBB2_4:
0xc: {  	v2 =	vnsel vm1, $0x0, v2  }
0xd: {  	vm1 =	vgt.s32 v0, $0x0;
	v2 =	vmin.u32 v2, $0x4E1FF  }
0xe: {  	v0 =	vnsel vm1, $0x0, v0  }
0xf: {  	v0 =	vmin.u32 v0, $0x4E1FF  }
0x10: {  	[tilespmem:s18], [sflag:$0x1] =	stream.indirect_vreg.gather [hbm4b:s2+s10], $0x1, v1, vm0, $0x4038;
	[tilespmem:$0x7D00] =	vst v63  }
0x11: {  	(ifvalue) =	ssetifvalue $0x7FFFFFFF  }
0x12: {  	[tilespmem:s15], [sflag:$0x1] =	stream.indirect_vreg.gather [hbm4b:s2+s10], $0x1, v2, vm0, $0x4038;
	[tilespmem:$0x7D00] =	vst v63  }
0x13: {  	s29 =	sadd.s32 $0x10, s15;
	(ifvalue) =	ssetifvalue $0x7FFFFFFF  }
0x14: {  	[tilespmem:s29], [sflag:$0x1] =	stream.indirect_vreg.gather [hbm4b:s2+s10], $0x1, v0, vm0, $0x4038;
	[tilespmem:$0x7D00] =	vst v63  }
0x15: {  	_ =	swait.ge [sflag:s4], $0x1F40  }
0x16: {  	s30 =	sshrl.u32 s13, $0x3;
	[sflag:s4] =	ssyncset.done $0x0  }
0x17: {  	s31 =	sand.u32 $0x7, s13;
	s15 =	sadd.s32 s8, s30;
	[sflag:s4] =	ssyncadd.s32 $0xFFFFE0C0  }
0x18: {  	[hbm4b:s15+s31] =	stream.linear.scatter [tilespmem:s14], [sflag:$0x3], $0x1F40, $0x38;
	[tilespmem:$0x7D00] =	vst v63  }
.LBB2_5:
0x19: {  	s15 =	sadd.s32 $0x3E800, s11  }
0x1a: {  	p1 =	sgt.s32 s15, $0x4E1FF  }
0x1b: {  	s15 =	smov.u32 @p1 s5;
	p1 =	sne.s32 s12, s9  }
.Ltmp1:
0x1c: {  	p0 =	slt.u32 s12, $0x2;
	(pc) =	sbr.rel @!p1 .LBB2_6-.Ltmp1, $4  }
0x1d: {  	s14 =	simm.s32 @!p0 $0x3  }
0x1e: {  	_ =	swait.ge @!p0 [sflag:s14], $0x1F40  }
0x1f: {  	s16 =	sadd.s32 $0x1, s12;
	s13 =	smov.u32 s11;
	[sflag:s14] =	ssyncset.done @!p0 $0x0  }
0x20: {  	s12 =	smov.u32 s16;
	s11 =	smov.u32 s15;
	[sflag:s14] =	ssyncadd.s32 @!p0 $0xFFFFE0C0  }
.LBB2_1:
0x21: {  	p0 =	sge.u32 s12, s7  }
0x22: {  	s14 =	sxor.u32 @!p0 $0x1, s12  }
0x23: {  	s14 =	smul.u32 @!p0 $0x7D00, s14  }
0x24: {  	s31 =	sadd.s32 $0xFFFFFFFF, s12;
	s15 =	sshrl.u32 @!p0 s11, $0x3  }
0x25: {  	s16 =	sand.u32 @!p0 $0x7, s11;
	s15 =	sadd.s32 @!p0 s3, s15;
	s14 =	sshra.s32 @!p0 s14, $0x2  }
0x26: {  	[tilespmem:s14], [sflag:$0x2] =	stream.linear.gather @!p0 [hbm4b:s15+s16], $0x1F40, $0x38;
	[tilespmem:$0x7D00] =	vst v63  }
0x27: {  	p0 =	sge.u32 s31, s7  }
.Ltmp2:
0x28: {  	_ = 	snop;
	(pc) =	sbr.rel @p0 .LBB2_5-.Ltmp2, $1  }
0x29: {  	_ =	sdelay $0x3  }
0x2a: {  	s14 =	sand.u32 $0x1, s12  }
0x2b: {  	_ =	swait.ge [sflag:s6], $0x1F40;
	p0 =	seq.s32 s14, $0x1;
	s14 =	simm.s32 $0x1F40  }
0x2c: {  	[sflag:s6] =	ssyncset.done $0x0;
	s14 =	simm.s32 @!p0 $0x0  }
0x2d: {  	[sflag:s6] =	ssyncadd.s32 $0xFFFFE0C0;
	(ifvalue) =	ssetifvalue $0x7FFFFFFF;
	v0 =	vld.msk [tilespmem:s14+$0x0 ss:$0x1], $0xffff;
	_ =	sdelay $0x4  }
0x2e: {  	s15 =	sadd.s32 $0x10, s14;
	vm1 =	vgt.s32 v0, $0x0  }
0x2f: {  	v2 =	vld.msk [tilespmem:s15+$0x0 ss:$0x1], $0xffff;
	v1 =	vnsel vm1, $0x0, v0  }
0x30: {  	v1 =	vmin.u32 v1, $0x4E1FF;
	_ =	sdelay $0x2  }
0x31: {  	s17 =	simm.s32 $0x20;
	s14 =	sadd.s32 $0x3E80, s14;
	s16 =	sadd.s32 $0x10, s15  }
0x32: {  	s15 =	sadd.s32 $0x10, s14;
	s18 =	smov.u32 s14;
	v0 =	vld.msk [tilespmem:s16+$0x0 ss:$0x1], $0xffff;
	vm1 =	vgt.s32 v2, $0x0;
	(ifvalue) =	ssetifvalue $0x7FFFFFFF  }
.LBB2_3:
0x33: {  	[tilespmem:s18], [sflag:$0x1] =	stream.indirect_vreg.gather [hbm4b:s2+s10], $0x1, v1, vm0, $0x4038;
	[tilespmem:$0x7D00] =	vst v63  }
0x34: {  	s17 =	sadd.s32 $0x10, s17  }
0x35: {  	v2 =	vnsel vm1, $0x0, v2;
	p0 =	slt.u32 s17, $0x1F30  }
.Ltmp3:
0x36: {  	s18 =	smov.u32 s15;
	v1 =	vmin.u32 v2, $0x4E1FF;
	(pc) =	sbr.rel @p0 .LBB2_3-.Ltmp3, $3  }
0x37: {  	_ =	sdelay $0x1  }
0x38: {  	s16 =	sadd.s32 $0x10, s16  }
0x39: {  	vm1 =	vgt.s32 v0, $0x0;
	s15 =	sadd.s32 $0x10, s15;
	v2 =	vmov v0;
	(ifvalue) =	ssetifvalue $0x7FFFFFFF;
	v0 =	vld.msk [tilespmem:s16+$0x0 ss:$0x1], $0xffff  }
.Ltmp4:
0x3a: {  	_ = 	snop;
	(pc) =	sbr.rel .LBB2_4-.Ltmp4, $1  }
0x3b: {  	_ =	sdelay $0x3  }
.LBB2_6:
0x3c: {  	_ =	sfence.sel $0x180000  }
0x3d: {  	s2 =	simm.s32 $0x2;
	[bflag:$0x0] =	sbarrier.arrive $0xFFFF  }
0x3e: {  	s30 =	simm.s32 $0x3;
	[sflag:s2] =	ssyncpa.u1 $0x1  }
0x3f: {  	s31 =	simm.s32 $0x1;
	[sflag:s30] =	ssyncpa.u1 $0x1  }
0x40: {  	[sflag:s31] =	ssyncpa.u1 $0x1  }
0x41: {  	p0 =	sne.s32 s1, $0x0;
	_ =	strace $0x9000004A  }
0x42: {  	s0 =	sadd.s32 @!p0 $0x100000, s0;
	[bflag:$0x2] =	sbarrier.arrive $0xFFFF  }
0x43: {  	[sflag:s0] =	ssyncadd.tile.s32 @!p0 $0x1;
	_ =	shalt  }
.Lfunc_end2:
_tile_overlayer_lowered:
.L_overlay_start_2:
0x44: {  	(tag) =	ssettag $0x2  }
0x45: {  	s0 =	rddreg [dreg:$0x0];
	s2 =	stileid.u32  }
0x46: {  	s1 =	rddreg [dreg:$0x1];
	p0 =	sne.s32 s2, $0x0  }
0x47: {  	s3 =	rddreg [dreg:$0x2];
	[bflag:$0x3] =	sbarrier.arrive $0xFFFF;
	s2 =	simm.s32 @!p0 $0x1C01  }
0x48: {  	[timem:s3], [sflag:s2] =	dma.local @!p0 [hbm:s0], s1  }
0x49: {  	s0 =	simm.s32 @!p0 $0x1  }
0x4a: {  	_ =	swait.ge @!p0 [sflag:s0], s1  }
0x4b: {  	s1 =	ssub.s32 @!p0 $0x0, s1;
	[sflag:s0] =	ssyncset.done @!p0 $0x0  }
0x4c: {  	[sflag:s0] =	ssyncadd.s32 @!p0 s1  }
0x4d: {  	[bflag:$0x3] =	sbarrier.arrive $0xFFFF  }
0x4e: {  	_ =	shalt  }

</sc_bundles>
